<compile_context>
chip_gen: v7x
topology: tpu7x:2x2x1
jax: 0.10.2.dev20260603
libtpu: 0.0.44.dev20260713+nightly
codegen_flags: <defaults>
</compile_context>

<pallas_src>
import functools

import jax
import jax.numpy as jnp
from jax import lax
from jax.experimental import pallas as pl
from jax.experimental.pallas import tpu as pltpu
from jax.experimental.pallas import tpu_sc as plsc

N_SRC = 10000
N_DST = 10000
E = 320000
C = 128

NC = 2
NS = 16
NW = NC * NS

CHUNK = 128
NCHUNKS = E // CHUNK
BASE = NCHUNKS // NW
REM = NCHUNKS % NW
N_DST_PAD = 10112
ROWS_PER_TILE = N_DST_PAD // NS

_mesh = plsc.VectorSubcoreMesh(core_axis_name="c", subcore_axis_name="s")


def _worker_range():
    w = lax.axis_index("s") * NC + lax.axis_index("c")
    lo = w * BASE + jnp.minimum(w, REM)
    n = BASE + jnp.where(w < REM, 1, 0)
    return lo, n


@functools.partial(
    pl.kernel,
    out_type=jax.ShapeDtypeStruct((NCHUNKS, CHUNK, C), jnp.float32),
    mesh=_mesh,
    scratch_types=[
        pltpu.VMEM((2, CHUNK), jnp.int32),
        pltpu.VMEM((2, CHUNK), jnp.int32),
        pltpu.VMEM((2, CHUNK), jnp.int32),
        pltpu.VMEM((CHUNK, C), jnp.float32),
        pltpu.VMEM((CHUNK, C), jnp.float32),
        pltpu.VMEM((CHUNK, C), jnp.float32),
        pltpu.VMEM((CHUNK, C), jnp.float32),
        pltpu.VMEM((CHUNK, C), jnp.float32),
        pltpu.VMEM((CHUNK, C), jnp.float32),
        pltpu.SemaphoreType.DMA,
        pltpu.SemaphoreType.DMA,
        pltpu.SemaphoreType.DMA,
        pltpu.SemaphoreType.DMA,
        pltpu.SemaphoreType.DMA,
        pltpu.SemaphoreType.DMA,
    ],
)
def _sc_gather(pd_hbm, ps_hbm, ei_hbm, out_hbm,
               ix0, ix1, ix2, ra0, rb0, ra1, rb1, ra2, rb2,
               sem0, sem1, sem2, semw0, semw1, semw2):
    lo, n = _worker_range()
    bufs = ((ix0, ra0, rb0, sem0, semw0),
            (ix1, ra1, rb1, sem1, semw1),
            (ix2, ra2, rb2, sem2, semw2))

    def issue(i, ix, ra, rb, sem, semw):
        pltpu.sync_copy(ei_hbm.at[:, pl.ds((lo + i) * CHUNK, CHUNK)], ix)
        pltpu.async_copy(pd_hbm.at[ix.at[1]], ra, sem)
        pltpu.async_copy(ps_hbm.at[ix.at[0]], rb, sem)

    def drain_gather(b):
        ix, ra, rb, sem, semw = bufs[b]
        pltpu.make_async_copy(pd_hbm.at[ix.at[1]], ra, sem).wait()
        pltpu.make_async_copy(ps_hbm.at[ix.at[0]], rb, sem).wait()

    def drain_write(b):
        ix, ra, rb, sem, semw = bufs[b]
        pltpu.make_async_copy(rb, out_hbm.at[lo], semw).wait()

    issue(0, *bufs[0])
    issue(1, *bufs[1])

    def triple(k, carry):
        for b in (0, 1, 2):
            i = 3 * k + b

            @pl.when(i < n)
            def _():
                ix, ra, rb, sem, semw = bufs[b]
                drain_gather(b)

                def add_rows(r, c2):
                    for rr in (0, 1):
                        for cc in range(C // 16):
                            sl = pl.ds(cc * 16, 16)
                            rb[2 * r + rr, sl] = (ra[2 * r + rr, sl]
                                                  + rb[2 * r + rr, sl])
                    return c2

                lax.fori_loop(0, CHUNK // 2, add_rows, 0)
                pltpu.async_copy(rb, out_hbm.at[lo + i], semw)

                @pl.when(i + 2 < n)
                def _():
                    b2 = (b + 2) % 3
                    if b == 0:
                        @pl.when(k > 0)
                        def _():
                            drain_write(b2)
                    else:
                        drain_write(b2)
                    issue(i + 2, *bufs[b2])

        return carry

    lax.fori_loop(0, (BASE + 4) // 3, triple, 0)
    drain_write(0)
    drain_write(1)
    drain_write(2)


@functools.partial(
    pl.kernel,
    out_type=jax.ShapeDtypeStruct((NC, N_DST_PAD, C), jnp.float32),
    mesh=_mesh,
    scratch_types=[
        pltpu.VMEM((CHUNK,), jnp.int32),
        pltpu.VMEM((CHUNK,), jnp.int32),
        pltpu.VMEM((CHUNK,), jnp.int32),
        pltpu.VMEM((CHUNK, C), jnp.float32),
        pltpu.VMEM((CHUNK, C), jnp.float32),
        pltpu.VMEM((CHUNK, C), jnp.float32),
        pltpu.VMEM_SHARED((N_DST_PAD, C), jnp.float32),
        pltpu.SemaphoreType.DMA,
        pltpu.SemaphoreType.DMA,
        pltpu.SemaphoreType.DMA,
        pltpu.SemaphoreType.DMA,
        pltpu.SemaphoreType.DMA,
        pltpu.SemaphoreType.DMA,
    ],
)
def _sc_scatter(en_hbm, dsti_hbm, zeros_hbm, out_hbm,
                di0, di1, di2, rows0, rows1, rows2, acc_sh,
                semi0, semi1, semi2, semsc0, semsc1, semsc2):
    c = lax.axis_index("c")
    s = lax.axis_index("s")
    w = s * NC + c
    lo = w * BASE + jnp.minimum(w, REM)
    n = BASE + jnp.where(w < REM, 1, 0)
    bufs = ((di0, rows0, semi0, semsc0),
            (di1, rows1, semi1, semsc1),
            (di2, rows2, semi2, semsc2))

    row_sl = pl.ds(s * ROWS_PER_TILE, ROWS_PER_TILE)
    pltpu.sync_copy(zeros_hbm.at[row_sl], acc_sh.at[row_sl])
    plsc.subcore_barrier()

    def issue(i, di, rows, semi, semsc):
        pltpu.sync_copy(dsti_hbm.at[pl.ds((lo + i) * CHUNK, CHUNK)], di)
        pltpu.async_copy(en_hbm.at[lo + i], rows, semi)

    def drain_sc(b):
        di, rows, semi, semsc = bufs[b]
        pltpu.make_async_copy(rows, acc_sh.at[di], semsc).wait()

    issue(0, *bufs[0])
    issue(1, *bufs[1])

    def triple(k, carry):
        for b in (0, 1, 2):
            i = 3 * k + b

            @pl.when(i < n)
            def _():
                di, rows, semi, semsc = bufs[b]
                pltpu.make_async_copy(en_hbm.at[lo + i], rows, semi).wait()
                pltpu.async_copy(rows, acc_sh.at[di], semsc, add=True)

                @pl.when(i + 2 < n)
                def _():
                    b2 = (b + 2) % 3
                    if b == 0:
                        @pl.when(k > 0)
                        def _():
                            drain_sc(b2)
                    else:
                        drain_sc(b2)
                    issue(i + 2, *bufs[b2])

        return carry

    lax.fori_loop(0, (BASE + 4) // 3, triple, 0)
    drain_sc(0)
    drain_sc(1)
    drain_sc(2)
    plsc.subcore_barrier()
    pltpu.sync_copy(acc_sh.at[row_sl], out_hbm.at[c, row_sl])


def _layer_norm(h, scale, bias, eps=1e-5):
    mu = jnp.mean(h, axis=-1, keepdims=True)
    xc = h - mu
    var = jnp.mean(xc * xc, axis=-1, keepdims=True)
    return xc * lax.rsqrt(var + eps) * scale + bias


def _tc_pre_body(xs_ref, xd_ref, w1i_ref, w1j_ref, b1_ref,
                 nw1_ref, nb1_ref, nw2_ref, nb2_ref, lns_ref, lnb_ref,
                 pd_ref, ps_ref, ns_ref):
    xs = xs_ref[...]
    xd = xd_ref[...]
    f32 = jnp.float32
    pd_ref[...] = jnp.dot(xd, w1i_ref[...], preferred_element_type=f32) + b1_ref[...]
    ps_ref[...] = jnp.dot(xs, w1j_ref[...], preferred_element_type=f32)
    nw1s = nw1_ref[0:C, :] + nw1_ref[C:2 * C, :]
    h = jax.nn.silu(jnp.dot(xs, nw1s, preferred_element_type=f32) + nb1_ref[...])
    h2 = jnp.dot(h, nw2_ref[...], preferred_element_type=f32) + nb2_ref[...]
    ns_ref[...] = _layer_norm(h2, lns_ref[...], lnb_ref[...]) + xs


def _tc_edge_body(hp_ref, ea_ref, w1e_ref, w2_ref, b2_ref,
                  lns_ref, lnb_ref, out_ref):
    f32 = jnp.float32
    ea = ea_ref[...]
    h1 = hp_ref[...] + jnp.dot(ea, w1e_ref[...], preferred_element_type=f32)
    h = jax.nn.silu(h1)
    e2 = jnp.dot(h, w2_ref[...], preferred_element_type=f32) + b2_ref[...]
    out_ref[...] = _layer_norm(e2, lns_ref[...], lnb_ref[...]) + ea


def _tc_post_body(xd_ref, p0_ref, p1_ref, nw1_ref, nb1_ref, nw2_ref, nb2_ref,
                  lns_ref, lnb_ref, nd_ref):
    f32 = jnp.float32
    xd = xd_ref[...]
    agg = p0_ref[...] + p1_ref[...]
    h = jnp.dot(xd, nw1_ref[0:C, :], preferred_element_type=f32)
    h = h + jnp.dot(agg, nw1_ref[C:2 * C, :], preferred_element_type=f32)
    h = jax.nn.silu(h + nb1_ref[...])
    h2 = jnp.dot(h, nw2_ref[...], preferred_element_type=f32) + nb2_ref[...]
    nd_ref[...] = _layer_norm(h2, lns_ref[...], lnb_ref[...]) + xd


EBLK = 8000


def kernel(x_src, x_dst, edge_attr, edge_index,
           edge_W1, edge_b1, edge_W2, edge_b2, edge_ln_s, edge_ln_b,
           node_W1, node_b1, node_W2, node_b2, node_ln_s, node_ln_b):
    f32 = jnp.float32
    dst = edge_index[1]
    w1i = edge_W1[0:C, :]
    w1j = edge_W1[C:2 * C, :]
    w1e = edge_W1[2 * C:3 * C, :]
    b1 = edge_b1.reshape(1, C)
    b2 = edge_b2.reshape(1, C)
    elns = edge_ln_s.reshape(1, C)
    elnb = edge_ln_b.reshape(1, C)
    nb1 = node_b1.reshape(1, C)
    nb2 = node_b2.reshape(1, C)
    nlns = node_ln_s.reshape(1, C)
    nlnb = node_ln_b.reshape(1, C)

    full = lambda shape: pl.BlockSpec(shape, lambda: (0,) * len(shape))
    p_dst, p_src, nodes_new_src = pl.pallas_call(
        _tc_pre_body,
        out_shape=[
            jax.ShapeDtypeStruct((N_DST, C), f32),
            jax.ShapeDtypeStruct((N_SRC, C), f32),
            jax.ShapeDtypeStruct((N_SRC, C), f32),
        ],
        in_specs=[full((N_SRC, C)), full((N_DST, C)),
                  full((C, C)), full((C, C)), full((1, C)),
                  full((2 * C, C)), full((1, C)), full((C, C)), full((1, C)),
                  full((1, C)), full((1, C))],
        out_specs=[full((N_DST, C)), full((N_SRC, C)), full((N_SRC, C))],
    )(x_src, x_dst, w1i, w1j, b1,
      node_W1, nb1, node_W2, nb2, nlns, nlnb)

    h_pre = _sc_gather(p_dst, p_src, edge_index)

    h_pre2 = h_pre.reshape(E, C)
    eblk = lambda: pl.BlockSpec((EBLK, C), lambda i: (i, 0))
    wfull = lambda shape: pl.BlockSpec(shape, lambda i: (0,) * len(shape))
    edges_new = pl.pallas_call(
        _tc_edge_body,
        grid=(E // EBLK,),
        out_shape=jax.ShapeDtypeStruct((E, C), f32),
        in_specs=[eblk(), eblk(), wfull((C, C)), wfull((C, C)),
                  wfull((1, C)), wfull((1, C)), wfull((1, C))],
        out_specs=eblk(),
    )(h_pre2, edge_attr, w1e, edge_W2, b2, elns, elnb)

    zeros = jnp.zeros((N_DST_PAD, C), f32)
    partials = _sc_scatter(edges_new.reshape(NCHUNKS, CHUNK, C), dst, zeros)

    nodes_new_dst = pl.pallas_call(
        _tc_post_body,
        out_shape=jax.ShapeDtypeStruct((N_DST, C), f32),
        in_specs=[full((N_DST, C)), full((N_DST, C)), full((N_DST, C)),
                  full((2 * C, C)), full((1, C)), full((C, C)), full((1, C)),
                  full((1, C)), full((1, C))],
        out_specs=full((N_DST, C)),
    )(x_dst, partials[0, :N_DST], partials[1, :N_DST],
      node_W1, nb1, node_W2, nb2, nlns, nlnb)

    return (nodes_new_src, nodes_new_dst, edges_new)

# --- scband reference (transcript-rebuilt; emitter-appended) ---
"""Pipeline reference for scband-graph-conv-mapper-block-27152783245687 (READ-ONLY COPY).

The authoritative reference and input builder live on the scoring server;
editing this copy changes nothing except your own understanding.
"""

import jax, jax.numpy as jnp
import numpy as np

N_SRC = 10000
N_DST = 10000
E = 320000
C = 128


def _layer_norm(h, scale, bias, eps=1e-5):
    mu = jnp.mean(h, axis=-1, keepdims=True)
    var = jnp.var(h, axis=-1, keepdims=True)
    return (h - mu) * jax.lax.rsqrt(var + eps) * scale + bias


def _mlp(h, W1, b1, W2, b2, ln_s, ln_b):
    # anemoi MLP: Linear(in, hidden) -> SiLU -> Linear(hidden, out) -> LayerNorm
    h = jax.nn.silu(h @ W1 + b1)
    h = h @ W2 + b2
    return _layer_norm(h, ln_s, ln_b)


def setup_inputs(seed: int = 0) -> dict:
    key = jax.random.key(seed)
    ks = jax.random.split(key, 12)
    s = 0.02
    inp = {
        "x_src": jax.random.normal(ks[0], (N_SRC, C), dtype=jnp.float32),
        "x_dst": jax.random.normal(ks[1], (N_DST, C), dtype=jnp.float32),
        "edge_attr": jax.random.normal(ks[2], (E, C), dtype=jnp.float32),
        "edge_index": jax.random.randint(ks[3], (2, E), 0, N_SRC).astype(jnp.int32),
        # GraphConv edge MLP: in_features = 3*C (x_i, x_j, edge_attr), hidden=C, out=C
        "edge_W1": jax.random.normal(ks[4], (3 * C, C), dtype=jnp.float32) * s,
        "edge_b1": jnp.zeros((C,), dtype=jnp.float32),
        "edge_W2": jax.random.normal(ks[5], (C, C), dtype=jnp.float32) * s,
        "edge_b2": jnp.zeros((C,), dtype=jnp.float32),
        "edge_ln_s": jnp.ones((C,), dtype=jnp.float32),
        "edge_ln_b": jnp.zeros((C,), dtype=jnp.float32),
        # node MLP: in_features = 2*C, hidden=C, out=C
        "node_W1": jax.random.normal(ks[6], (2 * C, C), dtype=jnp.float32) * s,
        "node_b1": jnp.zeros((C,), dtype=jnp.float32),
        "node_W2": jax.random.normal(ks[7], (C, C), dtype=jnp.float32) * s,
        "node_b2": jnp.zeros((C,), dtype=jnp.float32),
        "node_ln_s": jnp.ones((C,), dtype=jnp.float32),
        "node_ln_b": jnp.zeros((C,), dtype=jnp.float32),
    }
    return inp


def reference(x_src, x_dst, edge_attr, edge_index,
              edge_W1, edge_b1, edge_W2, edge_b2, edge_ln_s, edge_ln_b,
              node_W1, node_b1, node_W2, node_b2, node_ln_s, node_ln_b):
    # GraphConvMapperBlock.forward with num_chunks=1, update_src_nodes=True,
    # single device (sync/shard are identity).
    src = edge_index[0]
    dst = edge_index[1]
    # PyG convention: x_j = source node features, x_i = target (dst) node features
    x_j = jnp.take(x_src, src, axis=0)
    x_i = jnp.take(x_dst, dst, axis=0)
    msg = jnp.concatenate([x_i, x_j, edge_attr], axis=1)
    edges_new = _mlp(msg, edge_W1, edge_b1, edge_W2, edge_b2, edge_ln_s, edge_ln_b) + edge_attr
    # aggregate: scatter-add of edge messages onto dst nodes
    out = jax.ops.segment_sum(edges_new, dst, num_segments=N_DST)
    nodes_new_dst = _mlp(jnp.concatenate([x_dst, out], axis=1),
                         node_W1, node_b1, node_W2, node_b2, node_ln_s, node_ln_b) + x_dst
    nodes_new_src = _mlp(jnp.concatenate([x_src, x_src], axis=1),
                         node_W1, node_b1, node_W2, node_b2, node_ln_s, node_ln_b) + x_src
    return (nodes_new_src, nodes_new_dst, edges_new)

if __name__ == "__main__":
    import jax
    _d = setup_inputs()
    print(jax.jit(kernel)(*tuple(_d.values())))

</pallas_src>

<mosaic_0001>
#map = affine_map<(d0, d1) -> (0, 0)>
#map1 = affine_map<(d0, d1) -> (0, 0, 0)>
module attributes {stable_mosaic.version = 14 : i64} {
  func.func @_sc_gather(%arg0: i32, %arg1: i32, %arg2: memref<10000x128xf32, #tpu.memory_space<hbm>>, %arg3: memref<10000x128xf32, #tpu.memory_space<hbm>>, %arg4: memref<2x320000xi32, #tpu.memory_space<hbm>>, %arg5: memref<2500x128x128xf32, #tpu.memory_space<hbm>>, %arg6: memref<2x128xi32, #tpu.memory_space<vmem>>, %arg7: memref<2x128xi32, #tpu.memory_space<vmem>>, %arg8: memref<2x128xi32, #tpu.memory_space<vmem>>, %arg9: memref<128x128xf32, #tpu.memory_space<vmem>>, %arg10: memref<128x128xf32, #tpu.memory_space<vmem>>, %arg11: memref<128x128xf32, #tpu.memory_space<vmem>>, %arg12: memref<128x128xf32, #tpu.memory_space<vmem>>, %arg13: memref<128x128xf32, #tpu.memory_space<vmem>>, %arg14: memref<128x128xf32, #tpu.memory_space<vmem>>, %arg15: memref<!tpu.dma_semaphore, #tpu.memory_space<semaphore_mem>>, %arg16: memref<!tpu.dma_semaphore, #tpu.memory_space<semaphore_mem>>, %arg17: memref<!tpu.dma_semaphore, #tpu.memory_space<semaphore_mem>>, %arg18: memref<!tpu.dma_semaphore, #tpu.memory_space<semaphore_mem>>, %arg19: memref<!tpu.dma_semaphore, #tpu.memory_space<semaphore_mem>>, %arg20: memref<!tpu.dma_semaphore, #tpu.memory_space<semaphore_mem>>) attributes {dimension_semantics = [#tpu.dimension_semantics<core_parallel>, #tpu.dimension_semantics<subcore_parallel>], iteration_bounds = array<i64: 2, 16>, scalar_prefetch = 0 : i64, scratch_operands = 15 : i64, tpu.core_type = #tpu.core_type<sc_vector_subcore>, window_params = [{transform_indices = #map}, {transform_indices = #map}, {transform_indices = #map}, {transform_indices = #map1}]} {
    %mul3A = arith.constant 2 : i32
    %mul3A_0 = arith.muli %arg1, %mul3A : i32
    %add3A = arith.addi %mul3A_0, %arg0 : i32
    %mul3A_1 = arith.constant 78 : i32
    %mul3A_2 = arith.muli %add3A, %mul3A_1 : i32
    %min3A = arith.constant 4 : i32
    %min3A_3 = arith.minsi %add3A, %min3A : i32
    %add3A_4 = arith.addi %mul3A_2, %min3A_3 : i32
    %lt3A = arith.constant 4 : i32
    %lt3A_5 = arith.cmpi slt, %add3A, %lt3A : i32
    %jit3A = arith.constant 1 : i32
    %jit3A_6 = arith.constant 0 : i32
    %select_n3A = arith.select %lt3A_5, %jit3A, %jit3A_6 : i32
    %add3A_7 = arith.constant 78 : i32
    %add3A_8 = arith.addi %add3A_7, %select_n3A : i32
    %add3A_9 = arith.constant 0 : i32
    %add3A_10 = arith.addi %add3A_4, %add3A_9 : i32
    %mul3A_11 = arith.constant 128 : i32
    %mul3A_12 = arith.muli %add3A_10, %mul3A_11 : i32
    "tpu.region"() ({
      %run_scoped3A = tpu.sem_alloc : memref<!tpu.dma_semaphore, #tpu.memory_space<semaphore_mem>>
      %dma_start3A_72 = arith.constant 0 : i32
      %dma_start3A_73 = tpu.memref_slice %arg4[%dma_start3A_72, %mul3A_12] : memref<2x320000xi32, #tpu.memory_space<hbm>> -> memref<2x128xi32, #tpu.memory_space<hbm>>
      %dma_start3A_74 = arith.constant 0 : i32
      %dma_start3A_75 = tpu.memref_slice %arg4[%dma_start3A_74, %mul3A_12] : memref<2x320000xi32, #tpu.memory_space<hbm>> -> memref<2x128xi32, #tpu.memory_space<hbm>>
      tpu.enqueue_dma source(%dma_start3A_75 : memref<2x128xi32, #tpu.memory_space<hbm>>) target(%arg6 : memref<2x128xi32, #tpu.memory_space<vmem>>) target_semaphore(%run_scoped3A : memref<!tpu.dma_semaphore, #tpu.memory_space<semaphore_mem>>)
      %dma_wait3A_76 = arith.constant 0 : i32
      %dma_wait3A_77 = tpu.memref_slice %arg4[%dma_wait3A_76, %mul3A_12] : memref<2x320000xi32, #tpu.memory_space<hbm>> -> memref<2x128xi32, #tpu.memory_space<hbm>>
      %dma_wait3A_78 = arith.constant 0 : i32
      %dma_wait3A_79 = tpu.memref_slice %arg4[%dma_wait3A_78, %mul3A_12] : memref<2x320000xi32, #tpu.memory_space<hbm>> -> memref<2x128xi32, #tpu.memory_space<hbm>>
      tpu.wait_dma2 semaphore(%run_scoped3A : memref<!tpu.dma_semaphore, #tpu.memory_space<semaphore_mem>>) src(%dma_wait3A_79 : memref<2x128xi32, #tpu.memory_space<hbm>>) dst(%arg6 : memref<2x128xi32, #tpu.memory_space<vmem>>)
      tpu.yield
    }) : () -> ()
    %dma_start3A = arith.constant 1 : i32
    %dma_start3A_13 = arith.constant 0 : i32
    %dma_start3A_14 = tpu.memref_slice %arg6[%dma_start3A, %dma_start3A_13] : memref<2x128xi32, #tpu.memory_space<vmem>> -> memref<1x128xi32, #tpu.memory_space<vmem>>
    %dma_start3A_15 = tpu.memref_squeeze %dma_start3A_14 : memref<1x128xi32, #tpu.memory_space<vmem>> -> memref<128xi32, #tpu.memory_space<vmem>>
    %dma_start3A_16 = arith.constant 0 : i32
    %dma_start3A_17 = arith.constant 0 : i32
    %dma_start3A_18 = tpu.memref_slice %arg2[%dma_start3A_16, %dma_start3A_17] : memref<10000x128xf32, #tpu.memory_space<hbm>> -> memref<10000x128xf32, #tpu.memory_space<hbm>>
    tpu.enqueue_indirect_dma source(%dma_start3A_18 : memref<10000x128xf32, #tpu.memory_space<hbm>>) target(%arg9 : memref<128x128xf32, #tpu.memory_space<vmem>>) offsets(%dma_start3A_15 : memref<128xi32, #tpu.memory_space<vmem>>) semaphore(%arg15 : memref<!tpu.dma_semaphore, #tpu.memory_space<semaphore_mem>>)
    %dma_start3A_19 = arith.constant 0 : i32
    %dma_start3A_20 = arith.constant 0 : i32
    %dma_start3A_21 = tpu.memref_slice %arg6[%dma_start3A_19, %dma_start3A_20] : memref<2x128xi32, #tpu.memory_space<vmem>> -> memref<1x128xi32, #tpu.memory_space<vmem>>
    %dma_start3A_22 = tpu.memref_squeeze %dma_start3A_21 : memref<1x128xi32, #tpu.memory_space<vmem>> -> memref<128xi32, #tpu.memory_space<vmem>>
    %dma_start3A_23 = arith.constant 0 : i32
    %dma_start3A_24 = arith.constant 0 : i32
    %dma_start3A_25 = tpu.memref_slice %arg3[%dma_start3A_23, %dma_start3A_24] : memref<10000x128xf32, #tpu.memory_space<hbm>> -> memref<10000x128xf32, #tpu.memory_space<hbm>>
    tpu.enqueue_indirect_dma source(%dma_start3A_25 : memref<10000x128xf32, #tpu.memory_space<hbm>>) target(%arg10 : memref<128x128xf32, #tpu.memory_space<vmem>>) offsets(%dma_start3A_22 : memref<128xi32, #tpu.memory_space<vmem>>) semaphore(%arg15 : memref<!tpu.dma_semaphore, #tpu.memory_space<semaphore_mem>>)
    %add3A_26 = arith.constant 1 : i32
    %add3A_27 = arith.addi %add3A_4, %add3A_26 : i32
    %mul3A_28 = arith.constant 128 : i32
    %mul3A_29 = arith.muli %add3A_27, %mul3A_28 : i32
    "tpu.region"() ({
      %run_scoped3A = tpu.sem_alloc : memref<!tpu.dma_semaphore, #tpu.memory_space<semaphore_mem>>
      %dma_start3A_72 = arith.constant 0 : i32
      %dma_start3A_73 = tpu.memref_slice %arg4[%dma_start3A_72, %mul3A_29] : memref<2x320000xi32, #tpu.memory_space<hbm>> -> memref<2x128xi32, #tpu.memory_space<hbm>>
      %dma_start3A_74 = arith.constant 0 : i32
      %dma_start3A_75 = tpu.memref_slice %arg4[%dma_start3A_74, %mul3A_29] : memref<2x320000xi32, #tpu.memory_space<hbm>> -> memref<2x128xi32, #tpu.memory_space<hbm>>
      tpu.enqueue_dma source(%dma_start3A_75 : memref<2x128xi32, #tpu.memory_space<hbm>>) target(%arg7 : memref<2x128xi32, #tpu.memory_space<vmem>>) target_semaphore(%run_scoped3A : memref<!tpu.dma_semaphore, #tpu.memory_space<semaphore_mem>>)
      %dma_wait3A_76 = arith.constant 0 : i32
      %dma_wait3A_77 = tpu.memref_slice %arg4[%dma_wait3A_76, %mul3A_29] : memref<2x320000xi32, #tpu.memory_space<hbm>> -> memref<2x128xi32, #tpu.memory_space<hbm>>
      %dma_wait3A_78 = arith.constant 0 : i32
      %dma_wait3A_79 = tpu.memref_slice %arg4[%dma_wait3A_78, %mul3A_29] : memref<2x320000xi32, #tpu.memory_space<hbm>> -> memref<2x128xi32, #tpu.memory_space<hbm>>
      tpu.wait_dma2 semaphore(%run_scoped3A : memref<!tpu.dma_semaphore, #tpu.memory_space<semaphore_mem>>) src(%dma_wait3A_79 : memref<2x128xi32, #tpu.memory_space<hbm>>) dst(%arg7 : memref<2x128xi32, #tpu.memory_space<vmem>>)
      tpu.yield
    }) : () -> ()
    %dma_start3A_30 = arith.constant 1 : i32
    %dma_start3A_31 = arith.constant 0 : i32
    %dma_start3A_32 = tpu.memref_slice %arg7[%dma_start3A_30, %dma_start3A_31] : memref<2x128xi32, #tpu.memory_space<vmem>> -> memref<1x128xi32, #tpu.memory_space<vmem>>
    %dma_start3A_33 = tpu.memref_squeeze %dma_start3A_32 : memref<1x128xi32, #tpu.memory_space<vmem>> -> memref<128xi32, #tpu.memory_space<vmem>>
    %dma_start3A_34 = arith.constant 0 : i32
    %dma_start3A_35 = arith.constant 0 : i32
    %dma_start3A_36 = tpu.memref_slice %arg2[%dma_start3A_34, %dma_start3A_35] : memref<10000x128xf32, #tpu.memory_space<hbm>> -> memref<10000x128xf32, #tpu.memory_space<hbm>>
    tpu.enqueue_indirect_dma source(%dma_start3A_36 : memref<10000x128xf32, #tpu.memory_space<hbm>>) target(%arg11 : memref<128x128xf32, #tpu.memory_space<vmem>>) offsets(%dma_start3A_33 : memref<128xi32, #tpu.memory_space<vmem>>) semaphore(%arg16 : memref<!tpu.dma_semaphore, #tpu.memory_space<semaphore_mem>>)
    %dma_start3A_37 = arith.constant 0 : i32
    %dma_start3A_38 = arith.constant 0 : i32
    %dma_start3A_39 = tpu.memref_slice %arg7[%dma_start3A_37, %dma_start3A_38] : memref<2x128xi32, #tpu.memory_space<vmem>> -> memref<1x128xi32, #tpu.memory_space<vmem>>
    %dma_start3A_40 = tpu.memref_squeeze %dma_start3A_39 : memref<1x128xi32, #tpu.memory_space<vmem>> -> memref<128xi32, #tpu.memory_space<vmem>>
    %dma_start3A_41 = arith.constant 0 : i32
    %dma_start3A_42 = arith.constant 0 : i32
    %dma_start3A_43 = tpu.memref_slice %arg3[%dma_start3A_41, %dma_start3A_42] : memref<10000x128xf32, #tpu.memory_space<hbm>> -> memref<10000x128xf32, #tpu.memory_space<hbm>>
    tpu.enqueue_indirect_dma source(%dma_start3A_43 : memref<10000x128xf32, #tpu.memory_space<hbm>>) target(%arg12 : memref<128x128xf32, #tpu.memory_space<vmem>>) offsets(%dma_start3A_40 : memref<128xi32, #tpu.memory_space<vmem>>) semaphore(%arg16 : memref<!tpu.dma_semaphore, #tpu.memory_space<semaphore_mem>>)
    %scan3A = arith.constant 0 : i32
    %scan3A_44 = arith.constant 0 : i32
    %scan3A_45 = arith.constant 27 : i32
    %scan3A_46 = arith.addi %scan3A_44, %scan3A_45 : i32
    %scan3A_47 = arith.constant 1 : i32
    scf.for %scan3A_72 = %scan3A_44 to %scan3A_46 step %scan3A_47  : i32 {
      %mul3A_73 = arith.constant 3 : i32
      %mul3A_74 = arith.muli %mul3A_73, %scan3A_72 : i32
      %add3A_75 = arith.constant 0 : i32
      %add3A_76 = arith.addi %mul3A_74, %add3A_75 : i32
      %lt3A_77 = arith.cmpi slt, %add3A_76, %add3A_8 : i32
      %convert_element_type3A = arith.extui %lt3A_77 : i1 to i32
      %cond3A = arith.constant 0 : i32
      %cond3A_78 = arith.cmpi ne, %convert_element_type3A, %cond3A : i32
      scf.if %cond3A_78 {
        %dma_wait3A_95 = arith.constant 1 : i32
        %dma_wait3A_96 = arith.constant 0 : i32
        %dma_wait3A_97 = tpu.memref_slice %arg6[%dma_wait3A_95, %dma_wait3A_96] : memref<2x128xi32, #tpu.memory_space<vmem>> -> memref<1x128xi32, #tpu.memory_space<vmem>>
        %dma_wait3A_98 = tpu.memref_squeeze %dma_wait3A_97 : memref<1x128xi32, #tpu.memory_space<vmem>> -> memref<128xi32, #tpu.memory_space<vmem>>
        %dma_wait3A_99 = arith.constant 0 : i32
        %dma_wait3A_100 = arith.constant 0 : i32
        %dma_wait3A_101 = tpu.memref_slice %arg2[%dma_wait3A_99, %dma_wait3A_100] : memref<10000x128xf32, #tpu.memory_space<hbm>> -> memref<10000x128xf32, #tpu.memory_space<hbm>>
        tpu.wait_indirect_dma semaphore(%arg15 : memref<!tpu.dma_semaphore, #tpu.memory_space<semaphore_mem>>) src(%dma_wait3A_101 : memref<10000x128xf32, #tpu.memory_space<hbm>>) dst(%arg9 : memref<128x128xf32, #tpu.memory_space<vmem>>)
        %dma_wait3A_102 = arith.constant 0 : i32
        %dma_wait3A_103 = arith.constant 0 : i32
        %dma_wait3A_104 = tpu.memref_slice %arg6[%dma_wait3A_102, %dma_wait3A_103] : memref<2x128xi32, #tpu.memory_space<vmem>> -> memref<1x128xi32, #tpu.memory_space<vmem>>
        %dma_wait3A_105 = tpu.memref_squeeze %dma_wait3A_104 : memref<1x128xi32, #tpu.memory_space<vmem>> -> memref<128xi32, #tpu.memory_space<vmem>>
        %dma_wait3A_106 = arith.constant 0 : i32
        %dma_wait3A_107 = arith.constant 0 : i32
        %dma_wait3A_108 = tpu.memref_slice %arg3[%dma_wait3A_106, %dma_wait3A_107] : memref<10000x128xf32, #tpu.memory_space<hbm>> -> memref<10000x128xf32, #tpu.memory_space<hbm>>
        tpu.wait_indirect_dma semaphore(%arg15 : memref<!tpu.dma_semaphore, #tpu.memory_space<semaphore_mem>>) src(%dma_wait3A_108 : memref<10000x128xf32, #tpu.memory_space<hbm>>) dst(%arg10 : memref<128x128xf32, #tpu.memory_space<vmem>>)
        %scan3A_109 = arith.constant 0 : i32
        %scan3A_110 = arith.constant 0 : i32
        %scan3A_111 = arith.constant 64 : i32
        %scan3A_112 = arith.addi %scan3A_110, %scan3A_111 : i32
        %scan3A_113 = arith.constant 1 : i32
        scf.for %scan3A_130 = %scan3A_110 to %scan3A_112 step %scan3A_113  : i32 {
          %mul3A_131 = arith.constant 2 : i32
          %mul3A_132 = arith.muli %mul3A_131, %scan3A_130 : i32
          %add3A_133 = arith.constant 0 : i32
          %add3A_134 = arith.addi %mul3A_132, %add3A_133 : i32
          %get3A = arith.index_cast %add3A_134 : i32 to index
          %get3A_135 = arith.constant 0 : index
          %get3A_136 = tpu.vector_load %arg9[%get3A, %get3A_135] {strides = array<i32>} : memref<128x128xf32, #tpu.memory_space<vmem>>, vector<1x16xf32>,
          %get3A_137 = vector.shape_cast %get3A_136 : vector<1x16xf32> to vector<16xf32>
          %mul3A_138 = arith.constant 2 : i32
          %mul3A_139 = arith.muli %mul3A_138, %scan3A_130 : i32
          %add3A_140 = arith.constant 0 : i32
          %add3A_141 = arith.addi %mul3A_139, %add3A_140 : i32
          %get3A_142 = arith.index_cast %add3A_141 : i32 to index
          %get3A_143 = arith.constant 0 : index
          %get3A_144 = tpu.vector_load %arg10[%get3A_142, %get3A_143] {strides = array<i32>} : memref<128x128xf32, #tpu.memory_space<vmem>>, vector<1x16xf32>,
          %get3A_145 = vector.shape_cast %get3A_144 : vector<1x16xf32> to vector<16xf32>
          %add3A_146 = arith.addf %get3A_137, %get3A_145 : vector<16xf32>
          %mul3A_147 = arith.constant 2 : i32
          %mul3A_148 = arith.muli %mul3A_147, %scan3A_130 : i32
          %add3A_149 = arith.constant 0 : i32
          %add3A_150 = arith.addi %mul3A_148, %add3A_149 : i32
          %swap3A = arith.index_cast %add3A_150 : i32 to index
          %swap3A_151 = arith.constant 0 : index
          %swap3A_152 = tpu.vector_load %arg10[%swap3A, %swap3A_151] {strides = array<i32>} : memref<128x128xf32, #tpu.memory_space<vmem>>, vector<1x16xf32>,
          %swap3A_153 = vector.shape_cast %swap3A_152 : vector<1x16xf32> to vector<16xf32>
          %swap3A_154 = vector.shape_cast %add3A_146 : vector<16xf32> to vector<1x16xf32>
          tpu.vector_store %arg10[%swap3A, %swap3A_151], %swap3A_154 {strides = array<i32>} : memref<128x128xf32, #tpu.memory_space<vmem>>, vector<1x16xf32>,
          %mul3A_155 = arith.constant 2 : i32
          %mul3A_156 = arith.muli %mul3A_155, %scan3A_130 : i32
          %add3A_157 = arith.constant 0 : i32
          %add3A_158 = arith.addi %mul3A_156, %add3A_157 : i32
          %get3A_159 = arith.index_cast %add3A_158 : i32 to index
          %get3A_160 = arith.constant 16 : index
          %get3A_161 = tpu.vector_load %arg9[%get3A_159, %get3A_160] {strides = array<i32>} : memref<128x128xf32, #tpu.memory_space<vmem>>, vector<1x16xf32>,
          %get3A_162 = vector.shape_cast %get3A_161 : vector<1x16xf32> to vector<16xf32>
          %mul3A_163 = arith.constant 2 : i32
          %mul3A_164 = arith.muli %mul3A_163, %scan3A_130 : i32
          %add3A_165 = arith.constant 0 : i32
          %add3A_166 = arith.addi %mul3A_164, %add3A_165 : i32
          %get3A_167 = arith.index_cast %add3A_166 : i32 to index
          %get3A_168 = arith.constant 16 : index
          %get3A_169 = tpu.vector_load %arg10[%get3A_167, %get3A_168] {strides = array<i32>} : memref<128x128xf32, #tpu.memory_space<vmem>>, vector<1x16xf32>,
          %get3A_170 = vector.shape_cast %get3A_169 : vector<1x16xf32> to vector<16xf32>
          %add3A_171 = arith.addf %get3A_162, %get3A_170 : vector<16xf32>
          %mul3A_172 = arith.constant 2 : i32
          %mul3A_173 = arith.muli %mul3A_172, %scan3A_130 : i32
          %add3A_174 = arith.constant 0 : i32
          %add3A_175 = arith.addi %mul3A_173, %add3A_174 : i32
          %swap3A_176 = arith.index_cast %add3A_175 : i32 to index
          %swap3A_177 = arith.constant 16 : index
          %swap3A_178 = tpu.vector_load %arg10[%swap3A_176, %swap3A_177] {strides = array<i32>} : memref<128x128xf32, #tpu.memory_space<vmem>>, vector<1x16xf32>,
          %swap3A_179 = vector.shape_cast %swap3A_178 : vector<1x16xf32> to vector<16xf32>
          %swap3A_180 = vector.shape_cast %add3A_171 : vector<16xf32> to vector<1x16xf32>
          tpu.vector_store %arg10[%swap3A_176, %swap3A_177], %swap3A_180 {strides = array<i32>} : memref<128x128xf32, #tpu.memory_space<vmem>>, vector<1x16xf32>,
          %mul3A_181 = arith.constant 2 : i32
          %mul3A_182 = arith.muli %mul3A_181, %scan3A_130 : i32
          %add3A_183 = arith.constant 0 : i32
          %add3A_184 = arith.addi %mul3A_182, %add3A_183 : i32
          %get3A_185 = arith.index_cast %add3A_184 : i32 to index
          %get3A_186 = arith.constant 32 : index
          %get3A_187 = tpu.vector_load %arg9[%get3A_185, %get3A_186] {strides = array<i32>} : memref<128x128xf32, #tpu.memory_space<vmem>>, vector<1x16xf32>,
          %get3A_188 = vector.shape_cast %get3A_187 : vector<1x16xf32> to vector<16xf32>
          %mul3A_189 = arith.constant 2 : i32
          %mul3A_190 = arith.muli %mul3A_189, %scan3A_130 : i32
          %add3A_191 = arith.constant 0 : i32
          %add3A_192 = arith.addi %mul3A_190, %add3A_191 : i32
          %get3A_193 = arith.index_cast %add3A_192 : i32 to index
          %get3A_194 = arith.constant 32 : index
          %get3A_195 = tpu.vector_load %arg10[%get3A_193, %get3A_194] {strides = array<i32>} : memref<128x128xf32, #tpu.memory_space<vmem>>, vector<1x16xf32>,
          %get3A_196 = vector.shape_cast %get3A_195 : vector<1x16xf32> to vector<16xf32>
          %add3A_197 = arith.addf %get3A_188, %get3A_196 : vector<16xf32>
          %mul3A_198 = arith.constant 2 : i32
          %mul3A_199 = arith.muli %mul3A_198, %scan3A_130 : i32
          %add3A_200 = arith.constant 0 : i32
          %add3A_201 = arith.addi %mul3A_199, %add3A_200 : i32
          %swap3A_202 = arith.index_cast %add3A_201 : i32 to index
          %swap3A_203 = arith.constant 32 : index
          %swap3A_204 = tpu.vector_load %arg10[%swap3A_202, %swap3A_203] {strides = array<i32>} : memref<128x128xf32, #tpu.memory_space<vmem>>, vector<1x16xf32>,
          %swap3A_205 = vector.shape_cast %swap3A_204 : vector<1x16xf32> to vector<16xf32>
          %swap3A_206 = vector.shape_cast %add3A_197 : vector<16xf32> to vector<1x16xf32>
          tpu.vector_store %arg10[%swap3A_202, %swap3A_203], %swap3A_206 {strides = array<i32>} : memref<128x128xf32, #tpu.memory_space<vmem>>, vector<1x16xf32>,
          %mul3A_207 = arith.constant 2 : i32
          %mul3A_208 = arith.muli %mul3A_207, %scan3A_130 : i32
          %add3A_209 = arith.constant 0 : i32
          %add3A_210 = arith.addi %mul3A_208, %add3A_209 : i32
          %get3A_211 = arith.index_cast %add3A_210 : i32 to index
          %get3A_212 = arith.constant 48 : index
          %get3A_213 = tpu.vector_load %arg9[%get3A_211, %get3A_212] {strides = array<i32>} : memref<128x128xf32, #tpu.memory_space<vmem>>, vector<1x16xf32>,
          %get3A_214 = vector.shape_cast %get3A_213 : vector<1x16xf32> to vector<16xf32>
          %mul3A_215 = arith.constant 2 : i32
          %mul3A_216 = arith.muli %mul3A_215, %scan3A_130 : i32
          %add3A_217 = arith.constant 0 : i32
          %add3A_218 = arith.addi %mul3A_216, %add3A_217 : i32
          %get3A_219 = arith.index_cast %add3A_218 : i32 to index
          %get3A_220 = arith.constant 48 : index
          %get3A_221 = tpu.vector_load %arg10[%get3A_219, %get3A_220] {strides = array<i32>} : memref<128x128xf32, #tpu.memory_space<vmem>>, vector<1x16xf32>,
          %get3A_222 = vector.shape_cast %get3A_221 : vector<1x16xf32> to vector<16xf32>
          %add3A_223 = arith.addf %get3A_214, %get3A_222 : vector<16xf32>
          %mul3A_224 = arith.constant 2 : i32
          %mul3A_225 = arith.muli %mul3A_224, %scan3A_130 : i32
          %add3A_226 = arith.constant 0 : i32
          %add3A_227 = arith.addi %mul3A_225, %add3A_226 : i32
          %swap3A_228 = arith.index_cast %add3A_227 : i32 to index
          %swap3A_229 = arith.constant 48 : index
          %swap3A_230 = tpu.vector_load %arg10[%swap3A_228, %swap3A_229] {strides = array<i32>} : memref<128x128xf32, #tpu.memory_space<vmem>>, vector<1x16xf32>,
          %swap3A_231 = vector.shape_cast %swap3A_230 : vector<1x16xf32> to vector<16xf32>
          %swap3A_232 = vector.shape_cast %add3A_223 : vector<16xf32> to vector<1x16xf32>
          tpu.vector_store %arg10[%swap3A_228, %swap3A_229], %swap3A_232 {strides = array<i32>} : memref<128x128xf32, #tpu.memory_space<vmem>>, vector<1x16xf32>,
          %mul3A_233 = arith.constant 2 : i32
          %mul3A_234 = arith.muli %mul3A_233, %scan3A_130 : i32
          %add3A_235 = arith.constant 0 : i32
          %add3A_236 = arith.addi %mul3A_234, %add3A_235 : i32
          %get3A_237 = arith.index_cast %add3A_236 : i32 to index
          %get3A_238 = arith.constant 64 : index
          %get3A_239 = tpu.vector_load %arg9[%get3A_237, %get3A_238] {strides = array<i32>} : memref<128x128xf32, #tpu.memory_space<vmem>>, vector<1x16xf32>,
          %get3A_240 = vector.shape_cast %get3A_239 : vector<1x16xf32> to vector<16xf32>
          %mul3A_241 = arith.constant 2 : i32
          %mul3A_242 = arith.muli %mul3A_241, %scan3A_130 : i32
          %add3A_243 = arith.constant 0 : i32
          %add3A_244 = arith.addi %mul3A_242, %add3A_243 : i32
          %get3A_245 = arith.index_cast %add3A_244 : i32 to index
          %get3A_246 = arith.constant 64 : index
          %get3A_247 = tpu.vector_load %arg10[%get3A_245, %get3A_246] {strides = array<i32>} : memref<128x128xf32, #tpu.memory_space<vmem>>, vector<1x16xf32>,
          %get3A_248 = vector.shape_cast %get3A_247 : vector<1x16xf32> to vector<16xf32>
          %add3A_249 = arith.addf %get3A_240, %get3A_248 : vector<16xf32>
          %mul3A_250 = arith.constant 2 : i32
          %mul3A_251 = arith.muli %mul3A_250, %scan3A_130 : i32
          %add3A_252 = arith.constant 0 : i32
          %add3A_253 = arith.addi %mul3A_251, %add3A_252 : i32
          %swap3A_254 = arith.index_cast %add3A_253 : i32 to index
          %swap3A_255 = arith.constant 64 : index
          %swap3A_256 = tpu.vector_load %arg10[%swap3A_254, %swap3A_255] {strides = array<i32>} : memref<128x128xf32, #tpu.memory_space<vmem>>, vector<1x16xf32>,
          %swap3A_257 = vector.shape_cast %swap3A_256 : vector<1x16xf32> to vector<16xf32>
          %swap3A_258 = vector.shape_cast %add3A_249 : vector<16xf32> to vector<1x16xf32>
          tpu.vector_store %arg10[%swap3A_254, %swap3A_255], %swap3A_258 {strides = array<i32>} : memref<128x128xf32, #tpu.memory_space<vmem>>, vector<1x16xf32>,
          %mul3A_259 = arith.constant 2 : i32
          %mul3A_260 = arith.muli %mul3A_259, %scan3A_130 : i32
          %add3A_261 = arith.constant 0 : i32
          %add3A_262 = arith.addi %mul3A_260, %add3A_261 : i32
          %get3A_263 = arith.index_cast %add3A_262 : i32 to index
          %get3A_264 = arith.constant 80 : index
          %get3A_265 = tpu.vector_load %arg9[%get3A_263, %get3A_264] {strides = array<i32>} : memref<128x128xf32, #tpu.memory_space<vmem>>, vector<1x16xf32>,
          %get3A_266 = vector.shape_cast %get3A_265 : vector<1x16xf32> to vector<16xf32>
          %mul3A_267 = arith.constant 2 : i32
          %mul3A_268 = arith.muli %mul3A_267, %scan3A_130 : i32
          %add3A_269 = arith.constant 0 : i32
          %add3A_270 = arith.addi %mul3A_268, %add3A_269 : i32
          %get3A_271 = arith.index_cast %add3A_270 : i32 to index
          %get3A_272 = arith.constant 80 : index
          %get3A_273 = tpu.vector_load %arg10[%get3A_271, %get3A_272] {strides = array<i32>} : memref<128x128xf32, #tpu.memory_space<vmem>>, vector<1x16xf32>,
          %get3A_274 = vector.shape_cast %get3A_273 : vector<1x16xf32> to vector<16xf32>
          %add3A_275 = arith.addf %get3A_266, %get3A_274 : vector<16xf32>
          %mul3A_276 = arith.constant 2 : i32
          %mul3A_277 = arith.muli %mul3A_276, %scan3A_130 : i32
          %add3A_278 = arith.constant 0 : i32
          %add3A_279 = arith.addi %mul3A_277, %add3A_278 : i32
          %swap3A_280 = arith.index_cast %add3A_279 : i32 to index
          %swap3A_281 = arith.constant 80 : index
          %swap3A_282 = tpu.vector_load %arg10[%swap3A_280, %swap3A_281] {strides = array<i32>} : memref<128x128xf32, #tpu.memory_space<vmem>>, vector<1x16xf32>,
          %swap3A_283 = vector.shape_cast %swap3A_282 : vector<1x16xf32> to vector<16xf32>
          %swap3A_284 = vector.shape_cast %add3A_275 : vector<16xf32> to vector<1x16xf32>
          tpu.vector_store %arg10[%swap3A_280, %swap3A_281], %swap3A_284 {strides = array<i32>} : memref<128x128xf32, #tpu.memory_space<vmem>>, vector<1x16xf32>,
          %mul3A_285 = arith.constant 2 : i32
          %mul3A_286 = arith.muli %mul3A_285, %scan3A_130 : i32
          %add3A_287 = arith.constant 0 : i32
          %add3A_288 = arith.addi %mul3A_286, %add3A_287 : i32
          %get3A_289 = arith.index_cast %add3A_288 : i32 to index
          %get3A_290 = arith.constant 96 : index
          %get3A_291 = tpu.vector_load %arg9[%get3A_289, %get3A_290] {strides = array<i32>} : memref<128x128xf32, #tpu.memory_space<vmem>>, vector<1x16xf32>,
          %get3A_292 = vector.shape_cast %get3A_291 : vector<1x16xf32> to vector<16xf32>
          %mul3A_293 = arith.constant 2 : i32
          %mul3A_294 = arith.muli %mul3A_293, %scan3A_130 : i32
          %add3A_295 = arith.constant 0 : i32
          %add3A_296 = arith.addi %mul3A_294, %add3A_295 : i32
          %get3A_297 = arith.index_cast %add3A_296 : i32 to index
          %get3A_298 = arith.constant 96 : index
          %get3A_299 = tpu.vector_load %arg10[%get3A_297, %get3A_298] {strides = array<i32>} : memref<128x128xf32, #tpu.memory_space<vmem>>, vector<1x16xf32>,
          %get3A_300 = vector.shape_cast %get3A_299 : vector<1x16xf32> to vector<16xf32>
          %add3A_301 = arith.addf %get3A_292, %get3A_300 : vector<16xf32>
          %mul3A_302 = arith.constant 2 : i32
          %mul3A_303 = arith.muli %mul3A_302, %scan3A_130 : i32
          %add3A_304 = arith.constant 0 : i32
          %add3A_305 = arith.addi %mul3A_303, %add3A_304 : i32
          %swap3A_306 = arith.index_cast %add3A_305 : i32 to index
          %swap3A_307 = arith.constant 96 : index
          %swap3A_308 = tpu.vector_load %arg10[%swap3A_306, %swap3A_307] {strides = array<i32>} : memref<128x128xf32, #tpu.memory_space<vmem>>, vector<1x16xf32>,
          %swap3A_309 = vector.shape_cast %swap3A_308 : vector<1x16xf32> to vector<16xf32>
          %swap3A_310 = vector.shape_cast %add3A_301 : vector<16xf32> to vector<1x16xf32>
          tpu.vector_store %arg10[%swap3A_306, %swap3A_307], %swap3A_310 {strides = array<i32>} : memref<128x128xf32, #tpu.memory_space<vmem>>, vector<1x16xf32>,
          %mul3A_311 = arith.constant 2 : i32
          %mul3A_312 = arith.muli %mul3A_311, %scan3A_130 : i32
          %add3A_313 = arith.constant 0 : i32
          %add3A_314 = arith.addi %mul3A_312, %add3A_313 : i32
          %get3A_315 = arith.index_cast %add3A_314 : i32 to index
          %get3A_316 = arith.constant 112 : index
          %get3A_317 = tpu.vector_load %arg9[%get3A_315, %get3A_316] {strides = array<i32>} : memref<128x128xf32, #tpu.memory_space<vmem>>, vector<1x16xf32>,
          %get3A_318 = vector.shape_cast %get3A_317 : vector<1x16xf32> to vector<16xf32>
          %mul3A_319 = arith.constant 2 : i32
          %mul3A_320 = arith.muli %mul3A_319, %scan3A_130 : i32
          %add3A_321 = arith.constant 0 : i32
          %add3A_322 = arith.addi %mul3A_320, %add3A_321 : i32
          %get3A_323 = arith.index_cast %add3A_322 : i32 to index
          %get3A_324 = arith.constant 112 : index
          %get3A_325 = tpu.vector_load %arg10[%get3A_323, %get3A_324] {strides = array<i32>} : memref<128x128xf32, #tpu.memory_space<vmem>>, vector<1x16xf32>,
          %get3A_326 = vector.shape_cast %get3A_325 : vector<1x16xf32> to vector<16xf32>
          %add3A_327 = arith.addf %get3A_318, %get3A_326 : vector<16xf32>
          %mul3A_328 = arith.constant 2 : i32
          %mul3A_329 = arith.muli %mul3A_328, %scan3A_130 : i32
          %add3A_330 = arith.constant 0 : i32
          %add3A_331 = arith.addi %mul3A_329, %add3A_330 : i32
          %swap3A_332 = arith.index_cast %add3A_331 : i32 to index
          %swap3A_333 = arith.constant 112 : index
          %swap3A_334 = tpu.vector_load %arg10[%swap3A_332, %swap3A_333] {strides = array<i32>} : memref<128x128xf32, #tpu.memory_space<vmem>>, vector<1x16xf32>,
          %swap3A_335 = vector.shape_cast %swap3A_334 : vector<1x16xf32> to vector<16xf32>
          %swap3A_336 = vector.shape_cast %add3A_327 : vector<16xf32> to vector<1x16xf32>
          tpu.vector_store %arg10[%swap3A_332, %swap3A_333], %swap3A_336 {strides = array<i32>} : memref<128x128xf32, #tpu.memory_space<vmem>>, vector<1x16xf32>,
          %mul3A_337 = arith.constant 2 : i32
          %mul3A_338 = arith.muli %mul3A_337, %scan3A_130 : i32
          %add3A_339 = arith.constant 1 : i32
          %add3A_340 = arith.addi %mul3A_338, %add3A_339 : i32
          %get3A_341 = arith.index_cast %add3A_340 : i32 to index
          %get3A_342 = arith.constant 0 : index
          %get3A_343 = tpu.vector_load %arg9[%get3A_341, %get3A_342] {strides = array<i32>} : memref<128x128xf32, #tpu.memory_space<vmem>>, vector<1x16xf32>,
          %get3A_344 = vector.shape_cast %get3A_343 : vector<1x16xf32> to vector<16xf32>
          %mul3A_345 = arith.constant 2 : i32
          %mul3A_346 = arith.muli %mul3A_345, %scan3A_130 : i32
          %add3A_347 = arith.constant 1 : i32
          %add3A_348 = arith.addi %mul3A_346, %add3A_347 : i32
          %get3A_349 = arith.index_cast %add3A_348 : i32 to index
          %get3A_350 = arith.constant 0 : index
          %get3A_351 = tpu.vector_load %arg10[%get3A_349, %get3A_350] {strides = array<i32>} : memref<128x128xf32, #tpu.memory_space<vmem>>, vector<1x16xf32>,
          %get3A_352 = vector.shape_cast %get3A_351 : vector<1x16xf32> to vector<16xf32>
          %add3A_353 = arith.addf %get3A_344, %get3A_352 : vector<16xf32>
          %mul3A_354 = arith.constant 2 : i32
          %mul3A_355 = arith.muli %mul3A_354, %scan3A_130 : i32
          %add3A_356 = arith.constant 1 : i32
          %add3A_357 = arith.addi %mul3A_355, %add3A_356 : i32
          %swap3A_358 = arith.index_cast %add3A_357 : i32 to index
          %swap3A_359 = arith.constant 0 : index
          %swap3A_360 = tpu.vector_load %arg10[%swap3A_358, %swap3A_359] {strides = array<i32>} : memref<128x128xf32, #tpu.memory_space<vmem>>, vector<1x16xf32>,
          %swap3A_361 = vector.shape_cast %swap3A_360 : vector<1x16xf32> to vector<16xf32>
          %swap3A_362 = vector.shape_cast %add3A_353 : vector<16xf32> to vector<1x16xf32>
          tpu.vector_store %arg10[%swap3A_358, %swap3A_359], %swap3A_362 {strides = array<i32>} : memref<128x128xf32, #tpu.memory_space<vmem>>, vector<1x16xf32>,
          %mul3A_363 = arith.constant 2 : i32
          %mul3A_364 = arith.muli %mul3A_363, %scan3A_130 : i32
          %add3A_365 = arith.constant 1 : i32
          %add3A_366 = arith.addi %mul3A_364, %add3A_365 : i32
          %get3A_367 = arith.index_cast %add3A_366 : i32 to index
          %get3A_368 = arith.constant 16 : index
          %get3A_369 = tpu.vector_load %arg9[%get3A_367, %get3A_368] {strides = array<i32>} : memref<128x128xf32, #tpu.memory_space<vmem>>, vector<1x16xf32>,
          %get3A_370 = vector.shape_cast %get3A_369 : vector<1x16xf32> to vector<16xf32>
          %mul3A_371 = arith.constant 2 : i32
          %mul3A_372 = arith.muli %mul3A_371, %scan3A_130 : i32
          %add3A_373 = arith.constant 1 : i32
          %add3A_374 = arith.addi %mul3A_372, %add3A_373 : i32
          %get3A_375 = arith.index_cast %add3A_374 : i32 to index
          %get3A_376 = arith.constant 16 : index
          %get3A_377 = tpu.vector_load %arg10[%get3A_375, %get3A_376] {strides = array<i32>} : memref<128x128xf32, #tpu.memory_space<vmem>>, vector<1x16xf32>,
          %get3A_378 = vector.shape_cast %get3A_377 : vector<1x16xf32> to vector<16xf32>
          %add3A_379 = arith.addf %get3A_370, %get3A_378 : vector<16xf32>
          %mul3A_380 = arith.constant 2 : i32
          %mul3A_381 = arith.muli %mul3A_380, %scan3A_130 : i32
          %add3A_382 = arith.constant 1 : i32
          %add3A_383 = arith.addi %mul3A_381, %add3A_382 : i32
          %swap3A_384 = arith.index_cast %add3A_383 : i32 to index
          %swap3A_385 = arith.constant 16 : index
          %swap3A_386 = tpu.vector_load %arg10[%swap3A_384, %swap3A_385] {strides = array<i32>} : memref<128x128xf32, #tpu.memory_space<vmem>>, vector<1x16xf32>,
          %swap3A_387 = vector.shape_cast %swap3A_386 : vector<1x16xf32> to vector<16xf32>
          %swap3A_388 = vector.shape_cast %add3A_379 : vector<16xf32> to vector<1x16xf32>
          tpu.vector_store %arg10[%swap3A_384, %swap3A_385], %swap3A_388 {strides = array<i32>} : memref<128x128xf32, #tpu.memory_space<vmem>>, vector<1x16xf32>,
          %mul3A_389 = arith.constant 2 : i32
          %mul3A_390 = arith.muli %mul3A_389, %scan3A_130 : i32
          %add3A_391 = arith.constant 1 : i32
          %add3A_392 = arith.addi %mul3A_390, %add3A_391 : i32
          %get3A_393 = arith.index_cast %add3A_392 : i32 to index
          %get3A_394 = arith.constant 32 : index
          %get3A_395 = tpu.vector_load %arg9[%get3A_393, %get3A_394] {strides = array<i32>} : memref<128x128xf32, #tpu.memory_space<vmem>>, vector<1x16xf32>,
          %get3A_396 = vector.shape_cast %get3A_395 : vector<1x16xf32> to vector<16xf32>
          %mul3A_397 = arith.constant 2 : i32
          %mul3A_398 = arith.muli %mul3A_397, %scan3A_130 : i32
          %add3A_399 = arith.constant 1 : i32
          %add3A_400 = arith.addi %mul3A_398, %add3A_399 : i32
          %get3A_401 = arith.index_cast %add3A_400 : i32 to index
          %get3A_402 = arith.constant 32 : index
          %get3A_403 = tpu.vector_load %arg10[%get3A_401, %get3A_402] {strides = array<i32>} : memref<128x128xf32, #tpu.memory_space<vmem>>, vector<1x16xf32>,
          %get3A_404 = vector.shape_cast %get3A_403 : vector<1x16xf32> to vector<16xf32>
          %add3A_405 = arith.addf %get3A_396, %get3A_404 : vector<16xf32>
          %mul3A_406 = arith.constant 2 : i32
          %mul3A_407 = arith.muli %mul3A_406, %scan3A_130 : i32
          %add3A_408 = arith.constant 1 : i32
          %add3A_409 = arith.addi %mul3A_407, %add3A_408 : i32
          %swap3A_410 = arith.index_cast %add3A_409 : i32 to index
          %swap3A_411 = arith.constant 32 : index
          %swap3A_412 = tpu.vector_load %arg10[%swap3A_410, %swap3A_411] {strides = array<i32>} : memref<128x128xf32, #tpu.memory_space<vmem>>, vector<1x16xf32>,
          %swap3A_413 = vector.shape_cast %swap3A_412 : vector<1x16xf32> to vector<16xf32>
          %swap3A_414 = vector.shape_cast %add3A_405 : vector<16xf32> to vector<1x16xf32>
          tpu.vector_store %arg10[%swap3A_410, %swap3A_411], %swap3A_414 {strides = array<i32>} : memref<128x128xf32, #tpu.memory_space<vmem>>, vector<1x16xf32>,
          %mul3A_415 = arith.constant 2 : i32
          %mul3A_416 = arith.muli %mul3A_415, %scan3A_130 : i32
          %add3A_417 = arith.constant 1 : i32
          %add3A_418 = arith.addi %mul3A_416, %add3A_417 : i32
          %get3A_419 = arith.index_cast %add3A_418 : i32 to index
          %get3A_420 = arith.constant 48 : index
          %get3A_421 = tpu.vector_load %arg9[%get3A_419, %get3A_420] {strides = array<i32>} : memref<128x128xf32, #tpu.memory_space<vmem>>, vector<1x16xf32>,
          %get3A_422 = vector.shape_cast %get3A_421 : vector<1x16xf32> to vector<16xf32>
          %mul3A_423 = arith.constant 2 : i32
          %mul3A_424 = arith.muli %mul3A_423, %scan3A_130 : i32
          %add3A_425 = arith.constant 1 : i32
          %add3A_426 = arith.addi %mul3A_424, %add3A_425 : i32
          %get3A_427 = arith.index_cast %add3A_426 : i32 to index
          %get3A_428 = arith.constant 48 : index
          %get3A_429 = tpu.vector_load %arg10[%get3A_427, %get3A_428] {strides = array<i32>} : memref<128x128xf32, #tpu.memory_space<vmem>>, vector<1x16xf32>,
          %get3A_430 = vector.shape_cast %get3A_429 : vector<1x16xf32> to vector<16xf32>
          %add3A_431 = arith.addf %get3A_422, %get3A_430 : vector<16xf32>
          %mul3A_432 = arith.constant 2 : i32
          %mul3A_433 = arith.muli %mul3A_432, %scan3A_130 : i32
          %add3A_434 = arith.constant 1 : i32
          %add3A_435 = arith.addi %mul3A_433, %add3A_434 : i32
          %swap3A_436 = arith.index_cast %add3A_435 : i32 to index
          %swap3A_437 = arith.constant 48 : index
          %swap3A_438 = tpu.vector_load %arg10[%swap3A_436, %swap3A_437] {strides = array<i32>} : memref<128x128xf32, #tpu.memory_space<vmem>>, vector<1x16xf32>,
          %swap3A_439 = vector.shape_cast %swap3A_438 : vector<1x16xf32> to vector<16xf32>
          %swap3A_440 = vector.shape_cast %add3A_431 : vector<16xf32> to vector<1x16xf32>
          tpu.vector_store %arg10[%swap3A_436, %swap3A_437], %swap3A_440 {strides = array<i32>} : memref<128x128xf32, #tpu.memory_space<vmem>>, vector<1x16xf32>,
          %mul3A_441 = arith.constant 2 : i32
          %mul3A_442 = arith.muli %mul3A_441, %scan3A_130 : i32
          %add3A_443 = arith.constant 1 : i32
          %add3A_444 = arith.addi %mul3A_442, %add3A_443 : i32
          %get3A_445 = arith.index_cast %add3A_444 : i32 to index
          %get3A_446 = arith.constant 64 : index
          %get3A_447 = tpu.vector_load %arg9[%get3A_445, %get3A_446] {strides = array<i32>} : memref<128x128xf32, #tpu.memory_space<vmem>>, vector<1x16xf32>,
          %get3A_448 = vector.shape_cast %get3A_447 : vector<1x16xf32> to vector<16xf32>
          %mul3A_449 = arith.constant 2 : i32
          %mul3A_450 = arith.muli %mul3A_449, %scan3A_130 : i32
          %add3A_451 = arith.constant 1 : i32
          %add3A_452 = arith.addi %mul3A_450, %add3A_451 : i32
          %get3A_453 = arith.index_cast %add3A_452 : i32 to index
          %get3A_454 = arith.constant 64 : index
          %get3A_455 = tpu.vector_load %arg10[%get3A_453, %get3A_454] {strides = array<i32>} : memref<128x128xf32, #tpu.memory_space<vmem>>, vector<1x16xf32>,
          %get3A_456 = vector.shape_cast %get3A_455 : vector<1x16xf32> to vector<16xf32>
          %add3A_457 = arith.addf %get3A_448, %get3A_456 : vector<16xf32>
          %mul3A_458 = arith.constant 2 : i32
          %mul3A_459 = arith.muli %mul3A_458, %scan3A_130 : i32
          %add3A_460 = arith.constant 1 : i32
          %add3A_461 = arith.addi %mul3A_459, %add3A_460 : i32
          %swap3A_462 = arith.index_cast %add3A_461 : i32 to index
          %swap3A_463 = arith.constant 64 : index
          %swap3A_464 = tpu.vector_load %arg10[%swap3A_462, %swap3A_463] {strides = array<i32>} : memref<128x128xf32, #tpu.memory_space<vmem>>, vector<1x16xf32>,
          %swap3A_465 = vector.shape_cast %swap3A_464 : vector<1x16xf32> to vector<16xf32>
          %swap3A_466 = vector.shape_cast %add3A_457 : vector<16xf32> to vector<1x16xf32>
          tpu.vector_store %arg10[%swap3A_462, %swap3A_463], %swap3A_466 {strides = array<i32>} : memref<128x128xf32, #tpu.memory_space<vmem>>, vector<1x16xf32>,
          %mul3A_467 = arith.constant 2 : i32
          %mul3A_468 = arith.muli %mul3A_467, %scan3A_130 : i32
          %add3A_469 = arith.constant 1 : i32
          %add3A_470 = arith.addi %mul3A_468, %add3A_469 : i32
          %get3A_471 = arith.index_cast %add3A_470 : i32 to index
          %get3A_472 = arith.constant 80 : index
          %get3A_473 = tpu.vector_load %arg9[%get3A_471, %get3A_472] {strides = array<i32>} : memref<128x128xf32, #tpu.memory_space<vmem>>, vector<1x16xf32>,
          %get3A_474 = vector.shape_cast %get3A_473 : vector<1x16xf32> to vector<16xf32>
          %mul3A_475 = arith.constant 2 : i32
          %mul3A_476 = arith.muli %mul3A_475, %scan3A_130 : i32
          %add3A_477 = arith.constant 1 : i32
          %add3A_478 = arith.addi %mul3A_476, %add3A_477 : i32
          %get3A_479 = arith.index_cast %add3A_478 : i32 to index
          %get3A_480 = arith.constant 80 : index
          %get3A_481 = tpu.vector_load %arg10[%get3A_479, %get3A_480] {strides = array<i32>} : memref<128x128xf32, #tpu.memory_space<vmem>>, vector<1x16xf32>,
          %get3A_482 = vector.shape_cast %get3A_481 : vector<1x16xf32> to vector<16xf32>
          %add3A_483 = arith.addf %get3A_474, %get3A_482 : vector<16xf32>
          %mul3A_484 = arith.constant 2 : i32
          %mul3A_485 = arith.muli %mul3A_484, %scan3A_130 : i32
          %add3A_486 = arith.constant 1 : i32
          %add3A_487 = arith.addi %mul3A_485, %add3A_486 : i32
          %swap3A_488 = arith.index_cast %add3A_487 : i32 to index
          %swap3A_489 = arith.constant 80 : index
          %swap3A_490 = tpu.vector_load %arg10[%swap3A_488, %swap3A_489] {strides = array<i32>} : memref<128x128xf32, #tpu.memory_space<vmem>>, vector<1x16xf32>,
          %swap3A_491 = vector.shape_cast %swap3A_490 : vector<1x16xf32> to vector<16xf32>
          %swap3A_492 = vector.shape_cast %add3A_483 : vector<16xf32> to vector<1x16xf32>
          tpu.vector_store %arg10[%swap3A_488, %swap3A_489], %swap3A_492 {strides = array<i32>} : memref<128x128xf32, #tpu.memory_space<vmem>>, vector<1x16xf32>,
          %mul3A_493 = arith.constant 2 : i32
          %mul3A_494 = arith.muli %mul3A_493, %scan3A_130 : i32
          %add3A_495 = arith.constant 1 : i32
          %add3A_496 = arith.addi %mul3A_494, %add3A_495 : i32
          %get3A_497 = arith.index_cast %add3A_496 : i32 to index
          %get3A_498 = arith.constant 96 : index
          %get3A_499 = tpu.vector_load %arg9[%get3A_497, %get3A_498] {strides = array<i32>} : memref<128x128xf32, #tpu.memory_space<vmem>>, vector<1x16xf32>,
          %get3A_500 = vector.shape_cast %get3A_499 : vector<1x16xf32> to vector<16xf32>
          %mul3A_501 = arith.constant 2 : i32
          %mul3A_502 = arith.muli %mul3A_501, %scan3A_130 : i32
          %add3A_503 = arith.constant 1 : i32
          %add3A_504 = arith.addi %mul3A_502, %add3A_503 : i32
          %get3A_505 = arith.index_cast %add3A_504 : i32 to index
          %get3A_506 = arith.constant 96 : index
          %get3A_507 = tpu.vector_load %arg10[%get3A_505, %get3A_506] {strides = array<i32>} : memref<128x128xf32, #tpu.memory_space<vmem>>, vector<1x16xf32>,
          %get3A_508 = vector.shape_cast %get3A_507 : vector<1x16xf32> to vector<16xf32>
          %add3A_509 = arith.addf %get3A_500, %get3A_508 : vector<16xf32>
          %mul3A_510 = arith.constant 2 : i32
          %mul3A_511 = arith.muli %mul3A_510, %scan3A_130 : i32
          %add3A_512 = arith.constant 1 : i32
          %add3A_513 = arith.addi %mul3A_511, %add3A_512 : i32
          %swap3A_514 = arith.index_cast %add3A_513 : i32 to index
          %swap3A_515 = arith.constant 96 : index
          %swap3A_516 = tpu.vector_load %arg10[%swap3A_514, %swap3A_515] {strides = array<i32>} : memref<128x128xf32, #tpu.memory_space<vmem>>, vector<1x16xf32>,
          %swap3A_517 = vector.shape_cast %swap3A_516 : vector<1x16xf32> to vector<16xf32>
          %swap3A_518 = vector.shape_cast %add3A_509 : vector<16xf32> to vector<1x16xf32>
          tpu.vector_store %arg10[%swap3A_514, %swap3A_515], %swap3A_518 {strides = array<i32>} : memref<128x128xf32, #tpu.memory_space<vmem>>, vector<1x16xf32>,
          %mul3A_519 = arith.constant 2 : i32
          %mul3A_520 = arith.muli %mul3A_519, %scan3A_130 : i32
          %add3A_521 = arith.constant 1 : i32
          %add3A_522 = arith.addi %mul3A_520, %add3A_521 : i32
          %get3A_523 = arith.index_cast %add3A_522 : i32 to index
          %get3A_524 = arith.constant 112 : index
          %get3A_525 = tpu.vector_load %arg9[%get3A_523, %get3A_524] {strides = array<i32>} : memref<128x128xf32, #tpu.memory_space<vmem>>, vector<1x16xf32>,
          %get3A_526 = vector.shape_cast %get3A_525 : vector<1x16xf32> to vector<16xf32>
          %mul3A_527 = arith.constant 2 : i32
          %mul3A_528 = arith.muli %mul3A_527, %scan3A_130 : i32
          %add3A_529 = arith.constant 1 : i32
          %add3A_530 = arith.addi %mul3A_528, %add3A_529 : i32
          %get3A_531 = arith.index_cast %add3A_530 : i32 to index
          %get3A_532 = arith.constant 112 : index
          %get3A_533 = tpu.vector_load %arg10[%get3A_531, %get3A_532] {strides = array<i32>} : memref<128x128xf32, #tpu.memory_space<vmem>>, vector<1x16xf32>,
          %get3A_534 = vector.shape_cast %get3A_533 : vector<1x16xf32> to vector<16xf32>
          %add3A_535 = arith.addf %get3A_526, %get3A_534 : vector<16xf32>
          %mul3A_536 = arith.constant 2 : i32
          %mul3A_537 = arith.muli %mul3A_536, %scan3A_130 : i32
          %add3A_538 = arith.constant 1 : i32
          %add3A_539 = arith.addi %mul3A_537, %add3A_538 : i32
          %swap3A_540 = arith.index_cast %add3A_539 : i32 to index
          %swap3A_541 = arith.constant 112 : index
          %swap3A_542 = tpu.vector_load %arg10[%swap3A_540, %swap3A_541] {strides = array<i32>} : memref<128x128xf32, #tpu.memory_space<vmem>>, vector<1x16xf32>,
          %swap3A_543 = vector.shape_cast %swap3A_542 : vector<1x16xf32> to vector<16xf32>
          %swap3A_544 = vector.shape_cast %add3A_535 : vector<16xf32> to vector<1x16xf32>
          tpu.vector_store %arg10[%swap3A_540, %swap3A_541], %swap3A_544 {strides = array<i32>} : memref<128x128xf32, #tpu.memory_space<vmem>>, vector<1x16xf32>,
        }
        %scan3A_114 = arith.constant 64 : i32
        %add3A_115 = arith.addi %add3A_4, %add3A_76 : i32
        %dma_start3A_116 = arith.constant 0 : i32
        %dma_start3A_117 = arith.constant 0 : i32
        %dma_start3A_118 = tpu.memref_slice %arg5[%add3A_115, %dma_start3A_116, %dma_start3A_117] : memref<2500x128x128xf32, #tpu.memory_space<hbm>> -> memref<1x128x128xf32, #tpu.memory_space<hbm>>
        %dma_start3A_119 = tpu.memref_squeeze %dma_start3A_118 : memref<1x128x128xf32, #tpu.memory_space<hbm>> -> memref<128x128xf32, #tpu.memory_space<hbm>>
        %dma_start3A_120 = arith.constant 0 : i32
        %dma_start3A_121 = arith.constant 0 : i32
        %dma_start3A_122 = tpu.memref_slice %arg5[%add3A_115, %dma_start3A_120, %dma_start3A_121] : memref<2500x128x128xf32, #tpu.memory_space<hbm>> -> memref<1x128x128xf32, #tpu.memory_space<hbm>>
        %dma_start3A_123 = tpu.memref_squeeze %dma_start3A_122 : memref<1x128x128xf32, #tpu.memory_space<hbm>> -> memref<128x128xf32, #tpu.memory_space<hbm>>
        tpu.enqueue_dma source(%arg10 : memref<128x128xf32, #tpu.memory_space<vmem>>) target(%dma_start3A_123 : memref<128x128xf32, #tpu.memory_space<hbm>>) target_semaphore(%arg18 : memref<!tpu.dma_semaphore, #tpu.memory_space<semaphore_mem>>)
        %add3A_124 = arith.constant 2 : i32
        %add3A_125 = arith.addi %add3A_76, %add3A_124 : i32
        %lt3A_126 = arith.cmpi slt, %add3A_125, %add3A_8 : i32
        %convert_element_type3A_127 = arith.extui %lt3A_126 : i1 to i32
        %cond3A_128 = arith.constant 0 : i32
        %cond3A_129 = arith.cmpi ne, %convert_element_type3A_127, %cond3A_128 : i32
        scf.if %cond3A_129 {
          %gt3A = arith.constant 0 : i32
          %gt3A_130 = arith.cmpi sgt, %scan3A_72, %gt3A : i32
          %convert_element_type3A_131 = arith.extui %gt3A_130 : i1 to i32
          %cond3A_132 = arith.constant 0 : i32
          %cond3A_133 = arith.cmpi ne, %convert_element_type3A_131, %cond3A_132 : i32
          scf.if %cond3A_133 {
            %dma_wait3A_153 = arith.constant 0 : i32
            %dma_wait3A_154 = arith.constant 0 : i32
            %dma_wait3A_155 = tpu.memref_slice %arg5[%add3A_4, %dma_wait3A_153, %dma_wait3A_154] : memref<2500x128x128xf32, #tpu.memory_space<hbm>> -> memref<1x128x128xf32, #tpu.memory_space<hbm>>
            %dma_wait3A_156 = tpu.memref_squeeze %dma_wait3A_155 : memref<1x128x128xf32, #tpu.memory_space<hbm>> -> memref<128x128xf32, #tpu.memory_space<hbm>>
            %dma_wait3A_157 = arith.constant 0 : i32
            %dma_wait3A_158 = arith.constant 0 : i32
            %dma_wait3A_159 = tpu.memref_slice %arg5[%add3A_4, %dma_wait3A_157, %dma_wait3A_158] : memref<2500x128x128xf32, #tpu.memory_space<hbm>> -> memref<1x128x128xf32, #tpu.memory_space<hbm>>
            %dma_wait3A_160 = tpu.memref_squeeze %dma_wait3A_159 : memref<1x128x128xf32, #tpu.memory_space<hbm>> -> memref<128x128xf32, #tpu.memory_space<hbm>>
            tpu.wait_dma2 semaphore(%arg20 : memref<!tpu.dma_semaphore, #tpu.memory_space<semaphore_mem>>) src(%arg14 : memref<128x128xf32, #tpu.memory_space<vmem>>) dst(%dma_wait3A_160 : memref<128x128xf32, #tpu.memory_space<hbm>>)
          } else {
          }
          %add3A_134 = arith.constant 2 : i32
          %add3A_135 = arith.addi %add3A_76, %add3A_134 : i32
          %add3A_136 = arith.addi %add3A_4, %add3A_135 : i32
          %mul3A_137 = arith.constant 128 : i32
          %mul3A_138 = arith.muli %add3A_136, %mul3A_137 : i32
          "tpu.region"() ({
            %run_scoped3A = tpu.sem_alloc : memref<!tpu.dma_semaphore, #tpu.memory_space<semaphore_mem>>
            %dma_start3A_153 = arith.constant 0 : i32
            %dma_start3A_154 = tpu.memref_slice %arg4[%dma_start3A_153, %mul3A_138] : memref<2x320000xi32, #tpu.memory_space<hbm>> -> memref<2x128xi32, #tpu.memory_space<hbm>>
            %dma_start3A_155 = arith.constant 0 : i32
            %dma_start3A_156 = tpu.memref_slice %arg4[%dma_start3A_155, %mul3A_138] : memref<2x320000xi32, #tpu.memory_space<hbm>> -> memref<2x128xi32, #tpu.memory_space<hbm>>
            tpu.enqueue_dma source(%dma_start3A_156 : memref<2x128xi32, #tpu.memory_space<hbm>>) target(%arg8 : memref<2x128xi32, #tpu.memory_space<vmem>>) target_semaphore(%run_scoped3A : memref<!tpu.dma_semaphore, #tpu.memory_space<semaphore_mem>>)
            %dma_wait3A_157 = arith.constant 0 : i32
            %dma_wait3A_158 = tpu.memref_slice %arg4[%dma_wait3A_157, %mul3A_138] : memref<2x320000xi32, #tpu.memory_space<hbm>> -> memref<2x128xi32, #tpu.memory_space<hbm>>
            %dma_wait3A_159 = arith.constant 0 : i32
            %dma_wait3A_160 = tpu.memref_slice %arg4[%dma_wait3A_159, %mul3A_138] : memref<2x320000xi32, #tpu.memory_space<hbm>> -> memref<2x128xi32, #tpu.memory_space<hbm>>
            tpu.wait_dma2 semaphore(%run_scoped3A : memref<!tpu.dma_semaphore, #tpu.memory_space<semaphore_mem>>) src(%dma_wait3A_160 : memref<2x128xi32, #tpu.memory_space<hbm>>) dst(%arg8 : memref<2x128xi32, #tpu.memory_space<vmem>>)
            tpu.yield
          }) : () -> ()
          %dma_start3A_139 = arith.constant 1 : i32
          %dma_start3A_140 = arith.constant 0 : i32
          %dma_start3A_141 = tpu.memref_slice %arg8[%dma_start3A_139, %dma_start3A_140] : memref<2x128xi32, #tpu.memory_space<vmem>> -> memref<1x128xi32, #tpu.memory_space<vmem>>
          %dma_start3A_142 = tpu.memref_squeeze %dma_start3A_141 : memref<1x128xi32, #tpu.memory_space<vmem>> -> memref<128xi32, #tpu.memory_space<vmem>>
          %dma_start3A_143 = arith.constant 0 : i32
          %dma_start3A_144 = arith.constant 0 : i32
          %dma_start3A_145 = tpu.memref_slice %arg2[%dma_start3A_143, %dma_start3A_144] : memref<10000x128xf32, #tpu.memory_space<hbm>> -> memref<10000x128xf32, #tpu.memory_space<hbm>>
          tpu.enqueue_indirect_dma source(%dma_start3A_145 : memref<10000x128xf32, #tpu.memory_space<hbm>>) target(%arg13 : memref<128x128xf32, #tpu.memory_space<vmem>>) offsets(%dma_start3A_142 : memref<128xi32, #tpu.memory_space<vmem>>) semaphore(%arg17 : memref<!tpu.dma_semaphore, #tpu.memory_space<semaphore_mem>>)
          %dma_start3A_146 = arith.constant 0 : i32
          %dma_start3A_147 = arith.constant 0 : i32
          %dma_start3A_148 = tpu.memref_slice %arg8[%dma_start3A_146, %dma_start3A_147] : memref<2x128xi32, #tpu.memory_space<vmem>> -> memref<1x128xi32, #tpu.memory_space<vmem>>
          %dma_start3A_149 = tpu.memref_squeeze %dma_start3A_148 : memref<1x128xi32, #tpu.memory_space<vmem>> -> memref<128xi32, #tpu.memory_space<vmem>>
          %dma_start3A_150 = arith.constant 0 : i32
          %dma_start3A_151 = arith.constant 0 : i32
          %dma_start3A_152 = tpu.memref_slice %arg3[%dma_start3A_150, %dma_start3A_151] : memref<10000x128xf32, #tpu.memory_space<hbm>> -> memref<10000x128xf32, #tpu.memory_space<hbm>>
          tpu.enqueue_indirect_dma source(%dma_start3A_152 : memref<10000x128xf32, #tpu.memory_space<hbm>>) target(%arg14 : memref<128x128xf32, #tpu.memory_space<vmem>>) offsets(%dma_start3A_149 : memref<128xi32, #tpu.memory_space<vmem>>) semaphore(%arg17 : memref<!tpu.dma_semaphore, #tpu.memory_space<semaphore_mem>>)
        } else {
        }
      } else {
      }
      %mul3A_79 = arith.constant 3 : i32
      %mul3A_80 = arith.muli %mul3A_79, %scan3A_72 : i32
      %add3A_81 = arith.constant 1 : i32
      %add3A_82 = arith.addi %mul3A_80, %add3A_81 : i32
      %lt3A_83 = arith.cmpi slt, %add3A_82, %add3A_8 : i32
      %convert_element_type3A_84 = arith.extui %lt3A_83 : i1 to i32
      %cond3A_85 = arith.constant 0 : i32
      %cond3A_86 = arith.cmpi ne, %convert_element_type3A_84, %cond3A_85 : i32
      scf.if %cond3A_86 {
        %dma_wait3A_95 = arith.constant 1 : i32
        %dma_wait3A_96 = arith.constant 0 : i32
        %dma_wait3A_97 = tpu.memref_slice %arg7[%dma_wait3A_95, %dma_wait3A_96] : memref<2x128xi32, #tpu.memory_space<vmem>> -> memref<1x128xi32, #tpu.memory_space<vmem>>
        %dma_wait3A_98 = tpu.memref_squeeze %dma_wait3A_97 : memref<1x128xi32, #tpu.memory_space<vmem>> -> memref<128xi32, #tpu.memory_space<vmem>>
        %dma_wait3A_99 = arith.constant 0 : i32
        %dma_wait3A_100 = arith.constant 0 : i32
        %dma_wait3A_101 = tpu.memref_slice %arg2[%dma_wait3A_99, %dma_wait3A_100] : memref<10000x128xf32, #tpu.memory_space<hbm>> -> memref<10000x128xf32, #tpu.memory_space<hbm>>
        tpu.wait_indirect_dma semaphore(%arg16 : memref<!tpu.dma_semaphore, #tpu.memory_space<semaphore_mem>>) src(%dma_wait3A_101 : memref<10000x128xf32, #tpu.memory_space<hbm>>) dst(%arg11 : memref<128x128xf32, #tpu.memory_space<vmem>>)
        %dma_wait3A_102 = arith.constant 0 : i32
        %dma_wait3A_103 = arith.constant 0 : i32
        %dma_wait3A_104 = tpu.memref_slice %arg7[%dma_wait3A_102, %dma_wait3A_103] : memref<2x128xi32, #tpu.memory_space<vmem>> -> memref<1x128xi32, #tpu.memory_space<vmem>>
        %dma_wait3A_105 = tpu.memref_squeeze %dma_wait3A_104 : memref<1x128xi32, #tpu.memory_space<vmem>> -> memref<128xi32, #tpu.memory_space<vmem>>
        %dma_wait3A_106 = arith.constant 0 : i32
        %dma_wait3A_107 = arith.constant 0 : i32
        %dma_wait3A_108 = tpu.memref_slice %arg3[%dma_wait3A_106, %dma_wait3A_107] : memref<10000x128xf32, #tpu.memory_space<hbm>> -> memref<10000x128xf32, #tpu.memory_space<hbm>>
        tpu.wait_indirect_dma semaphore(%arg16 : memref<!tpu.dma_semaphore, #tpu.memory_space<semaphore_mem>>) src(%dma_wait3A_108 : memref<10000x128xf32, #tpu.memory_space<hbm>>) dst(%arg12 : memref<128x128xf32, #tpu.memory_space<vmem>>)
        %scan3A_109 = arith.constant 0 : i32
        %scan3A_110 = arith.constant 0 : i32
        %scan3A_111 = arith.constant 64 : i32
        %scan3A_112 = arith.addi %scan3A_110, %scan3A_111 : i32
        %scan3A_113 = arith.constant 1 : i32
        scf.for %scan3A_130 = %scan3A_110 to %scan3A_112 step %scan3A_113  : i32 {
          %mul3A_131 = arith.constant 2 : i32
          %mul3A_132 = arith.muli %mul3A_131, %scan3A_130 : i32
          %add3A_133 = arith.constant 0 : i32
          %add3A_134 = arith.addi %mul3A_132, %add3A_133 : i32
          %get3A = arith.index_cast %add3A_134 : i32 to index
          %get3A_135 = arith.constant 0 : index
          %get3A_136 = tpu.vector_load %arg11[%get3A, %get3A_135] {strides = array<i32>} : memref<128x128xf32, #tpu.memory_space<vmem>>, vector<1x16xf32>,
          %get3A_137 = vector.shape_cast %get3A_136 : vector<1x16xf32> to vector<16xf32>
          %mul3A_138 = arith.constant 2 : i32
          %mul3A_139 = arith.muli %mul3A_138, %scan3A_130 : i32
          %add3A_140 = arith.constant 0 : i32
          %add3A_141 = arith.addi %mul3A_139, %add3A_140 : i32
          %get3A_142 = arith.index_cast %add3A_141 : i32 to index
          %get3A_143 = arith.constant 0 : index
          %get3A_144 = tpu.vector_load %arg12[%get3A_142, %get3A_143] {strides = array<i32>} : memref<128x128xf32, #tpu.memory_space<vmem>>, vector<1x16xf32>,
          %get3A_145 = vector.shape_cast %get3A_144 : vector<1x16xf32> to vector<16xf32>
          %add3A_146 = arith.addf %get3A_137, %get3A_145 : vector<16xf32>
          %mul3A_147 = arith.constant 2 : i32
          %mul3A_148 = arith.muli %mul3A_147, %scan3A_130 : i32
          %add3A_149 = arith.constant 0 : i32
          %add3A_150 = arith.addi %mul3A_148, %add3A_149 : i32
          %swap3A = arith.index_cast %add3A_150 : i32 to index
          %swap3A_151 = arith.constant 0 : index
          %swap3A_152 = tpu.vector_load %arg12[%swap3A, %swap3A_151] {strides = array<i32>} : memref<128x128xf32, #tpu.memory_space<vmem>>, vector<1x16xf32>,
          %swap3A_153 = vector.shape_cast %swap3A_152 : vector<1x16xf32> to vector<16xf32>
          %swap3A_154 = vector.shape_cast %add3A_146 : vector<16xf32> to vector<1x16xf32>
          tpu.vector_store %arg12[%swap3A, %swap3A_151], %swap3A_154 {strides = array<i32>} : memref<128x128xf32, #tpu.memory_space<vmem>>, vector<1x16xf32>,
          %mul3A_155 = arith.constant 2 : i32
          %mul3A_156 = arith.muli %mul3A_155, %scan3A_130 : i32
          %add3A_157 = arith.constant 0 : i32
          %add3A_158 = arith.addi %mul3A_156, %add3A_157 : i32
          %get3A_159 = arith.index_cast %add3A_158 : i32 to index
          %get3A_160 = arith.constant 16 : index
          %get3A_161 = tpu.vector_load %arg11[%get3A_159, %get3A_160] {strides = array<i32>} : memref<128x128xf32, #tpu.memory_space<vmem>>, vector<1x16xf32>,
          %get3A_162 = vector.shape_cast %get3A_161 : vector<1x16xf32> to vector<16xf32>
          %mul3A_163 = arith.constant 2 : i32
          %mul3A_164 = arith.muli %mul3A_163, %scan3A_130 : i32
          %add3A_165 = arith.constant 0 : i32
          %add3A_166 = arith.addi %mul3A_164, %add3A_165 : i32
          %get3A_167 = arith.index_cast %add3A_166 : i32 to index
          %get3A_168 = arith.constant 16 : index
          %get3A_169 = tpu.vector_load %arg12[%get3A_167, %get3A_168] {strides = array<i32>} : memref<128x128xf32, #tpu.memory_space<vmem>>, vector<1x16xf32>,
          %get3A_170 = vector.shape_cast %get3A_169 : vector<1x16xf32> to vector<16xf32>
          %add3A_171 = arith.addf %get3A_162, %get3A_170 : vector<16xf32>
          %mul3A_172 = arith.constant 2 : i32
          %mul3A_173 = arith.muli %mul3A_172, %scan3A_130 : i32
          %add3A_174 = arith.constant 0 : i32
          %add3A_175 = arith.addi %mul3A_173, %add3A_174 : i32
          %swap3A_176 = arith.index_cast %add3A_175 : i32 to index
          %swap3A_177 = arith.constant 16 : index
          %swap3A_178 = tpu.vector_load %arg12[%swap3A_176, %swap3A_177] {strides = array<i32>} : memref<128x128xf32, #tpu.memory_space<vmem>>, vector<1x16xf32>,
          %swap3A_179 = vector.shape_cast %swap3A_178 : vector<1x16xf32> to vector<16xf32>
          %swap3A_180 = vector.shape_cast %add3A_171 : vector<16xf32> to vector<1x16xf32>
          tpu.vector_store %arg12[%swap3A_176, %swap3A_177], %swap3A_180 {strides = array<i32>} : memref<128x128xf32, #tpu.memory_space<vmem>>, vector<1x16xf32>,
          %mul3A_181 = arith.constant 2 : i32
          %mul3A_182 = arith.muli %mul3A_181, %scan3A_130 : i32
          %add3A_183 = arith.constant 0 : i32
          %add3A_184 = arith.addi %mul3A_182, %add3A_183 : i32
          %get3A_185 = arith.index_cast %add3A_184 : i32 to index
          %get3A_186 = arith.constant 32 : index
          %get3A_187 = tpu.vector_load %arg11[%get3A_185, %get3A_186] {strides = array<i32>} : memref<128x128xf32, #tpu.memory_space<vmem>>, vector<1x16xf32>,
          %get3A_188 = vector.shape_cast %get3A_187 : vector<1x16xf32> to vector<16xf32>
          %mul3A_189 = arith.constant 2 : i32
          %mul3A_190 = arith.muli %mul3A_189, %scan3A_130 : i32
          %add3A_191 = arith.constant 0 : i32
          %add3A_192 = arith.addi %mul3A_190, %add3A_191 : i32
          %get3A_193 = arith.index_cast %add3A_192 : i32 to index
          %get3A_194 = arith.constant 32 : index
          %get3A_195 = tpu.vector_load %arg12[%get3A_193, %get3A_194] {strides = array<i32>} : memref<128x128xf32, #tpu.memory_space<vmem>>, vector<1x16xf32>,
          %get3A_196 = vector.shape_cast %get3A_195 : vector<1x16xf32> to vector<16xf32>
          %add3A_197 = arith.addf %get3A_188, %get3A_196 : vector<16xf32>
          %mul3A_198 = arith.constant 2 : i32
          %mul3A_199 = arith.muli %mul3A_198, %scan3A_130 : i32
          %add3A_200 = arith.constant 0 : i32
          %add3A_201 = arith.addi %mul3A_199, %add3A_200 : i32
          %swap3A_202 = arith.index_cast %add3A_201 : i32 to index
          %swap3A_203 = arith.constant 32 : index
          %swap3A_204 = tpu.vector_load %arg12[%swap3A_202, %swap3A_203] {strides = array<i32>} : memref<128x128xf32, #tpu.memory_space<vmem>>, vector<1x16xf32>,
          %swap3A_205 = vector.shape_cast %swap3A_204 : vector<1x16xf32> to vector<16xf32>
          %swap3A_206 = vector.shape_cast %add3A_197 : vector<16xf32> to vector<1x16xf32>
          tpu.vector_store %arg12[%swap3A_202, %swap3A_203], %swap3A_206 {strides = array<i32>} : memref<128x128xf32, #tpu.memory_space<vmem>>, vector<1x16xf32>,
          %mul3A_207 = arith.constant 2 : i32
          %mul3A_208 = arith.muli %mul3A_207, %scan3A_130 : i32
          %add3A_209 = arith.constant 0 : i32
          %add3A_210 = arith.addi %mul3A_208, %add3A_209 : i32
          %get3A_211 = arith.index_cast %add3A_210 : i32 to index
          %get3A_212 = arith.constant 48 : index
          %get3A_213 = tpu.vector_load %arg11[%get3A_211, %get3A_212] {strides = array<i32>} : memref<128x128xf32, #tpu.memory_space<vmem>>, vector<1x16xf32>,
          %get3A_214 = vector.shape_cast %get3A_213 : vector<1x16xf32> to vector<16xf32>
          %mul3A_215 = arith.constant 2 : i32
          %mul3A_216 = arith.muli %mul3A_215, %scan3A_130 : i32
          %add3A_217 = arith.constant 0 : i32
          %add3A_218 = arith.addi %mul3A_216, %add3A_217 : i32
          %get3A_219 = arith.index_cast %add3A_218 : i32 to index
          %get3A_220 = arith.constant 48 : index
          %get3A_221 = tpu.vector_load %arg12[%get3A_219, %get3A_220] {strides = array<i32>} : memref<128x128xf32, #tpu.memory_space<vmem>>, vector<1x16xf32>,
          %get3A_222 = vector.shape_cast %get3A_221 : vector<1x16xf32> to vector<16xf32>
          %add3A_223 = arith.addf %get3A_214, %get3A_222 : vector<16xf32>
          %mul3A_224 = arith.constant 2 : i32
          %mul3A_225 = arith.muli %mul3A_224, %scan3A_130 : i32
          %add3A_226 = arith.constant 0 : i32
          %add3A_227 = arith.addi %mul3A_225, %add3A_226 : i32
          %swap3A_228 = arith.index_cast %add3A_227 : i32 to index
          %swap3A_229 = arith.constant 48 : index
          %swap3A_230 = tpu.vector_load %arg12[%swap3A_228, %swap3A_229] {strides = array<i32>} : memref<128x128xf32, #tpu.memory_space<vmem>>, vector<1x16xf32>,
          %swap3A_231 = vector.shape_cast %swap3A_230 : vector<1x16xf32> to vector<16xf32>
          %swap3A_232 = vector.shape_cast %add3A_223 : vector<16xf32> to vector<1x16xf32>
          tpu.vector_store %arg12[%swap3A_228, %swap3A_229], %swap3A_232 {strides = array<i32>} : memref<128x128xf32, #tpu.memory_space<vmem>>, vector<1x16xf32>,
          %mul3A_233 = arith.constant 2 : i32
          %mul3A_234 = arith.muli %mul3A_233, %scan3A_130 : i32
          %add3A_235 = arith.constant 0 : i32
          %add3A_236 = arith.addi %mul3A_234, %add3A_235 : i32
          %get3A_237 = arith.index_cast %add3A_236 : i32 to index
          %get3A_238 = arith.constant 64 : index
          %get3A_239 = tpu.vector_load %arg11[%get3A_237, %get3A_238] {strides = array<i32>} : memref<128x128xf32, #tpu.memory_space<vmem>>, vector<1x16xf32>,
          %get3A_240 = vector.shape_cast %get3A_239 : vector<1x16xf32> to vector<16xf32>
          %mul3A_241 = arith.constant 2 : i32
          %mul3A_242 = arith.muli %mul3A_241, %scan3A_130 : i32
          %add3A_243 = arith.constant 0 : i32
          %add3A_244 = arith.addi %mul3A_242, %add3A_243 : i32
          %get3A_245 = arith.index_cast %add3A_244 : i32 to index
          %get3A_246 = arith.constant 64 : index
          %get3A_247 = tpu.vector_load %arg12[%get3A_245, %get3A_246] {strides = array<i32>} : memref<128x128xf32, #tpu.memory_space<vmem>>, vector<1x16xf32>,
          %get3A_248 = vector.shape_cast %get3A_247 : vector<1x16xf32> to vector<16xf32>
          %add3A_249 = arith.addf %get3A_240, %get3A_248 : vector<16xf32>
          %mul3A_250 = arith.constant 2 : i32
          %mul3A_251 = arith.muli %mul3A_250, %scan3A_130 : i32
          %add3A_252 = arith.constant 0 : i32
          %add3A_253 = arith.addi %mul3A_251, %add3A_252 : i32
          %swap3A_254 = arith.index_cast %add3A_253 : i32 to index
          %swap3A_255 = arith.constant 64 : index
          %swap3A_256 = tpu.vector_load %arg12[%swap3A_254, %swap3A_255] {strides = array<i32>} : memref<128x128xf32, #tpu.memory_space<vmem>>, vector<1x16xf32>,
          %swap3A_257 = vector.shape_cast %swap3A_256 : vector<1x16xf32> to vector<16xf32>
          %swap3A_258 = vector.shape_cast %add3A_249 : vector<16xf32> to vector<1x16xf32>
          tpu.vector_store %arg12[%swap3A_254, %swap3A_255], %swap3A_258 {strides = array<i32>} : memref<128x128xf32, #tpu.memory_space<vmem>>, vector<1x16xf32>,
          %mul3A_259 = arith.constant 2 : i32
          %mul3A_260 = arith.muli %mul3A_259, %scan3A_130 : i32
          %add3A_261 = arith.constant 0 : i32
          %add3A_262 = arith.addi %mul3A_260, %add3A_261 : i32
          %get3A_263 = arith.index_cast %add3A_262 : i32 to index
          %get3A_264 = arith.constant 80 : index
          %get3A_265 = tpu.vector_load %arg11[%get3A_263, %get3A_264] {strides = array<i32>} : memref<128x128xf32, #tpu.memory_space<vmem>>, vector<1x16xf32>,
          %get3A_266 = vector.shape_cast %get3A_265 : vector<1x16xf32> to vector<16xf32>
          %mul3A_267 = arith.constant 2 : i32
          %mul3A_268 = arith.muli %mul3A_267, %scan3A_130 : i32
          %add3A_269 = arith.constant 0 : i32
          %add3A_270 = arith.addi %mul3A_268, %add3A_269 : i32
          %get3A_271 = arith.index_cast %add3A_270 : i32 to index
          %get3A_272 = arith.constant 80 : index
          %get3A_273 = tpu.vector_load %arg12[%get3A_271, %get3A_272] {strides = array<i32>} : memref<128x128xf32, #tpu.memory_space<vmem>>, vector<1x16xf32>,
          %get3A_274 = vector.shape_cast %get3A_273 : vector<1x16xf32> to vector<16xf32>
          %add3A_275 = arith.addf %get3A_266, %get3A_274 : vector<16xf32>
          %mul3A_276 = arith.constant 2 : i32
          %mul3A_277 = arith.muli %mul3A_276, %scan3A_130 : i32
          %add3A_278 = arith.constant 0 : i32
          %add3A_279 = arith.addi %mul3A_277, %add3A_278 : i32
          %swap3A_280 = arith.index_cast %add3A_279 : i32 to index
          %swap3A_281 = arith.constant 80 : index
          %swap3A_282 = tpu.vector_load %arg12[%swap3A_280, %swap3A_281] {strides = array<i32>} : memref<128x128xf32, #tpu.memory_space<vmem>>, vector<1x16xf32>,
          %swap3A_283 = vector.shape_cast %swap3A_282 : vector<1x16xf32> to vector<16xf32>
          %swap3A_284 = vector.shape_cast %add3A_275 : vector<16xf32> to vector<1x16xf32>
          tpu.vector_store %arg12[%swap3A_280, %swap3A_281], %swap3A_284 {strides = array<i32>} : memref<128x128xf32, #tpu.memory_space<vmem>>, vector<1x16xf32>,
          %mul3A_285 = arith.constant 2 : i32
          %mul3A_286 = arith.muli %mul3A_285, %scan3A_130 : i32
          %add3A_287 = arith.constant 0 : i32
          %add3A_288 = arith.addi %mul3A_286, %add3A_287 : i32
          %get3A_289 = arith.index_cast %add3A_288 : i32 to index
          %get3A_290 = arith.constant 96 : index
          %get3A_291 = tpu.vector_load %arg11[%get3A_289, %get3A_290] {strides = array<i32>} : memref<128x128xf32, #tpu.memory_space<vmem>>, vector<1x16xf32>,
          %get3A_292 = vector.shape_cast %get3A_291 : vector<1x16xf32> to vector<16xf32>
          %mul3A_293 = arith.constant 2 : i32
          %mul3A_294 = arith.muli %mul3A_293, %scan3A_130 : i32
          %add3A_295 = arith.constant 0 : i32
          %add3A_296 = arith.addi %mul3A_294, %add3A_295 : i32
          %get3A_297 = arith.index_cast %add3A_296 : i32 to index
          %get3A_298 = arith.constant 96 : index
          %get3A_299 = tpu.vector_load %arg12[%get3A_297, %get3A_298] {strides = array<i32>} : memref<128x128xf32, #tpu.memory_space<vmem>>, vector<1x16xf32>,
          %get3A_300 = vector.shape_cast %get3A_299 : vector<1x16xf32> to vector<16xf32>
          %add3A_301 = arith.addf %get3A_292, %get3A_300 : vector<16xf32>
          %mul3A_302 = arith.constant 2 : i32
          %mul3A_303 = arith.muli %mul3A_302, %scan3A_130 : i32
          %add3A_304 = arith.constant 0 : i32
          %add3A_305 = arith.addi %mul3A_303, %add3A_304 : i32
          %swap3A_306 = arith.index_cast %add3A_305 : i32 to index
          %swap3A_307 = arith.constant 96 : index
          %swap3A_308 = tpu.vector_load %arg12[%swap3A_306, %swap3A_307] {strides = array<i32>} : memref<128x128xf32, #tpu.memory_space<vmem>>, vector<1x16xf32>,
          %swap3A_309 = vector.shape_cast %swap3A_308 : vector<1x16xf32> to vector<16xf32>
          %swap3A_310 = vector.shape_cast %add3A_301 : vector<16xf32> to vector<1x16xf32>
          tpu.vector_store %arg12[%swap3A_306, %swap3A_307], %swap3A_310 {strides = array<i32>} : memref<128x128xf32, #tpu.memory_space<vmem>>, vector<1x16xf32>,
          %mul3A_311 = arith.constant 2 : i32
          %mul3A_312 = arith.muli %mul3A_311, %scan3A_130 : i32
          %add3A_313 = arith.constant 0 : i32
          %add3A_314 = arith.addi %mul3A_312, %add3A_313 : i32
          %get3A_315 = arith.index_cast %add3A_314 : i32 to index
          %get3A_316 = arith.constant 112 : index
          %get3A_317 = tpu.vector_load %arg11[%get3A_315, %get3A_316] {strides = array<i32>} : memref<128x128xf32, #tpu.memory_space<vmem>>, vector<1x16xf32>,
          %get3A_318 = vector.shape_cast %get3A_317 : vector<1x16xf32> to vector<16xf32>
          %mul3A_319 = arith.constant 2 : i32
          %mul3A_320 = arith.muli %mul3A_319, %scan3A_130 : i32
          %add3A_321 = arith.constant 0 : i32
          %add3A_322 = arith.addi %mul3A_320, %add3A_321 : i32
          %get3A_323 = arith.index_cast %add3A_322 : i32 to index
          %get3A_324 = arith.constant 112 : index
          %get3A_325 = tpu.vector_load %arg12[%get3A_323, %get3A_324] {strides = array<i32>} : memref<128x128xf32, #tpu.memory_space<vmem>>, vector<1x16xf32>,
          %get3A_326 = vector.shape_cast %get3A_325 : vector<1x16xf32> to vector<16xf32>
          %add3A_327 = arith.addf %get3A_318, %get3A_326 : vector<16xf32>
          %mul3A_328 = arith.constant 2 : i32
          %mul3A_329 = arith.muli %mul3A_328, %scan3A_130 : i32
          %add3A_330 = arith.constant 0 : i32
          %add3A_331 = arith.addi %mul3A_329, %add3A_330 : i32
          %swap3A_332 = arith.index_cast %add3A_331 : i32 to index
          %swap3A_333 = arith.constant 112 : index
          %swap3A_334 = tpu.vector_load %arg12[%swap3A_332, %swap3A_333] {strides = array<i32>} : memref<128x128xf32, #tpu.memory_space<vmem>>, vector<1x16xf32>,
          %swap3A_335 = vector.shape_cast %swap3A_334 : vector<1x16xf32> to vector<16xf32>
          %swap3A_336 = vector.shape_cast %add3A_327 : vector<16xf32> to vector<1x16xf32>
          tpu.vector_store %arg12[%swap3A_332, %swap3A_333], %swap3A_336 {strides = array<i32>} : memref<128x128xf32, #tpu.memory_space<vmem>>, vector<1x16xf32>,
          %mul3A_337 = arith.constant 2 : i32
          %mul3A_338 = arith.muli %mul3A_337, %scan3A_130 : i32
          %add3A_339 = arith.constant 1 : i32
          %add3A_340 = arith.addi %mul3A_338, %add3A_339 : i32
          %get3A_341 = arith.index_cast %add3A_340 : i32 to index
          %get3A_342 = arith.constant 0 : index
          %get3A_343 = tpu.vector_load %arg11[%get3A_341, %get3A_342] {strides = array<i32>} : memref<128x128xf32, #tpu.memory_space<vmem>>, vector<1x16xf32>,
          %get3A_344 = vector.shape_cast %get3A_343 : vector<1x16xf32> to vector<16xf32>
          %mul3A_345 = arith.constant 2 : i32
          %mul3A_346 = arith.muli %mul3A_345, %scan3A_130 : i32
          %add3A_347 = arith.constant 1 : i32
          %add3A_348 = arith.addi %mul3A_346, %add3A_347 : i32
          %get3A_349 = arith.index_cast %add3A_348 : i32 to index
          %get3A_350 = arith.constant 0 : index
          %get3A_351 = tpu.vector_load %arg12[%get3A_349, %get3A_350] {strides = array<i32>} : memref<128x128xf32, #tpu.memory_space<vmem>>, vector<1x16xf32>,
          %get3A_352 = vector.shape_cast %get3A_351 : vector<1x16xf32> to vector<16xf32>
          %add3A_353 = arith.addf %get3A_344, %get3A_352 : vector<16xf32>
          %mul3A_354 = arith.constant 2 : i32
          %mul3A_355 = arith.muli %mul3A_354, %scan3A_130 : i32
          %add3A_356 = arith.constant 1 : i32
          %add3A_357 = arith.addi %mul3A_355, %add3A_356 : i32
          %swap3A_358 = arith.index_cast %add3A_357 : i32 to index
          %swap3A_359 = arith.constant 0 : index
          %swap3A_360 = tpu.vector_load %arg12[%swap3A_358, %swap3A_359] {strides = array<i32>} : memref<128x128xf32, #tpu.memory_space<vmem>>, vector<1x16xf32>,
          %swap3A_361 = vector.shape_cast %swap3A_360 : vector<1x16xf32> to vector<16xf32>
          %swap3A_362 = vector.shape_cast %add3A_353 : vector<16xf32> to vector<1x16xf32>
          tpu.vector_store %arg12[%swap3A_358, %swap3A_359], %swap3A_362 {strides = array<i32>} : memref<128x128xf32, #tpu.memory_space<vmem>>, vector<1x16xf32>,
          %mul3A_363 = arith.constant 2 : i32
          %mul3A_364 = arith.muli %mul3A_363, %scan3A_130 : i32
          %add3A_365 = arith.constant 1 : i32
          %add3A_366 = arith.addi %mul3A_364, %add3A_365 : i32
          %get3A_367 = arith.index_cast %add3A_366 : i32 to index
          %get3A_368 = arith.constant 16 : index
          %get3A_369 = tpu.vector_load %arg11[%get3A_367, %get3A_368] {strides = array<i32>} : memref<128x128xf32, #tpu.memory_space<vmem>>, vector<1x16xf32>,
          %get3A_370 = vector.shape_cast %get3A_369 : vector<1x16xf32> to vector<16xf32>
          %mul3A_371 = arith.constant 2 : i32
          %mul3A_372 = arith.muli %mul3A_371, %scan3A_130 : i32
          %add3A_373 = arith.constant 1 : i32
          %add3A_374 = arith.addi %mul3A_372, %add3A_373 : i32
          %get3A_375 = arith.index_cast %add3A_374 : i32 to index
          %get3A_376 = arith.constant 16 : index
          %get3A_377 = tpu.vector_load %arg12[%get3A_375, %get3A_376] {strides = array<i32>} : memref<128x128xf32, #tpu.memory_space<vmem>>, vector<1x16xf32>,
          %get3A_378 = vector.shape_cast %get3A_377 : vector<1x16xf32> to vector<16xf32>
          %add3A_379 = arith.addf %get3A_370, %get3A_378 : vector<16xf32>
          %mul3A_380 = arith.constant 2 : i32
          %mul3A_381 = arith.muli %mul3A_380, %scan3A_130 : i32
          %add3A_382 = arith.constant 1 : i32
          %add3A_383 = arith.addi %mul3A_381, %add3A_382 : i32
          %swap3A_384 = arith.index_cast %add3A_383 : i32 to index
          %swap3A_385 = arith.constant 16 : index
          %swap3A_386 = tpu.vector_load %arg12[%swap3A_384, %swap3A_385] {strides = array<i32>} : memref<128x128xf32, #tpu.memory_space<vmem>>, vector<1x16xf32>,
          %swap3A_387 = vector.shape_cast %swap3A_386 : vector<1x16xf32> to vector<16xf32>
          %swap3A_388 = vector.shape_cast %add3A_379 : vector<16xf32> to vector<1x16xf32>
          tpu.vector_store %arg12[%swap3A_384, %swap3A_385], %swap3A_388 {strides = array<i32>} : memref<128x128xf32, #tpu.memory_space<vmem>>, vector<1x16xf32>,
          %mul3A_389 = arith.constant 2 : i32
          %mul3A_390 = arith.muli %mul3A_389, %scan3A_130 : i32
          %add3A_391 = arith.constant 1 : i32
          %add3A_392 = arith.addi %mul3A_390, %add3A_391 : i32
          %get3A_393 = arith.index_cast %add3A_392 : i32 to index
          %get3A_394 = arith.constant 32 : index
          %get3A_395 = tpu.vector_load %arg11[%get3A_393, %get3A_394] {strides = array<i32>} : memref<128x128xf32, #tpu.memory_space<vmem>>, vector<1x16xf32>,
          %get3A_396 = vector.shape_cast %get3A_395 : vector<1x16xf32> to vector<16xf32>
          %mul3A_397 = arith.constant 2 : i32
          %mul3A_398 = arith.muli %mul3A_397, %scan3A_130 : i32
          %add3A_399 = arith.constant 1 : i32
          %add3A_400 = arith.addi %mul3A_398, %add3A_399 : i32
          %get3A_401 = arith.index_cast %add3A_400 : i32 to index
          %get3A_402 = arith.constant 32 : index
          %get3A_403 = tpu.vector_load %arg12[%get3A_401, %get3A_402] {strides = array<i32>} : memref<128x128xf32, #tpu.memory_space<vmem>>, vector<1x16xf32>,
          %get3A_404 = vector.shape_cast %get3A_403 : vector<1x16xf32> to vector<16xf32>
          %add3A_405 = arith.addf %get3A_396, %get3A_404 : vector<16xf32>
          %mul3A_406 = arith.constant 2 : i32
          %mul3A_407 = arith.muli %mul3A_406, %scan3A_130 : i32
          %add3A_408 = arith.constant 1 : i32
          %add3A_409 = arith.addi %mul3A_407, %add3A_408 : i32
          %swap3A_410 = arith.index_cast %add3A_409 : i32 to index
          %swap3A_411 = arith.constant 32 : index
          %swap3A_412 = tpu.vector_load %arg12[%swap3A_410, %swap3A_411] {strides = array<i32>} : memref<128x128xf32, #tpu.memory_space<vmem>>, vector<1x16xf32>,
          %swap3A_413 = vector.shape_cast %swap3A_412 : vector<1x16xf32> to vector<16xf32>
          %swap3A_414 = vector.shape_cast %add3A_405 : vector<16xf32> to vector<1x16xf32>
          tpu.vector_store %arg12[%swap3A_410, %swap3A_411], %swap3A_414 {strides = array<i32>} : memref<128x128xf32, #tpu.memory_space<vmem>>, vector<1x16xf32>,
          %mul3A_415 = arith.constant 2 : i32
          %mul3A_416 = arith.muli %mul3A_415, %scan3A_130 : i32
          %add3A_417 = arith.constant 1 : i32
          %add3A_418 = arith.addi %mul3A_416, %add3A_417 : i32
          %get3A_419 = arith.index_cast %add3A_418 : i32 to index
          %get3A_420 = arith.constant 48 : index
          %get3A_421 = tpu.vector_load %arg11[%get3A_419, %get3A_420] {strides = array<i32>} : memref<128x128xf32, #tpu.memory_space<vmem>>, vector<1x16xf32>,
          %get3A_422 = vector.shape_cast %get3A_421 : vector<1x16xf32> to vector<16xf32>
          %mul3A_423 = arith.constant 2 : i32
          %mul3A_424 = arith.muli %mul3A_423, %scan3A_130 : i32
          %add3A_425 = arith.constant 1 : i32
          %add3A_426 = arith.addi %mul3A_424, %add3A_425 : i32
          %get3A_427 = arith.index_cast %add3A_426 : i32 to index
          %get3A_428 = arith.constant 48 : index
          %get3A_429 = tpu.vector_load %arg12[%get3A_427, %get3A_428] {strides = array<i32>} : memref<128x128xf32, #tpu.memory_space<vmem>>, vector<1x16xf32>,
          %get3A_430 = vector.shape_cast %get3A_429 : vector<1x16xf32> to vector<16xf32>
          %add3A_431 = arith.addf %get3A_422, %get3A_430 : vector<16xf32>
          %mul3A_432 = arith.constant 2 : i32
          %mul3A_433 = arith.muli %mul3A_432, %scan3A_130 : i32
          %add3A_434 = arith.constant 1 : i32
          %add3A_435 = arith.addi %mul3A_433, %add3A_434 : i32
          %swap3A_436 = arith.index_cast %add3A_435 : i32 to index
          %swap3A_437 = arith.constant 48 : index
          %swap3A_438 = tpu.vector_load %arg12[%swap3A_436, %swap3A_437] {strides = array<i32>} : memref<128x128xf32, #tpu.memory_space<vmem>>, vector<1x16xf32>,
          %swap3A_439 = vector.shape_cast %swap3A_438 : vector<1x16xf32> to vector<16xf32>
          %swap3A_440 = vector.shape_cast %add3A_431 : vector<16xf32> to vector<1x16xf32>
          tpu.vector_store %arg12[%swap3A_436, %swap3A_437], %swap3A_440 {strides = array<i32>} : memref<128x128xf32, #tpu.memory_space<vmem>>, vector<1x16xf32>,
          %mul3A_441 = arith.constant 2 : i32
          %mul3A_442 = arith.muli %mul3A_441, %scan3A_130 : i32
          %add3A_443 = arith.constant 1 : i32
          %add3A_444 = arith.addi %mul3A_442, %add3A_443 : i32
          %get3A_445 = arith.index_cast %add3A_444 : i32 to index
          %get3A_446 = arith.constant 64 : index
          %get3A_447 = tpu.vector_load %arg11[%get3A_445, %get3A_446] {strides = array<i32>} : memref<128x128xf32, #tpu.memory_space<vmem>>, vector<1x16xf32>,
          %get3A_448 = vector.shape_cast %get3A_447 : vector<1x16xf32> to vector<16xf32>
          %mul3A_449 = arith.constant 2 : i32
          %mul3A_450 = arith.muli %mul3A_449, %scan3A_130 : i32
          %add3A_451 = arith.constant 1 : i32
          %add3A_452 = arith.addi %mul3A_450, %add3A_451 : i32
          %get3A_453 = arith.index_cast %add3A_452 : i32 to index
          %get3A_454 = arith.constant 64 : index
          %get3A_455 = tpu.vector_load %arg12[%get3A_453, %get3A_454] {strides = array<i32>} : memref<128x128xf32, #tpu.memory_space<vmem>>, vector<1x16xf32>,
          %get3A_456 = vector.shape_cast %get3A_455 : vector<1x16xf32> to vector<16xf32>
          %add3A_457 = arith.addf %get3A_448, %get3A_456 : vector<16xf32>
          %mul3A_458 = arith.constant 2 : i32
          %mul3A_459 = arith.muli %mul3A_458, %scan3A_130 : i32
          %add3A_460 = arith.constant 1 : i32
          %add3A_461 = arith.addi %mul3A_459, %add3A_460 : i32
          %swap3A_462 = arith.index_cast %add3A_461 : i32 to index
          %swap3A_463 = arith.constant 64 : index
          %swap3A_464 = tpu.vector_load %arg12[%swap3A_462, %swap3A_463] {strides = array<i32>} : memref<128x128xf32, #tpu.memory_space<vmem>>, vector<1x16xf32>,
          %swap3A_465 = vector.shape_cast %swap3A_464 : vector<1x16xf32> to vector<16xf32>
          %swap3A_466 = vector.shape_cast %add3A_457 : vector<16xf32> to vector<1x16xf32>
          tpu.vector_store %arg12[%swap3A_462, %swap3A_463], %swap3A_466 {strides = array<i32>} : memref<128x128xf32, #tpu.memory_space<vmem>>, vector<1x16xf32>,
          %mul3A_467 = arith.constant 2 : i32
          %mul3A_468 = arith.muli %mul3A_467, %scan3A_130 : i32
          %add3A_469 = arith.constant 1 : i32
          %add3A_470 = arith.addi %mul3A_468, %add3A_469 : i32
          %get3A_471 = arith.index_cast %add3A_470 : i32 to index
          %get3A_472 = arith.constant 80 : index
          %get3A_473 = tpu.vector_load %arg11[%get3A_471, %get3A_472] {strides = array<i32>} : memref<128x128xf32, #tpu.memory_space<vmem>>, vector<1x16xf32>,
          %get3A_474 = vector.shape_cast %get3A_473 : vector<1x16xf32> to vector<16xf32>
          %mul3A_475 = arith.constant 2 : i32
          %mul3A_476 = arith.muli %mul3A_475, %scan3A_130 : i32
          %add3A_477 = arith.constant 1 : i32
          %add3A_478 = arith.addi %mul3A_476, %add3A_477 : i32
          %get3A_479 = arith.index_cast %add3A_478 : i32 to index
          %get3A_480 = arith.constant 80 : index
          %get3A_481 = tpu.vector_load %arg12[%get3A_479, %get3A_480] {strides = array<i32>} : memref<128x128xf32, #tpu.memory_space<vmem>>, vector<1x16xf32>,
          %get3A_482 = vector.shape_cast %get3A_481 : vector<1x16xf32> to vector<16xf32>
          %add3A_483 = arith.addf %get3A_474, %get3A_482 : vector<16xf32>
          %mul3A_484 = arith.constant 2 : i32
          %mul3A_485 = arith.muli %mul3A_484, %scan3A_130 : i32
          %add3A_486 = arith.constant 1 : i32
          %add3A_487 = arith.addi %mul3A_485, %add3A_486 : i32
          %swap3A_488 = arith.index_cast %add3A_487 : i32 to index
          %swap3A_489 = arith.constant 80 : index
          %swap3A_490 = tpu.vector_load %arg12[%swap3A_488, %swap3A_489] {strides = array<i32>} : memref<128x128xf32, #tpu.memory_space<vmem>>, vector<1x16xf32>,
          %swap3A_491 = vector.shape_cast %swap3A_490 : vector<1x16xf32> to vector<16xf32>
          %swap3A_492 = vector.shape_cast %add3A_483 : vector<16xf32> to vector<1x16xf32>
          tpu.vector_store %arg12[%swap3A_488, %swap3A_489], %swap3A_492 {strides = array<i32>} : memref<128x128xf32, #tpu.memory_space<vmem>>, vector<1x16xf32>,
          %mul3A_493 = arith.constant 2 : i32
          %mul3A_494 = arith.muli %mul3A_493, %scan3A_130 : i32
          %add3A_495 = arith.constant 1 : i32
          %add3A_496 = arith.addi %mul3A_494, %add3A_495 : i32
          %get3A_497 = arith.index_cast %add3A_496 : i32 to index
          %get3A_498 = arith.constant 96 : index
          %get3A_499 = tpu.vector_load %arg11[%get3A_497, %get3A_498] {strides = array<i32>} : memref<128x128xf32, #tpu.memory_space<vmem>>, vector<1x16xf32>,
          %get3A_500 = vector.shape_cast %get3A_499 : vector<1x16xf32> to vector<16xf32>
          %mul3A_501 = arith.constant 2 : i32
          %mul3A_502 = arith.muli %mul3A_501, %scan3A_130 : i32
          %add3A_503 = arith.constant 1 : i32
          %add3A_504 = arith.addi %mul3A_502, %add3A_503 : i32
          %get3A_505 = arith.index_cast %add3A_504 : i32 to index
          %get3A_506 = arith.constant 96 : index
          %get3A_507 = tpu.vector_load %arg12[%get3A_505, %get3A_506] {strides = array<i32>} : memref<128x128xf32, #tpu.memory_space<vmem>>, vector<1x16xf32>,
          %get3A_508 = vector.shape_cast %get3A_507 : vector<1x16xf32> to vector<16xf32>
          %add3A_509 = arith.addf %get3A_500, %get3A_508 : vector<16xf32>
          %mul3A_510 = arith.constant 2 : i32
          %mul3A_511 = arith.muli %mul3A_510, %scan3A_130 : i32
          %add3A_512 = arith.constant 1 : i32
          %add3A_513 = arith.addi %mul3A_511, %add3A_512 : i32
          %swap3A_514 = arith.index_cast %add3A_513 : i32 to index
          %swap3A_515 = arith.constant 96 : index
          %swap3A_516 = tpu.vector_load %arg12[%swap3A_514, %swap3A_515] {strides = array<i32>} : memref<128x128xf32, #tpu.memory_space<vmem>>, vector<1x16xf32>,
          %swap3A_517 = vector.shape_cast %swap3A_516 : vector<1x16xf32> to vector<16xf32>
          %swap3A_518 = vector.shape_cast %add3A_509 : vector<16xf32> to vector<1x16xf32>
          tpu.vector_store %arg12[%swap3A_514, %swap3A_515], %swap3A_518 {strides = array<i32>} : memref<128x128xf32, #tpu.memory_space<vmem>>, vector<1x16xf32>,
          %mul3A_519 = arith.constant 2 : i32
          %mul3A_520 = arith.muli %mul3A_519, %scan3A_130 : i32
          %add3A_521 = arith.constant 1 : i32
          %add3A_522 = arith.addi %mul3A_520, %add3A_521 : i32
          %get3A_523 = arith.index_cast %add3A_522 : i32 to index
          %get3A_524 = arith.constant 112 : index
          %get3A_525 = tpu.vector_load %arg11[%get3A_523, %get3A_524] {strides = array<i32>} : memref<128x128xf32, #tpu.memory_space<vmem>>, vector<1x16xf32>,
          %get3A_526 = vector.shape_cast %get3A_525 : vector<1x16xf32> to vector<16xf32>
          %mul3A_527 = arith.constant 2 : i32
          %mul3A_528 = arith.muli %mul3A_527, %scan3A_130 : i32
          %add3A_529 = arith.constant 1 : i32
          %add3A_530 = arith.addi %mul3A_528, %add3A_529 : i32
          %get3A_531 = arith.index_cast %add3A_530 : i32 to index
          %get3A_532 = arith.constant 112 : index
          %get3A_533 = tpu.vector_load %arg12[%get3A_531, %get3A_532] {strides = array<i32>} : memref<128x128xf32, #tpu.memory_space<vmem>>, vector<1x16xf32>,
          %get3A_534 = vector.shape_cast %get3A_533 : vector<1x16xf32> to vector<16xf32>
          %add3A_535 = arith.addf %get3A_526, %get3A_534 : vector<16xf32>
          %mul3A_536 = arith.constant 2 : i32
          %mul3A_537 = arith.muli %mul3A_536, %scan3A_130 : i32
          %add3A_538 = arith.constant 1 : i32
          %add3A_539 = arith.addi %mul3A_537, %add3A_538 : i32
          %swap3A_540 = arith.index_cast %add3A_539 : i32 to index
          %swap3A_541 = arith.constant 112 : index
          %swap3A_542 = tpu.vector_load %arg12[%swap3A_540, %swap3A_541] {strides = array<i32>} : memref<128x128xf32, #tpu.memory_space<vmem>>, vector<1x16xf32>,
          %swap3A_543 = vector.shape_cast %swap3A_542 : vector<1x16xf32> to vector<16xf32>
          %swap3A_544 = vector.shape_cast %add3A_535 : vector<16xf32> to vector<1x16xf32>
          tpu.vector_store %arg12[%swap3A_540, %swap3A_541], %swap3A_544 {strides = array<i32>} : memref<128x128xf32, #tpu.memory_space<vmem>>, vector<1x16xf32>,
        }
        %scan3A_114 = arith.constant 64 : i32
        %add3A_115 = arith.addi %add3A_4, %add3A_82 : i32
        %dma_start3A_116 = arith.constant 0 : i32
        %dma_start3A_117 = arith.constant 0 : i32
        %dma_start3A_118 = tpu.memref_slice %arg5[%add3A_115, %dma_start3A_116, %dma_start3A_117] : memref<2500x128x128xf32, #tpu.memory_space<hbm>> -> memref<1x128x128xf32, #tpu.memory_space<hbm>>
        %dma_start3A_119 = tpu.memref_squeeze %dma_start3A_118 : memref<1x128x128xf32, #tpu.memory_space<hbm>> -> memref<128x128xf32, #tpu.memory_space<hbm>>
        %dma_start3A_120 = arith.constant 0 : i32
        %dma_start3A_121 = arith.constant 0 : i32
        %dma_start3A_122 = tpu.memref_slice %arg5[%add3A_115, %dma_start3A_120, %dma_start3A_121] : memref<2500x128x128xf32, #tpu.memory_space<hbm>> -> memref<1x128x128xf32, #tpu.memory_space<hbm>>
        %dma_start3A_123 = tpu.memref_squeeze %dma_start3A_122 : memref<1x128x128xf32, #tpu.memory_space<hbm>> -> memref<128x128xf32, #tpu.memory_space<hbm>>
        tpu.enqueue_dma source(%arg12 : memref<128x128xf32, #tpu.memory_space<vmem>>) target(%dma_start3A_123 : memref<128x128xf32, #tpu.memory_space<hbm>>) target_semaphore(%arg19 : memref<!tpu.dma_semaphore, #tpu.memory_space<semaphore_mem>>)
        %add3A_124 = arith.constant 2 : i32
        %add3A_125 = arith.addi %add3A_82, %add3A_124 : i32
        %lt3A_126 = arith.cmpi slt, %add3A_125, %add3A_8 : i32
        %convert_element_type3A_127 = arith.extui %lt3A_126 : i1 to i32
        %cond3A_128 = arith.constant 0 : i32
        %cond3A_129 = arith.cmpi ne, %convert_element_type3A_127, %cond3A_128 : i32
        scf.if %cond3A_129 {
          %dma_wait3A_130 = arith.constant 0 : i32
          %dma_wait3A_131 = arith.constant 0 : i32
          %dma_wait3A_132 = tpu.memref_slice %arg5[%add3A_4, %dma_wait3A_130, %dma_wait3A_131] : memref<2500x128x128xf32, #tpu.memory_space<hbm>> -> memref<1x128x128xf32, #tpu.memory_space<hbm>>
          %dma_wait3A_133 = tpu.memref_squeeze %dma_wait3A_132 : memref<1x128x128xf32, #tpu.memory_space<hbm>> -> memref<128x128xf32, #tpu.memory_space<hbm>>
          %dma_wait3A_134 = arith.constant 0 : i32
          %dma_wait3A_135 = arith.constant 0 : i32
          %dma_wait3A_136 = tpu.memref_slice %arg5[%add3A_4, %dma_wait3A_134, %dma_wait3A_135] : memref<2500x128x128xf32, #tpu.memory_space<hbm>> -> memref<1x128x128xf32, #tpu.memory_space<hbm>>
          %dma_wait3A_137 = tpu.memref_squeeze %dma_wait3A_136 : memref<1x128x128xf32, #tpu.memory_space<hbm>> -> memref<128x128xf32, #tpu.memory_space<hbm>>
          tpu.wait_dma2 semaphore(%arg18 : memref<!tpu.dma_semaphore, #tpu.memory_space<semaphore_mem>>) src(%arg10 : memref<128x128xf32, #tpu.memory_space<vmem>>) dst(%dma_wait3A_137 : memref<128x128xf32, #tpu.memory_space<hbm>>)
          %add3A_138 = arith.constant 2 : i32
          %add3A_139 = arith.addi %add3A_82, %add3A_138 : i32
          %add3A_140 = arith.addi %add3A_4, %add3A_139 : i32
          %mul3A_141 = arith.constant 128 : i32
          %mul3A_142 = arith.muli %add3A_140, %mul3A_141 : i32
          "tpu.region"() ({
            %run_scoped3A = tpu.sem_alloc : memref<!tpu.dma_semaphore, #tpu.memory_space<semaphore_mem>>
            %dma_start3A_157 = arith.constant 0 : i32
            %dma_start3A_158 = tpu.memref_slice %arg4[%dma_start3A_157, %mul3A_142] : memref<2x320000xi32, #tpu.memory_space<hbm>> -> memref<2x128xi32, #tpu.memory_space<hbm>>
            %dma_start3A_159 = arith.constant 0 : i32
            %dma_start3A_160 = tpu.memref_slice %arg4[%dma_start3A_159, %mul3A_142] : memref<2x320000xi32, #tpu.memory_space<hbm>> -> memref<2x128xi32, #tpu.memory_space<hbm>>
            tpu.enqueue_dma source(%dma_start3A_160 : memref<2x128xi32, #tpu.memory_space<hbm>>) target(%arg6 : memref<2x128xi32, #tpu.memory_space<vmem>>) target_semaphore(%run_scoped3A : memref<!tpu.dma_semaphore, #tpu.memory_space<semaphore_mem>>)
            %dma_wait3A_161 = arith.constant 0 : i32
            %dma_wait3A_162 = tpu.memref_slice %arg4[%dma_wait3A_161, %mul3A_142] : memref<2x320000xi32, #tpu.memory_space<hbm>> -> memref<2x128xi32, #tpu.memory_space<hbm>>
            %dma_wait3A_163 = arith.constant 0 : i32
            %dma_wait3A_164 = tpu.memref_slice %arg4[%dma_wait3A_163, %mul3A_142] : memref<2x320000xi32, #tpu.memory_space<hbm>> -> memref<2x128xi32, #tpu.memory_space<hbm>>
            tpu.wait_dma2 semaphore(%run_scoped3A : memref<!tpu.dma_semaphore, #tpu.memory_space<semaphore_mem>>) src(%dma_wait3A_164 : memref<2x128xi32, #tpu.memory_space<hbm>>) dst(%arg6 : memref<2x128xi32, #tpu.memory_space<vmem>>)
            tpu.yield
          }) : () -> ()
          %dma_start3A_143 = arith.constant 1 : i32
          %dma_start3A_144 = arith.constant 0 : i32
          %dma_start3A_145 = tpu.memref_slice %arg6[%dma_start3A_143, %dma_start3A_144] : memref<2x128xi32, #tpu.memory_space<vmem>> -> memref<1x128xi32, #tpu.memory_space<vmem>>
          %dma_start3A_146 = tpu.memref_squeeze %dma_start3A_145 : memref<1x128xi32, #tpu.memory_space<vmem>> -> memref<128xi32, #tpu.memory_space<vmem>>
          %dma_start3A_147 = arith.constant 0 : i32
          %dma_start3A_148 = arith.constant 0 : i32
          %dma_start3A_149 = tpu.memref_slice %arg2[%dma_start3A_147, %dma_start3A_148] : memref<10000x128xf32, #tpu.memory_space<hbm>> -> memref<10000x128xf32, #tpu.memory_space<hbm>>
          tpu.enqueue_indirect_dma source(%dma_start3A_149 : memref<10000x128xf32, #tpu.memory_space<hbm>>) target(%arg9 : memref<128x128xf32, #tpu.memory_space<vmem>>) offsets(%dma_start3A_146 : memref<128xi32, #tpu.memory_space<vmem>>) semaphore(%arg15 : memref<!tpu.dma_semaphore, #tpu.memory_space<semaphore_mem>>)
          %dma_start3A_150 = arith.constant 0 : i32
          %dma_start3A_151 = arith.constant 0 : i32
          %dma_start3A_152 = tpu.memref_slice %arg6[%dma_start3A_150, %dma_start3A_151] : memref<2x128xi32, #tpu.memory_space<vmem>> -> memref<1x128xi32, #tpu.memory_space<vmem>>
          %dma_start3A_153 = tpu.memref_squeeze %dma_start3A_152 : memref<1x128xi32, #tpu.memory_space<vmem>> -> memref<128xi32, #tpu.memory_space<vmem>>
          %dma_start3A_154 = arith.constant 0 : i32
          %dma_start3A_155 = arith.constant 0 : i32
          %dma_start3A_156 = tpu.memref_slice %arg3[%dma_start3A_154, %dma_start3A_155] : memref<10000x128xf32, #tpu.memory_space<hbm>> -> memref<10000x128xf32, #tpu.memory_space<hbm>>
          tpu.enqueue_indirect_dma source(%dma_start3A_156 : memref<10000x128xf32, #tpu.memory_space<hbm>>) target(%arg10 : memref<128x128xf32, #tpu.memory_space<vmem>>) offsets(%dma_start3A_153 : memref<128xi32, #tpu.memory_space<vmem>>) semaphore(%arg15 : memref<!tpu.dma_semaphore, #tpu.memory_space<semaphore_mem>>)
        } else {
        }
      } else {
      }
      %mul3A_87 = arith.constant 3 : i32
      %mul3A_88 = arith.muli %mul3A_87, %scan3A_72 : i32
      %add3A_89 = arith.constant 2 : i32
      %add3A_90 = arith.addi %mul3A_88, %add3A_89 : i32
      %lt3A_91 = arith.cmpi slt, %add3A_90, %add3A_8 : i32
      %convert_element_type3A_92 = arith.extui %lt3A_91 : i1 to i32
      %cond3A_93 = arith.constant 0 : i32
      %cond3A_94 = arith.cmpi ne, %convert_element_type3A_92, %cond3A_93 : i32
      scf.if %cond3A_94 {
        %dma_wait3A_95 = arith.constant 1 : i32
        %dma_wait3A_96 = arith.constant 0 : i32
        %dma_wait3A_97 = tpu.memref_slice %arg8[%dma_wait3A_95, %dma_wait3A_96] : memref<2x128xi32, #tpu.memory_space<vmem>> -> memref<1x128xi32, #tpu.memory_space<vmem>>
        %dma_wait3A_98 = tpu.memref_squeeze %dma_wait3A_97 : memref<1x128xi32, #tpu.memory_space<vmem>> -> memref<128xi32, #tpu.memory_space<vmem>>
        %dma_wait3A_99 = arith.constant 0 : i32
        %dma_wait3A_100 = arith.constant 0 : i32
        %dma_wait3A_101 = tpu.memref_slice %arg2[%dma_wait3A_99, %dma_wait3A_100] : memref<10000x128xf32, #tpu.memory_space<hbm>> -> memref<10000x128xf32, #tpu.memory_space<hbm>>
        tpu.wait_indirect_dma semaphore(%arg17 : memref<!tpu.dma_semaphore, #tpu.memory_space<semaphore_mem>>) src(%dma_wait3A_101 : memref<10000x128xf32, #tpu.memory_space<hbm>>) dst(%arg13 : memref<128x128xf32, #tpu.memory_space<vmem>>)
        %dma_wait3A_102 = arith.constant 0 : i32
        %dma_wait3A_103 = arith.constant 0 : i32
        %dma_wait3A_104 = tpu.memref_slice %arg8[%dma_wait3A_102, %dma_wait3A_103] : memref<2x128xi32, #tpu.memory_space<vmem>> -> memref<1x128xi32, #tpu.memory_space<vmem>>
        %dma_wait3A_105 = tpu.memref_squeeze %dma_wait3A_104 : memref<1x128xi32, #tpu.memory_space<vmem>> -> memref<128xi32, #tpu.memory_space<vmem>>
        %dma_wait3A_106 = arith.constant 0 : i32
        %dma_wait3A_107 = arith.constant 0 : i32
        %dma_wait3A_108 = tpu.memref_slice %arg3[%dma_wait3A_106, %dma_wait3A_107] : memref<10000x128xf32, #tpu.memory_space<hbm>> -> memref<10000x128xf32, #tpu.memory_space<hbm>>
        tpu.wait_indirect_dma semaphore(%arg17 : memref<!tpu.dma_semaphore, #tpu.memory_space<semaphore_mem>>) src(%dma_wait3A_108 : memref<10000x128xf32, #tpu.memory_space<hbm>>) dst(%arg14 : memref<128x128xf32, #tpu.memory_space<vmem>>)
        %scan3A_109 = arith.constant 0 : i32
        %scan3A_110 = arith.constant 0 : i32
        %scan3A_111 = arith.constant 64 : i32
        %scan3A_112 = arith.addi %scan3A_110, %scan3A_111 : i32
        %scan3A_113 = arith.constant 1 : i32
        scf.for %scan3A_130 = %scan3A_110 to %scan3A_112 step %scan3A_113  : i32 {
          %mul3A_131 = arith.constant 2 : i32
          %mul3A_132 = arith.muli %mul3A_131, %scan3A_130 : i32
          %add3A_133 = arith.constant 0 : i32
          %add3A_134 = arith.addi %mul3A_132, %add3A_133 : i32
          %get3A = arith.index_cast %add3A_134 : i32 to index
          %get3A_135 = arith.constant 0 : index
          %get3A_136 = tpu.vector_load %arg13[%get3A, %get3A_135] {strides = array<i32>} : memref<128x128xf32, #tpu.memory_space<vmem>>, vector<1x16xf32>,
          %get3A_137 = vector.shape_cast %get3A_136 : vector<1x16xf32> to vector<16xf32>
          %mul3A_138 = arith.constant 2 : i32
          %mul3A_139 = arith.muli %mul3A_138, %scan3A_130 : i32
          %add3A_140 = arith.constant 0 : i32
          %add3A_141 = arith.addi %mul3A_139, %add3A_140 : i32
          %get3A_142 = arith.index_cast %add3A_141 : i32 to index
          %get3A_143 = arith.constant 0 : index
          %get3A_144 = tpu.vector_load %arg14[%get3A_142, %get3A_143] {strides = array<i32>} : memref<128x128xf32, #tpu.memory_space<vmem>>, vector<1x16xf32>,
          %get3A_145 = vector.shape_cast %get3A_144 : vector<1x16xf32> to vector<16xf32>
          %add3A_146 = arith.addf %get3A_137, %get3A_145 : vector<16xf32>
          %mul3A_147 = arith.constant 2 : i32
          %mul3A_148 = arith.muli %mul3A_147, %scan3A_130 : i32
          %add3A_149 = arith.constant 0 : i32
          %add3A_150 = arith.addi %mul3A_148, %add3A_149 : i32
          %swap3A = arith.index_cast %add3A_150 : i32 to index
          %swap3A_151 = arith.constant 0 : index
          %swap3A_152 = tpu.vector_load %arg14[%swap3A, %swap3A_151] {strides = array<i32>} : memref<128x128xf32, #tpu.memory_space<vmem>>, vector<1x16xf32>,
          %swap3A_153 = vector.shape_cast %swap3A_152 : vector<1x16xf32> to vector<16xf32>
          %swap3A_154 = vector.shape_cast %add3A_146 : vector<16xf32> to vector<1x16xf32>
          tpu.vector_store %arg14[%swap3A, %swap3A_151], %swap3A_154 {strides = array<i32>} : memref<128x128xf32, #tpu.memory_space<vmem>>, vector<1x16xf32>,
          %mul3A_155 = arith.constant 2 : i32
          %mul3A_156 = arith.muli %mul3A_155, %scan3A_130 : i32
          %add3A_157 = arith.constant 0 : i32
          %add3A_158 = arith.addi %mul3A_156, %add3A_157 : i32
          %get3A_159 = arith.index_cast %add3A_158 : i32 to index
          %get3A_160 = arith.constant 16 : index
          %get3A_161 = tpu.vector_load %arg13[%get3A_159, %get3A_160] {strides = array<i32>} : memref<128x128xf32, #tpu.memory_space<vmem>>, vector<1x16xf32>,
          %get3A_162 = vector.shape_cast %get3A_161 : vector<1x16xf32> to vector<16xf32>
          %mul3A_163 = arith.constant 2 : i32
          %mul3A_164 = arith.muli %mul3A_163, %scan3A_130 : i32
          %add3A_165 = arith.constant 0 : i32
          %add3A_166 = arith.addi %mul3A_164, %add3A_165 : i32
          %get3A_167 = arith.index_cast %add3A_166 : i32 to index
          %get3A_168 = arith.constant 16 : index
          %get3A_169 = tpu.vector_load %arg14[%get3A_167, %get3A_168] {strides = array<i32>} : memref<128x128xf32, #tpu.memory_space<vmem>>, vector<1x16xf32>,
          %get3A_170 = vector.shape_cast %get3A_169 : vector<1x16xf32> to vector<16xf32>
          %add3A_171 = arith.addf %get3A_162, %get3A_170 : vector<16xf32>
          %mul3A_172 = arith.constant 2 : i32
          %mul3A_173 = arith.muli %mul3A_172, %scan3A_130 : i32
          %add3A_174 = arith.constant 0 : i32
          %add3A_175 = arith.addi %mul3A_173, %add3A_174 : i32
          %swap3A_176 = arith.index_cast %add3A_175 : i32 to index
          %swap3A_177 = arith.constant 16 : index
          %swap3A_178 = tpu.vector_load %arg14[%swap3A_176, %swap3A_177] {strides = array<i32>} : memref<128x128xf32, #tpu.memory_space<vmem>>, vector<1x16xf32>,
          %swap3A_179 = vector.shape_cast %swap3A_178 : vector<1x16xf32> to vector<16xf32>
          %swap3A_180 = vector.shape_cast %add3A_171 : vector<16xf32> to vector<1x16xf32>
          tpu.vector_store %arg14[%swap3A_176, %swap3A_177], %swap3A_180 {strides = array<i32>} : memref<128x128xf32, #tpu.memory_space<vmem>>, vector<1x16xf32>,
          %mul3A_181 = arith.constant 2 : i32
          %mul3A_182 = arith.muli %mul3A_181, %scan3A_130 : i32
          %add3A_183 = arith.constant 0 : i32
          %add3A_184 = arith.addi %mul3A_182, %add3A_183 : i32
          %get3A_185 = arith.index_cast %add3A_184 : i32 to index
          %get3A_186 = arith.constant 32 : index
          %get3A_187 = tpu.vector_load %arg13[%get3A_185, %get3A_186] {strides = array<i32>} : memref<128x128xf32, #tpu.memory_space<vmem>>, vector<1x16xf32>,
          %get3A_188 = vector.shape_cast %get3A_187 : vector<1x16xf32> to vector<16xf32>
          %mul3A_189 = arith.constant 2 : i32
          %mul3A_190 = arith.muli %mul3A_189, %scan3A_130 : i32
          %add3A_191 = arith.constant 0 : i32
          %add3A_192 = arith.addi %mul3A_190, %add3A_191 : i32
          %get3A_193 = arith.index_cast %add3A_192 : i32 to index
          %get3A_194 = arith.constant 32 : index
          %get3A_195 = tpu.vector_load %arg14[%get3A_193, %get3A_194] {strides = array<i32>} : memref<128x128xf32, #tpu.memory_space<vmem>>, vector<1x16xf32>,
          %get3A_196 = vector.shape_cast %get3A_195 : vector<1x16xf32> to vector<16xf32>
          %add3A_197 = arith.addf %get3A_188, %get3A_196 : vector<16xf32>
          %mul3A_198 = arith.constant 2 : i32
          %mul3A_199 = arith.muli %mul3A_198, %scan3A_130 : i32
          %add3A_200 = arith.constant 0 : i32
          %add3A_201 = arith.addi %mul3A_199, %add3A_200 : i32
          %swap3A_202 = arith.index_cast %add3A_201 : i32 to index
          %swap3A_203 = arith.constant 32 : index
          %swap3A_204 = tpu.vector_load %arg14[%swap3A_202, %swap3A_203] {strides = array<i32>} : memref<128x128xf32, #tpu.memory_space<vmem>>, vector<1x16xf32>,
          %swap3A_205 = vector.shape_cast %swap3A_204 : vector<1x16xf32> to vector<16xf32>
          %swap3A_206 = vector.shape_cast %add3A_197 : vector<16xf32> to vector<1x16xf32>
          tpu.vector_store %arg14[%swap3A_202, %swap3A_203], %swap3A_206 {strides = array<i32>} : memref<128x128xf32, #tpu.memory_space<vmem>>, vector<1x16xf32>,
          %mul3A_207 = arith.constant 2 : i32
          %mul3A_208 = arith.muli %mul3A_207, %scan3A_130 : i32
          %add3A_209 = arith.constant 0 : i32
          %add3A_210 = arith.addi %mul3A_208, %add3A_209 : i32
          %get3A_211 = arith.index_cast %add3A_210 : i32 to index
          %get3A_212 = arith.constant 48 : index
          %get3A_213 = tpu.vector_load %arg13[%get3A_211, %get3A_212] {strides = array<i32>} : memref<128x128xf32, #tpu.memory_space<vmem>>, vector<1x16xf32>,
          %get3A_214 = vector.shape_cast %get3A_213 : vector<1x16xf32> to vector<16xf32>
          %mul3A_215 = arith.constant 2 : i32
          %mul3A_216 = arith.muli %mul3A_215, %scan3A_130 : i32
          %add3A_217 = arith.constant 0 : i32
          %add3A_218 = arith.addi %mul3A_216, %add3A_217 : i32
          %get3A_219 = arith.index_cast %add3A_218 : i32 to index
          %get3A_220 = arith.constant 48 : index
          %get3A_221 = tpu.vector_load %arg14[%get3A_219, %get3A_220] {strides = array<i32>} : memref<128x128xf32, #tpu.memory_space<vmem>>, vector<1x16xf32>,
          %get3A_222 = vector.shape_cast %get3A_221 : vector<1x16xf32> to vector<16xf32>
          %add3A_223 = arith.addf %get3A_214, %get3A_222 : vector<16xf32>
          %mul3A_224 = arith.constant 2 : i32
          %mul3A_225 = arith.muli %mul3A_224, %scan3A_130 : i32
          %add3A_226 = arith.constant 0 : i32
          %add3A_227 = arith.addi %mul3A_225, %add3A_226 : i32
          %swap3A_228 = arith.index_cast %add3A_227 : i32 to index
          %swap3A_229 = arith.constant 48 : index
          %swap3A_230 = tpu.vector_load %arg14[%swap3A_228, %swap3A_229] {strides = array<i32>} : memref<128x128xf32, #tpu.memory_space<vmem>>, vector<1x16xf32>,
          %swap3A_231 = vector.shape_cast %swap3A_230 : vector<1x16xf32> to vector<16xf32>
          %swap3A_232 = vector.shape_cast %add3A_223 : vector<16xf32> to vector<1x16xf32>
          tpu.vector_store %arg14[%swap3A_228, %swap3A_229], %swap3A_232 {strides = array<i32>} : memref<128x128xf32, #tpu.memory_space<vmem>>, vector<1x16xf32>,
          %mul3A_233 = arith.constant 2 : i32
          %mul3A_234 = arith.muli %mul3A_233, %scan3A_130 : i32
          %add3A_235 = arith.constant 0 : i32
          %add3A_236 = arith.addi %mul3A_234, %add3A_235 : i32
          %get3A_237 = arith.index_cast %add3A_236 : i32 to index
          %get3A_238 = arith.constant 64 : index
          %get3A_239 = tpu.vector_load %arg13[%get3A_237, %get3A_238] {strides = array<i32>} : memref<128x128xf32, #tpu.memory_space<vmem>>, vector<1x16xf32>,
          %get3A_240 = vector.shape_cast %get3A_239 : vector<1x16xf32> to vector<16xf32>
          %mul3A_241 = arith.constant 2 : i32
          %mul3A_242 = arith.muli %mul3A_241, %scan3A_130 : i32
          %add3A_243 = arith.constant 0 : i32
          %add3A_244 = arith.addi %mul3A_242, %add3A_243 : i32
          %get3A_245 = arith.index_cast %add3A_244 : i32 to index
          %get3A_246 = arith.constant 64 : index
          %get3A_247 = tpu.vector_load %arg14[%get3A_245, %get3A_246] {strides = array<i32>} : memref<128x128xf32, #tpu.memory_space<vmem>>, vector<1x16xf32>,
          %get3A_248 = vector.shape_cast %get3A_247 : vector<1x16xf32> to vector<16xf32>
          %add3A_249 = arith.addf %get3A_240, %get3A_248 : vector<16xf32>
          %mul3A_250 = arith.constant 2 : i32
          %mul3A_251 = arith.muli %mul3A_250, %scan3A_130 : i32
          %add3A_252 = arith.constant 0 : i32
          %add3A_253 = arith.addi %mul3A_251, %add3A_252 : i32
          %swap3A_254 = arith.index_cast %add3A_253 : i32 to index
          %swap3A_255 = arith.constant 64 : index
          %swap3A_256 = tpu.vector_load %arg14[%swap3A_254, %swap3A_255] {strides = array<i32>} : memref<128x128xf32, #tpu.memory_space<vmem>>, vector<1x16xf32>,
          %swap3A_257 = vector.shape_cast %swap3A_256 : vector<1x16xf32> to vector<16xf32>
          %swap3A_258 = vector.shape_cast %add3A_249 : vector<16xf32> to vector<1x16xf32>
          tpu.vector_store %arg14[%swap3A_254, %swap3A_255], %swap3A_258 {strides = array<i32>} : memref<128x128xf32, #tpu.memory_space<vmem>>, vector<1x16xf32>,
          %mul3A_259 = arith.constant 2 : i32
          %mul3A_260 = arith.muli %mul3A_259, %scan3A_130 : i32
          %add3A_261 = arith.constant 0 : i32
          %add3A_262 = arith.addi %mul3A_260, %add3A_261 : i32
          %get3A_263 = arith.index_cast %add3A_262 : i32 to index
          %get3A_264 = arith.constant 80 : index
          %get3A_265 = tpu.vector_load %arg13[%get3A_263, %get3A_264] {strides = array<i32>} : memref<128x128xf32, #tpu.memory_space<vmem>>, vector<1x16xf32>,
          %get3A_266 = vector.shape_cast %get3A_265 : vector<1x16xf32> to vector<16xf32>
          %mul3A_267 = arith.constant 2 : i32
          %mul3A_268 = arith.muli %mul3A_267, %scan3A_130 : i32
          %add3A_269 = arith.constant 0 : i32
          %add3A_270 = arith.addi %mul3A_268, %add3A_269 : i32
          %get3A_271 = arith.index_cast %add3A_270 : i32 to index
          %get3A_272 = arith.constant 80 : index
          %get3A_273 = tpu.vector_load %arg14[%get3A_271, %get3A_272] {strides = array<i32>} : memref<128x128xf32, #tpu.memory_space<vmem>>, vector<1x16xf32>,
          %get3A_274 = vector.shape_cast %get3A_273 : vector<1x16xf32> to vector<16xf32>
          %add3A_275 = arith.addf %get3A_266, %get3A_274 : vector<16xf32>
          %mul3A_276 = arith.constant 2 : i32
          %mul3A_277 = arith.muli %mul3A_276, %scan3A_130 : i32
          %add3A_278 = arith.constant 0 : i32
          %add3A_279 = arith.addi %mul3A_277, %add3A_278 : i32
          %swap3A_280 = arith.index_cast %add3A_279 : i32 to index
          %swap3A_281 = arith.constant 80 : index
          %swap3A_282 = tpu.vector_load %arg14[%swap3A_280, %swap3A_281] {strides = array<i32>} : memref<128x128xf32, #tpu.memory_space<vmem>>, vector<1x16xf32>,
          %swap3A_283 = vector.shape_cast %swap3A_282 : vector<1x16xf32> to vector<16xf32>
          %swap3A_284 = vector.shape_cast %add3A_275 : vector<16xf32> to vector<1x16xf32>
          tpu.vector_store %arg14[%swap3A_280, %swap3A_281], %swap3A_284 {strides = array<i32>} : memref<128x128xf32, #tpu.memory_space<vmem>>, vector<1x16xf32>,
          %mul3A_285 = arith.constant 2 : i32
          %mul3A_286 = arith.muli %mul3A_285, %scan3A_130 : i32
          %add3A_287 = arith.constant 0 : i32
          %add3A_288 = arith.addi %mul3A_286, %add3A_287 : i32
          %get3A_289 = arith.index_cast %add3A_288 : i32 to index
          %get3A_290 = arith.constant 96 : index
          %get3A_291 = tpu.vector_load %arg13[%get3A_289, %get3A_290] {strides = array<i32>} : memref<128x128xf32, #tpu.memory_space<vmem>>, vector<1x16xf32>,
          %get3A_292 = vector.shape_cast %get3A_291 : vector<1x16xf32> to vector<16xf32>
          %mul3A_293 = arith.constant 2 : i32
          %mul3A_294 = arith.muli %mul3A_293, %scan3A_130 : i32
          %add3A_295 = arith.constant 0 : i32
          %add3A_296 = arith.addi %mul3A_294, %add3A_295 : i32
          %get3A_297 = arith.index_cast %add3A_296 : i32 to index
          %get3A_298 = arith.constant 96 : index
          %get3A_299 = tpu.vector_load %arg14[%get3A_297, %get3A_298] {strides = array<i32>} : memref<128x128xf32, #tpu.memory_space<vmem>>, vector<1x16xf32>,
          %get3A_300 = vector.shape_cast %get3A_299 : vector<1x16xf32> to vector<16xf32>
          %add3A_301 = arith.addf %get3A_292, %get3A_300 : vector<16xf32>
          %mul3A_302 = arith.constant 2 : i32
          %mul3A_303 = arith.muli %mul3A_302, %scan3A_130 : i32
          %add3A_304 = arith.constant 0 : i32
          %add3A_305 = arith.addi %mul3A_303, %add3A_304 : i32
          %swap3A_306 = arith.index_cast %add3A_305 : i32 to index
          %swap3A_307 = arith.constant 96 : index
          %swap3A_308 = tpu.vector_load %arg14[%swap3A_306, %swap3A_307] {strides = array<i32>} : memref<128x128xf32, #tpu.memory_space<vmem>>, vector<1x16xf32>,
          %swap3A_309 = vector.shape_cast %swap3A_308 : vector<1x16xf32> to vector<16xf32>
          %swap3A_310 = vector.shape_cast %add3A_301 : vector<16xf32> to vector<1x16xf32>
          tpu.vector_store %arg14[%swap3A_306, %swap3A_307], %swap3A_310 {strides = array<i32>} : memref<128x128xf32, #tpu.memory_space<vmem>>, vector<1x16xf32>,
          %mul3A_311 = arith.constant 2 : i32
          %mul3A_312 = arith.muli %mul3A_311, %scan3A_130 : i32
          %add3A_313 = arith.constant 0 : i32
          %add3A_314 = arith.addi %mul3A_312, %add3A_313 : i32
          %get3A_315 = arith.index_cast %add3A_314 : i32 to index
          %get3A_316 = arith.constant 112 : index
          %get3A_317 = tpu.vector_load %arg13[%get3A_315, %get3A_316] {strides = array<i32>} : memref<128x128xf32, #tpu.memory_space<vmem>>, vector<1x16xf32>,
          %get3A_318 = vector.shape_cast %get3A_317 : vector<1x16xf32> to vector<16xf32>
          %mul3A_319 = arith.constant 2 : i32
          %mul3A_320 = arith.muli %mul3A_319, %scan3A_130 : i32
          %add3A_321 = arith.constant 0 : i32
          %add3A_322 = arith.addi %mul3A_320, %add3A_321 : i32
          %get3A_323 = arith.index_cast %add3A_322 : i32 to index
          %get3A_324 = arith.constant 112 : index
          %get3A_325 = tpu.vector_load %arg14[%get3A_323, %get3A_324] {strides = array<i32>} : memref<128x128xf32, #tpu.memory_space<vmem>>, vector<1x16xf32>,
          %get3A_326 = vector.shape_cast %get3A_325 : vector<1x16xf32> to vector<16xf32>
          %add3A_327 = arith.addf %get3A_318, %get3A_326 : vector<16xf32>
          %mul3A_328 = arith.constant 2 : i32
          %mul3A_329 = arith.muli %mul3A_328, %scan3A_130 : i32
          %add3A_330 = arith.constant 0 : i32
          %add3A_331 = arith.addi %mul3A_329, %add3A_330 : i32
          %swap3A_332 = arith.index_cast %add3A_331 : i32 to index
          %swap3A_333 = arith.constant 112 : index
          %swap3A_334 = tpu.vector_load %arg14[%swap3A_332, %swap3A_333] {strides = array<i32>} : memref<128x128xf32, #tpu.memory_space<vmem>>, vector<1x16xf32>,
          %swap3A_335 = vector.shape_cast %swap3A_334 : vector<1x16xf32> to vector<16xf32>
          %swap3A_336 = vector.shape_cast %add3A_327 : vector<16xf32> to vector<1x16xf32>
          tpu.vector_store %arg14[%swap3A_332, %swap3A_333], %swap3A_336 {strides = array<i32>} : memref<128x128xf32, #tpu.memory_space<vmem>>, vector<1x16xf32>,
          %mul3A_337 = arith.constant 2 : i32
          %mul3A_338 = arith.muli %mul3A_337, %scan3A_130 : i32
          %add3A_339 = arith.constant 1 : i32
          %add3A_340 = arith.addi %mul3A_338, %add3A_339 : i32
          %get3A_341 = arith.index_cast %add3A_340 : i32 to index
          %get3A_342 = arith.constant 0 : index
          %get3A_343 = tpu.vector_load %arg13[%get3A_341, %get3A_342] {strides = array<i32>} : memref<128x128xf32, #tpu.memory_space<vmem>>, vector<1x16xf32>,
          %get3A_344 = vector.shape_cast %get3A_343 : vector<1x16xf32> to vector<16xf32>
          %mul3A_345 = arith.constant 2 : i32
          %mul3A_346 = arith.muli %mul3A_345, %scan3A_130 : i32
          %add3A_347 = arith.constant 1 : i32
          %add3A_348 = arith.addi %mul3A_346, %add3A_347 : i32
          %get3A_349 = arith.index_cast %add3A_348 : i32 to index
          %get3A_350 = arith.constant 0 : index
          %get3A_351 = tpu.vector_load %arg14[%get3A_349, %get3A_350] {strides = array<i32>} : memref<128x128xf32, #tpu.memory_space<vmem>>, vector<1x16xf32>,
          %get3A_352 = vector.shape_cast %get3A_351 : vector<1x16xf32> to vector<16xf32>
          %add3A_353 = arith.addf %get3A_344, %get3A_352 : vector<16xf32>
          %mul3A_354 = arith.constant 2 : i32
          %mul3A_355 = arith.muli %mul3A_354, %scan3A_130 : i32
          %add3A_356 = arith.constant 1 : i32
          %add3A_357 = arith.addi %mul3A_355, %add3A_356 : i32
          %swap3A_358 = arith.index_cast %add3A_357 : i32 to index
          %swap3A_359 = arith.constant 0 : index
          %swap3A_360 = tpu.vector_load %arg14[%swap3A_358, %swap3A_359] {strides = array<i32>} : memref<128x128xf32, #tpu.memory_space<vmem>>, vector<1x16xf32>,
          %swap3A_361 = vector.shape_cast %swap3A_360 : vector<1x16xf32> to vector<16xf32>
          %swap3A_362 = vector.shape_cast %add3A_353 : vector<16xf32> to vector<1x16xf32>
          tpu.vector_store %arg14[%swap3A_358, %swap3A_359], %swap3A_362 {strides = array<i32>} : memref<128x128xf32, #tpu.memory_space<vmem>>, vector<1x16xf32>,
          %mul3A_363 = arith.constant 2 : i32
          %mul3A_364 = arith.muli %mul3A_363, %scan3A_130 : i32
          %add3A_365 = arith.constant 1 : i32
          %add3A_366 = arith.addi %mul3A_364, %add3A_365 : i32
          %get3A_367 = arith.index_cast %add3A_366 : i32 to index
          %get3A_368 = arith.constant 16 : index
          %get3A_369 = tpu.vector_load %arg13[%get3A_367, %get3A_368] {strides = array<i32>} : memref<128x128xf32, #tpu.memory_space<vmem>>, vector<1x16xf32>,
          %get3A_370 = vector.shape_cast %get3A_369 : vector<1x16xf32> to vector<16xf32>
          %mul3A_371 = arith.constant 2 : i32
          %mul3A_372 = arith.muli %mul3A_371, %scan3A_130 : i32
          %add3A_373 = arith.constant 1 : i32
          %add3A_374 = arith.addi %mul3A_372, %add3A_373 : i32
          %get3A_375 = arith.index_cast %add3A_374 : i32 to index
          %get3A_376 = arith.constant 16 : index
          %get3A_377 = tpu.vector_load %arg14[%get3A_375, %get3A_376] {strides = array<i32>} : memref<128x128xf32, #tpu.memory_space<vmem>>, vector<1x16xf32>,
          %get3A_378 = vector.shape_cast %get3A_377 : vector<1x16xf32> to vector<16xf32>
          %add3A_379 = arith.addf %get3A_370, %get3A_378 : vector<16xf32>
          %mul3A_380 = arith.constant 2 : i32
          %mul3A_381 = arith.muli %mul3A_380, %scan3A_130 : i32
          %add3A_382 = arith.constant 1 : i32
          %add3A_383 = arith.addi %mul3A_381, %add3A_382 : i32
          %swap3A_384 = arith.index_cast %add3A_383 : i32 to index
          %swap3A_385 = arith.constant 16 : index
          %swap3A_386 = tpu.vector_load %arg14[%swap3A_384, %swap3A_385] {strides = array<i32>} : memref<128x128xf32, #tpu.memory_space<vmem>>, vector<1x16xf32>,
          %swap3A_387 = vector.shape_cast %swap3A_386 : vector<1x16xf32> to vector<16xf32>
          %swap3A_388 = vector.shape_cast %add3A_379 : vector<16xf32> to vector<1x16xf32>
          tpu.vector_store %arg14[%swap3A_384, %swap3A_385], %swap3A_388 {strides = array<i32>} : memref<128x128xf32, #tpu.memory_space<vmem>>, vector<1x16xf32>,
          %mul3A_389 = arith.constant 2 : i32
          %mul3A_390 = arith.muli %mul3A_389, %scan3A_130 : i32
          %add3A_391 = arith.constant 1 : i32
          %add3A_392 = arith.addi %mul3A_390, %add3A_391 : i32
          %get3A_393 = arith.index_cast %add3A_392 : i32 to index
          %get3A_394 = arith.constant 32 : index
          %get3A_395 = tpu.vector_load %arg13[%get3A_393, %get3A_394] {strides = array<i32>} : memref<128x128xf32, #tpu.memory_space<vmem>>, vector<1x16xf32>,
          %get3A_396 = vector.shape_cast %get3A_395 : vector<1x16xf32> to vector<16xf32>
          %mul3A_397 = arith.constant 2 : i32
          %mul3A_398 = arith.muli %mul3A_397, %scan3A_130 : i32
          %add3A_399 = arith.constant 1 : i32
          %add3A_400 = arith.addi %mul3A_398, %add3A_399 : i32
          %get3A_401 = arith.index_cast %add3A_400 : i32 to index
          %get3A_402 = arith.constant 32 : index
          %get3A_403 = tpu.vector_load %arg14[%get3A_401, %get3A_402] {strides = array<i32>} : memref<128x128xf32, #tpu.memory_space<vmem>>, vector<1x16xf32>,
          %get3A_404 = vector.shape_cast %get3A_403 : vector<1x16xf32> to vector<16xf32>
          %add3A_405 = arith.addf %get3A_396, %get3A_404 : vector<16xf32>
          %mul3A_406 = arith.constant 2 : i32
          %mul3A_407 = arith.muli %mul3A_406, %scan3A_130 : i32
          %add3A_408 = arith.constant 1 : i32
          %add3A_409 = arith.addi %mul3A_407, %add3A_408 : i32
          %swap3A_410 = arith.index_cast %add3A_409 : i32 to index
          %swap3A_411 = arith.constant 32 : index
          %swap3A_412 = tpu.vector_load %arg14[%swap3A_410, %swap3A_411] {strides = array<i32>} : memref<128x128xf32, #tpu.memory_space<vmem>>, vector<1x16xf32>,
          %swap3A_413 = vector.shape_cast %swap3A_412 : vector<1x16xf32> to vector<16xf32>
          %swap3A_414 = vector.shape_cast %add3A_405 : vector<16xf32> to vector<1x16xf32>
          tpu.vector_store %arg14[%swap3A_410, %swap3A_411], %swap3A_414 {strides = array<i32>} : memref<128x128xf32, #tpu.memory_space<vmem>>, vector<1x16xf32>,
          %mul3A_415 = arith.constant 2 : i32
          %mul3A_416 = arith.muli %mul3A_415, %scan3A_130 : i32
          %add3A_417 = arith.constant 1 : i32
          %add3A_418 = arith.addi %mul3A_416, %add3A_417 : i32
          %get3A_419 = arith.index_cast %add3A_418 : i32 to index
          %get3A_420 = arith.constant 48 : index
          %get3A_421 = tpu.vector_load %arg13[%get3A_419, %get3A_420] {strides = array<i32>} : memref<128x128xf32, #tpu.memory_space<vmem>>, vector<1x16xf32>,
          %get3A_422 = vector.shape_cast %get3A_421 : vector<1x16xf32> to vector<16xf32>
          %mul3A_423 = arith.constant 2 : i32
          %mul3A_424 = arith.muli %mul3A_423, %scan3A_130 : i32
          %add3A_425 = arith.constant 1 : i32
          %add3A_426 = arith.addi %mul3A_424, %add3A_425 : i32
          %get3A_427 = arith.index_cast %add3A_426 : i32 to index
          %get3A_428 = arith.constant 48 : index
          %get3A_429 = tpu.vector_load %arg14[%get3A_427, %get3A_428] {strides = array<i32>} : memref<128x128xf32, #tpu.memory_space<vmem>>, vector<1x16xf32>,
          %get3A_430 = vector.shape_cast %get3A_429 : vector<1x16xf32> to vector<16xf32>
          %add3A_431 = arith.addf %get3A_422, %get3A_430 : vector<16xf32>
          %mul3A_432 = arith.constant 2 : i32
          %mul3A_433 = arith.muli %mul3A_432, %scan3A_130 : i32
          %add3A_434 = arith.constant 1 : i32
          %add3A_435 = arith.addi %mul3A_433, %add3A_434 : i32
          %swap3A_436 = arith.index_cast %add3A_435 : i32 to index
          %swap3A_437 = arith.constant 48 : index
          %swap3A_438 = tpu.vector_load %arg14[%swap3A_436, %swap3A_437] {strides = array<i32>} : memref<128x128xf32, #tpu.memory_space<vmem>>, vector<1x16xf32>,
          %swap3A_439 = vector.shape_cast %swap3A_438 : vector<1x16xf32> to vector<16xf32>
          %swap3A_440 = vector.shape_cast %add3A_431 : vector<16xf32> to vector<1x16xf32>
          tpu.vector_store %arg14[%swap3A_436, %swap3A_437], %swap3A_440 {strides = array<i32>} : memref<128x128xf32, #tpu.memory_space<vmem>>, vector<1x16xf32>,
          %mul3A_441 = arith.constant 2 : i32
          %mul3A_442 = arith.muli %mul3A_441, %scan3A_130 : i32
          %add3A_443 = arith.constant 1 : i32
          %add3A_444 = arith.addi %mul3A_442, %add3A_443 : i32
          %get3A_445 = arith.index_cast %add3A_444 : i32 to index
          %get3A_446 = arith.constant 64 : index
          %get3A_447 = tpu.vector_load %arg13[%get3A_445, %get3A_446] {strides = array<i32>} : memref<128x128xf32, #tpu.memory_space<vmem>>, vector<1x16xf32>,
          %get3A_448 = vector.shape_cast %get3A_447 : vector<1x16xf32> to vector<16xf32>
          %mul3A_449 = arith.constant 2 : i32
          %mul3A_450 = arith.muli %mul3A_449, %scan3A_130 : i32
          %add3A_451 = arith.constant 1 : i32
          %add3A_452 = arith.addi %mul3A_450, %add3A_451 : i32
          %get3A_453 = arith.index_cast %add3A_452 : i32 to index
          %get3A_454 = arith.constant 64 : index
          %get3A_455 = tpu.vector_load %arg14[%get3A_453, %get3A_454] {strides = array<i32>} : memref<128x128xf32, #tpu.memory_space<vmem>>, vector<1x16xf32>,
          %get3A_456 = vector.shape_cast %get3A_455 : vector<1x16xf32> to vector<16xf32>
          %add3A_457 = arith.addf %get3A_448, %get3A_456 : vector<16xf32>
          %mul3A_458 = arith.constant 2 : i32
          %mul3A_459 = arith.muli %mul3A_458, %scan3A_130 : i32
          %add3A_460 = arith.constant 1 : i32
          %add3A_461 = arith.addi %mul3A_459, %add3A_460 : i32
          %swap3A_462 = arith.index_cast %add3A_461 : i32 to index
          %swap3A_463 = arith.constant 64 : index
          %swap3A_464 = tpu.vector_load %arg14[%swap3A_462, %swap3A_463] {strides = array<i32>} : memref<128x128xf32, #tpu.memory_space<vmem>>, vector<1x16xf32>,
          %swap3A_465 = vector.shape_cast %swap3A_464 : vector<1x16xf32> to vector<16xf32>
          %swap3A_466 = vector.shape_cast %add3A_457 : vector<16xf32> to vector<1x16xf32>
          tpu.vector_store %arg14[%swap3A_462, %swap3A_463], %swap3A_466 {strides = array<i32>} : memref<128x128xf32, #tpu.memory_space<vmem>>, vector<1x16xf32>,
          %mul3A_467 = arith.constant 2 : i32
          %mul3A_468 = arith.muli %mul3A_467, %scan3A_130 : i32
          %add3A_469 = arith.constant 1 : i32
          %add3A_470 = arith.addi %mul3A_468, %add3A_469 : i32
          %get3A_471 = arith.index_cast %add3A_470 : i32 to index
          %get3A_472 = arith.constant 80 : index
          %get3A_473 = tpu.vector_load %arg13[%get3A_471, %get3A_472] {strides = array<i32>} : memref<128x128xf32, #tpu.memory_space<vmem>>, vector<1x16xf32>,
          %get3A_474 = vector.shape_cast %get3A_473 : vector<1x16xf32> to vector<16xf32>
          %mul3A_475 = arith.constant 2 : i32
          %mul3A_476 = arith.muli %mul3A_475, %scan3A_130 : i32
          %add3A_477 = arith.constant 1 : i32
          %add3A_478 = arith.addi %mul3A_476, %add3A_477 : i32
          %get3A_479 = arith.index_cast %add3A_478 : i32 to index
          %get3A_480 = arith.constant 80 : index
          %get3A_481 = tpu.vector_load %arg14[%get3A_479, %get3A_480] {strides = array<i32>} : memref<128x128xf32, #tpu.memory_space<vmem>>, vector<1x16xf32>,
          %get3A_482 = vector.shape_cast %get3A_481 : vector<1x16xf32> to vector<16xf32>
          %add3A_483 = arith.addf %get3A_474, %get3A_482 : vector<16xf32>
          %mul3A_484 = arith.constant 2 : i32
          %mul3A_485 = arith.muli %mul3A_484, %scan3A_130 : i32
          %add3A_486 = arith.constant 1 : i32
          %add3A_487 = arith.addi %mul3A_485, %add3A_486 : i32
          %swap3A_488 = arith.index_cast %add3A_487 : i32 to index
          %swap3A_489 = arith.constant 80 : index
          %swap3A_490 = tpu.vector_load %arg14[%swap3A_488, %swap3A_489] {strides = array<i32>} : memref<128x128xf32, #tpu.memory_space<vmem>>, vector<1x16xf32>,
          %swap3A_491 = vector.shape_cast %swap3A_490 : vector<1x16xf32> to vector<16xf32>
          %swap3A_492 = vector.shape_cast %add3A_483 : vector<16xf32> to vector<1x16xf32>
          tpu.vector_store %arg14[%swap3A_488, %swap3A_489], %swap3A_492 {strides = array<i32>} : memref<128x128xf32, #tpu.memory_space<vmem>>, vector<1x16xf32>,
          %mul3A_493 = arith.constant 2 : i32
          %mul3A_494 = arith.muli %mul3A_493, %scan3A_130 : i32
          %add3A_495 = arith.constant 1 : i32
          %add3A_496 = arith.addi %mul3A_494, %add3A_495 : i32
          %get3A_497 = arith.index_cast %add3A_496 : i32 to index
          %get3A_498 = arith.constant 96 : index
          %get3A_499 = tpu.vector_load %arg13[%get3A_497, %get3A_498] {strides = array<i32>} : memref<128x128xf32, #tpu.memory_space<vmem>>, vector<1x16xf32>,
          %get3A_500 = vector.shape_cast %get3A_499 : vector<1x16xf32> to vector<16xf32>
          %mul3A_501 = arith.constant 2 : i32
          %mul3A_502 = arith.muli %mul3A_501, %scan3A_130 : i32
          %add3A_503 = arith.constant 1 : i32
          %add3A_504 = arith.addi %mul3A_502, %add3A_503 : i32
          %get3A_505 = arith.index_cast %add3A_504 : i32 to index
          %get3A_506 = arith.constant 96 : index
          %get3A_507 = tpu.vector_load %arg14[%get3A_505, %get3A_506] {strides = array<i32>} : memref<128x128xf32, #tpu.memory_space<vmem>>, vector<1x16xf32>,
          %get3A_508 = vector.shape_cast %get3A_507 : vector<1x16xf32> to vector<16xf32>
          %add3A_509 = arith.addf %get3A_500, %get3A_508 : vector<16xf32>
          %mul3A_510 = arith.constant 2 : i32
          %mul3A_511 = arith.muli %mul3A_510, %scan3A_130 : i32
          %add3A_512 = arith.constant 1 : i32
          %add3A_513 = arith.addi %mul3A_511, %add3A_512 : i32
          %swap3A_514 = arith.index_cast %add3A_513 : i32 to index
          %swap3A_515 = arith.constant 96 : index
          %swap3A_516 = tpu.vector_load %arg14[%swap3A_514, %swap3A_515] {strides = array<i32>} : memref<128x128xf32, #tpu.memory_space<vmem>>, vector<1x16xf32>,
          %swap3A_517 = vector.shape_cast %swap3A_516 : vector<1x16xf32> to vector<16xf32>
          %swap3A_518 = vector.shape_cast %add3A_509 : vector<16xf32> to vector<1x16xf32>
          tpu.vector_store %arg14[%swap3A_514, %swap3A_515], %swap3A_518 {strides = array<i32>} : memref<128x128xf32, #tpu.memory_space<vmem>>, vector<1x16xf32>,
          %mul3A_519 = arith.constant 2 : i32
          %mul3A_520 = arith.muli %mul3A_519, %scan3A_130 : i32
          %add3A_521 = arith.constant 1 : i32
          %add3A_522 = arith.addi %mul3A_520, %add3A_521 : i32
          %get3A_523 = arith.index_cast %add3A_522 : i32 to index
          %get3A_524 = arith.constant 112 : index
          %get3A_525 = tpu.vector_load %arg13[%get3A_523, %get3A_524] {strides = array<i32>} : memref<128x128xf32, #tpu.memory_space<vmem>>, vector<1x16xf32>,
          %get3A_526 = vector.shape_cast %get3A_525 : vector<1x16xf32> to vector<16xf32>
          %mul3A_527 = arith.constant 2 : i32
          %mul3A_528 = arith.muli %mul3A_527, %scan3A_130 : i32
          %add3A_529 = arith.constant 1 : i32
          %add3A_530 = arith.addi %mul3A_528, %add3A_529 : i32
          %get3A_531 = arith.index_cast %add3A_530 : i32 to index
          %get3A_532 = arith.constant 112 : index
          %get3A_533 = tpu.vector_load %arg14[%get3A_531, %get3A_532] {strides = array<i32>} : memref<128x128xf32, #tpu.memory_space<vmem>>, vector<1x16xf32>,
          %get3A_534 = vector.shape_cast %get3A_533 : vector<1x16xf32> to vector<16xf32>
          %add3A_535 = arith.addf %get3A_526, %get3A_534 : vector<16xf32>
          %mul3A_536 = arith.constant 2 : i32
          %mul3A_537 = arith.muli %mul3A_536, %scan3A_130 : i32
          %add3A_538 = arith.constant 1 : i32
          %add3A_539 = arith.addi %mul3A_537, %add3A_538 : i32
          %swap3A_540 = arith.index_cast %add3A_539 : i32 to index
          %swap3A_541 = arith.constant 112 : index
          %swap3A_542 = tpu.vector_load %arg14[%swap3A_540, %swap3A_541] {strides = array<i32>} : memref<128x128xf32, #tpu.memory_space<vmem>>, vector<1x16xf32>,
          %swap3A_543 = vector.shape_cast %swap3A_542 : vector<1x16xf32> to vector<16xf32>
          %swap3A_544 = vector.shape_cast %add3A_535 : vector<16xf32> to vector<1x16xf32>
          tpu.vector_store %arg14[%swap3A_540, %swap3A_541], %swap3A_544 {strides = array<i32>} : memref<128x128xf32, #tpu.memory_space<vmem>>, vector<1x16xf32>,
        }
        %scan3A_114 = arith.constant 64 : i32
        %add3A_115 = arith.addi %add3A_4, %add3A_90 : i32
        %dma_start3A_116 = arith.constant 0 : i32
        %dma_start3A_117 = arith.constant 0 : i32
        %dma_start3A_118 = tpu.memref_slice %arg5[%add3A_115, %dma_start3A_116, %dma_start3A_117] : memref<2500x128x128xf32, #tpu.memory_space<hbm>> -> memref<1x128x128xf32, #tpu.memory_space<hbm>>
        %dma_start3A_119 = tpu.memref_squeeze %dma_start3A_118 : memref<1x128x128xf32, #tpu.memory_space<hbm>> -> memref<128x128xf32, #tpu.memory_space<hbm>>
        %dma_start3A_120 = arith.constant 0 : i32
        %dma_start3A_121 = arith.constant 0 : i32
        %dma_start3A_122 = tpu.memref_slice %arg5[%add3A_115, %dma_start3A_120, %dma_start3A_121] : memref<2500x128x128xf32, #tpu.memory_space<hbm>> -> memref<1x128x128xf32, #tpu.memory_space<hbm>>
        %dma_start3A_123 = tpu.memref_squeeze %dma_start3A_122 : memref<1x128x128xf32, #tpu.memory_space<hbm>> -> memref<128x128xf32, #tpu.memory_space<hbm>>
        tpu.enqueue_dma source(%arg14 : memref<128x128xf32, #tpu.memory_space<vmem>>) target(%dma_start3A_123 : memref<128x128xf32, #tpu.memory_space<hbm>>) target_semaphore(%arg20 : memref<!tpu.dma_semaphore, #tpu.memory_space<semaphore_mem>>)
        %add3A_124 = arith.constant 2 : i32
        %add3A_125 = arith.addi %add3A_90, %add3A_124 : i32
        %lt3A_126 = arith.cmpi slt, %add3A_125, %add3A_8 : i32
        %convert_element_type3A_127 = arith.extui %lt3A_126 : i1 to i32
        %cond3A_128 = arith.constant 0 : i32
        %cond3A_129 = arith.cmpi ne, %convert_element_type3A_127, %cond3A_128 : i32
        scf.if %cond3A_129 {
          %dma_wait3A_130 = arith.constant 0 : i32
          %dma_wait3A_131 = arith.constant 0 : i32
          %dma_wait3A_132 = tpu.memref_slice %arg5[%add3A_4, %dma_wait3A_130, %dma_wait3A_131] : memref<2500x128x128xf32, #tpu.memory_space<hbm>> -> memref<1x128x128xf32, #tpu.memory_space<hbm>>
          %dma_wait3A_133 = tpu.memref_squeeze %dma_wait3A_132 : memref<1x128x128xf32, #tpu.memory_space<hbm>> -> memref<128x128xf32, #tpu.memory_space<hbm>>
          %dma_wait3A_134 = arith.constant 0 : i32
          %dma_wait3A_135 = arith.constant 0 : i32
          %dma_wait3A_136 = tpu.memref_slice %arg5[%add3A_4, %dma_wait3A_134, %dma_wait3A_135] : memref<2500x128x128xf32, #tpu.memory_space<hbm>> -> memref<1x128x128xf32, #tpu.memory_space<hbm>>
          %dma_wait3A_137 = tpu.memref_squeeze %dma_wait3A_136 : memref<1x128x128xf32, #tpu.memory_space<hbm>> -> memref<128x128xf32, #tpu.memory_space<hbm>>
          tpu.wait_dma2 semaphore(%arg19 : memref<!tpu.dma_semaphore, #tpu.memory_space<semaphore_mem>>) src(%arg12 : memref<128x128xf32, #tpu.memory_space<vmem>>) dst(%dma_wait3A_137 : memref<128x128xf32, #tpu.memory_space<hbm>>)
          %add3A_138 = arith.constant 2 : i32
          %add3A_139 = arith.addi %add3A_90, %add3A_138 : i32
          %add3A_140 = arith.addi %add3A_4, %add3A_139 : i32
          %mul3A_141 = arith.constant 128 : i32
          %mul3A_142 = arith.muli %add3A_140, %mul3A_141 : i32
          "tpu.region"() ({
            %run_scoped3A = tpu.sem_alloc : memref<!tpu.dma_semaphore, #tpu.memory_space<semaphore_mem>>
            %dma_start3A_157 = arith.constant 0 : i32
            %dma_start3A_158 = tpu.memref_slice %arg4[%dma_start3A_157, %mul3A_142] : memref<2x320000xi32, #tpu.memory_space<hbm>> -> memref<2x128xi32, #tpu.memory_space<hbm>>
            %dma_start3A_159 = arith.constant 0 : i32
            %dma_start3A_160 = tpu.memref_slice %arg4[%dma_start3A_159, %mul3A_142] : memref<2x320000xi32, #tpu.memory_space<hbm>> -> memref<2x128xi32, #tpu.memory_space<hbm>>
            tpu.enqueue_dma source(%dma_start3A_160 : memref<2x128xi32, #tpu.memory_space<hbm>>) target(%arg7 : memref<2x128xi32, #tpu.memory_space<vmem>>) target_semaphore(%run_scoped3A : memref<!tpu.dma_semaphore, #tpu.memory_space<semaphore_mem>>)
            %dma_wait3A_161 = arith.constant 0 : i32
            %dma_wait3A_162 = tpu.memref_slice %arg4[%dma_wait3A_161, %mul3A_142] : memref<2x320000xi32, #tpu.memory_space<hbm>> -> memref<2x128xi32, #tpu.memory_space<hbm>>
            %dma_wait3A_163 = arith.constant 0 : i32
            %dma_wait3A_164 = tpu.memref_slice %arg4[%dma_wait3A_163, %mul3A_142] : memref<2x320000xi32, #tpu.memory_space<hbm>> -> memref<2x128xi32, #tpu.memory_space<hbm>>
            tpu.wait_dma2 semaphore(%run_scoped3A : memref<!tpu.dma_semaphore, #tpu.memory_space<semaphore_mem>>) src(%dma_wait3A_164 : memref<2x128xi32, #tpu.memory_space<hbm>>) dst(%arg7 : memref<2x128xi32, #tpu.memory_space<vmem>>)
            tpu.yield
          }) : () -> ()
          %dma_start3A_143 = arith.constant 1 : i32
          %dma_start3A_144 = arith.constant 0 : i32
          %dma_start3A_145 = tpu.memref_slice %arg7[%dma_start3A_143, %dma_start3A_144] : memref<2x128xi32, #tpu.memory_space<vmem>> -> memref<1x128xi32, #tpu.memory_space<vmem>>
          %dma_start3A_146 = tpu.memref_squeeze %dma_start3A_145 : memref<1x128xi32, #tpu.memory_space<vmem>> -> memref<128xi32, #tpu.memory_space<vmem>>
          %dma_start3A_147 = arith.constant 0 : i32
          %dma_start3A_148 = arith.constant 0 : i32
          %dma_start3A_149 = tpu.memref_slice %arg2[%dma_start3A_147, %dma_start3A_148] : memref<10000x128xf32, #tpu.memory_space<hbm>> -> memref<10000x128xf32, #tpu.memory_space<hbm>>
          tpu.enqueue_indirect_dma source(%dma_start3A_149 : memref<10000x128xf32, #tpu.memory_space<hbm>>) target(%arg11 : memref<128x128xf32, #tpu.memory_space<vmem>>) offsets(%dma_start3A_146 : memref<128xi32, #tpu.memory_space<vmem>>) semaphore(%arg16 : memref<!tpu.dma_semaphore, #tpu.memory_space<semaphore_mem>>)
          %dma_start3A_150 = arith.constant 0 : i32
          %dma_start3A_151 = arith.constant 0 : i32
          %dma_start3A_152 = tpu.memref_slice %arg7[%dma_start3A_150, %dma_start3A_151] : memref<2x128xi32, #tpu.memory_space<vmem>> -> memref<1x128xi32, #tpu.memory_space<vmem>>
          %dma_start3A_153 = tpu.memref_squeeze %dma_start3A_152 : memref<1x128xi32, #tpu.memory_space<vmem>> -> memref<128xi32, #tpu.memory_space<vmem>>
          %dma_start3A_154 = arith.constant 0 : i32
          %dma_start3A_155 = arith.constant 0 : i32
          %dma_start3A_156 = tpu.memref_slice %arg3[%dma_start3A_154, %dma_start3A_155] : memref<10000x128xf32, #tpu.memory_space<hbm>> -> memref<10000x128xf32, #tpu.memory_space<hbm>>
          tpu.enqueue_indirect_dma source(%dma_start3A_156 : memref<10000x128xf32, #tpu.memory_space<hbm>>) target(%arg12 : memref<128x128xf32, #tpu.memory_space<vmem>>) offsets(%dma_start3A_153 : memref<128xi32, #tpu.memory_space<vmem>>) semaphore(%arg16 : memref<!tpu.dma_semaphore, #tpu.memory_space<semaphore_mem>>)
        } else {
        }
      } else {
      }
    }
    %scan3A_48 = arith.constant 27 : i32
    %dma_wait3A = arith.constant 0 : i32
    %dma_wait3A_49 = arith.constant 0 : i32
    %dma_wait3A_50 = tpu.memref_slice %arg5[%add3A_4, %dma_wait3A, %dma_wait3A_49] : memref<2500x128x128xf32, #tpu.memory_space<hbm>> -> memref<1x128x128xf32, #tpu.memory_space<hbm>>
    %dma_wait3A_51 = tpu.memref_squeeze %dma_wait3A_50 : memref<1x128x128xf32, #tpu.memory_space<hbm>> -> memref<128x128xf32, #tpu.memory_space<hbm>>
    %dma_wait3A_52 = arith.constant 0 : i32
    %dma_wait3A_53 = arith.constant 0 : i32
    %dma_wait3A_54 = tpu.memref_slice %arg5[%add3A_4, %dma_wait3A_52, %dma_wait3A_53] : memref<2500x128x128xf32, #tpu.memory_space<hbm>> -> memref<1x128x128xf32, #tpu.memory_space<hbm>>
    %dma_wait3A_55 = tpu.memref_squeeze %dma_wait3A_54 : memref<1x128x128xf32, #tpu.memory_space<hbm>> -> memref<128x128xf32, #tpu.memory_space<hbm>>
    tpu.wait_dma2 semaphore(%arg18 : memref<!tpu.dma_semaphore, #tpu.memory_space<semaphore_mem>>) src(%arg10 : memref<128x128xf32, #tpu.memory_space<vmem>>) dst(%dma_wait3A_55 : memref<128x128xf32, #tpu.memory_space<hbm>>)
    %dma_wait3A_56 = arith.constant 0 : i32
    %dma_wait3A_57 = arith.constant 0 : i32
    %dma_wait3A_58 = tpu.memref_slice %arg5[%add3A_4, %dma_wait3A_56, %dma_wait3A_57] : memref<2500x128x128xf32, #tpu.memory_space<hbm>> -> memref<1x128x128xf32, #tpu.memory_space<hbm>>
    %dma_wait3A_59 = tpu.memref_squeeze %dma_wait3A_58 : memref<1x128x128xf32, #tpu.memory_space<hbm>> -> memref<128x128xf32, #tpu.memory_space<hbm>>
    %dma_wait3A_60 = arith.constant 0 : i32
    %dma_wait3A_61 = arith.constant 0 : i32
    %dma_wait3A_62 = tpu.memref_slice %arg5[%add3A_4, %dma_wait3A_60, %dma_wait3A_61] : memref<2500x128x128xf32, #tpu.memory_space<hbm>> -> memref<1x128x128xf32, #tpu.memory_space<hbm>>
    %dma_wait3A_63 = tpu.memref_squeeze %dma_wait3A_62 : memref<1x128x128xf32, #tpu.memory_space<hbm>> -> memref<128x128xf32, #tpu.memory_space<hbm>>
    tpu.wait_dma2 semaphore(%arg19 : memref<!tpu.dma_semaphore, #tpu.memory_space<semaphore_mem>>) src(%arg12 : memref<128x128xf32, #tpu.memory_space<vmem>>) dst(%dma_wait3A_63 : memref<128x128xf32, #tpu.memory_space<hbm>>)
    %dma_wait3A_64 = arith.constant 0 : i32
    %dma_wait3A_65 = arith.constant 0 : i32
    %dma_wait3A_66 = tpu.memref_slice %arg5[%add3A_4, %dma_wait3A_64, %dma_wait3A_65] : memref<2500x128x128xf32, #tpu.memory_space<hbm>> -> memref<1x128x128xf32, #tpu.memory_space<hbm>>
    %dma_wait3A_67 = tpu.memref_squeeze %dma_wait3A_66 : memref<1x128x128xf32, #tpu.memory_space<hbm>> -> memref<128x128xf32, #tpu.memory_space<hbm>>
    %dma_wait3A_68 = arith.constant 0 : i32
    %dma_wait3A_69 = arith.constant 0 : i32
    %dma_wait3A_70 = tpu.memref_slice %arg5[%add3A_4, %dma_wait3A_68, %dma_wait3A_69] : memref<2500x128x128xf32, #tpu.memory_space<hbm>> -> memref<1x128x128xf32, #tpu.memory_space<hbm>>
    %dma_wait3A_71 = tpu.memref_squeeze %dma_wait3A_70 : memref<1x128x128xf32, #tpu.memory_space<hbm>> -> memref<128x128xf32, #tpu.memory_space<hbm>>
    tpu.wait_dma2 semaphore(%arg20 : memref<!tpu.dma_semaphore, #tpu.memory_space<semaphore_mem>>) src(%arg14 : memref<128x128xf32, #tpu.memory_space<vmem>>) dst(%dma_wait3A_71 : memref<128x128xf32, #tpu.memory_space<hbm>>)
    return
  }
}

#map = affine_map<(d0, d1) -> (0, 0, 0)>
#map1 = affine_map<(d0, d1) -> (0)>
#map2 = affine_map<(d0, d1) -> (0, 0)>
module attributes {stable_mosaic.version = 14 : i64} {
  func.func @_sc_scatter(%arg0: i32, %arg1: i32, %arg2: memref<2500x128x128xf32, #tpu.memory_space<hbm>>, %arg3: memref<320000xi32, #tpu.memory_space<hbm>>, %arg4: memref<10112x128xf32, #tpu.memory_space<hbm>>, %arg5: memref<2x10112x128xf32, #tpu.memory_space<hbm>>, %arg6: memref<128xi32, #tpu.memory_space<vmem>>, %arg7: memref<128xi32, #tpu.memory_space<vmem>>, %arg8: memref<128xi32, #tpu.memory_space<vmem>>, %arg9: memref<128x128xf32, #tpu.memory_space<vmem>>, %arg10: memref<128x128xf32, #tpu.memory_space<vmem>>, %arg11: memref<128x128xf32, #tpu.memory_space<vmem>>, %arg12: memref<10112x128xf32, #tpu.memory_space<vmem_shared>>, %arg13: memref<!tpu.dma_semaphore, #tpu.memory_space<semaphore_mem>>, %arg14: memref<!tpu.dma_semaphore, #tpu.memory_space<semaphore_mem>>, %arg15: memref<!tpu.dma_semaphore, #tpu.memory_space<semaphore_mem>>, %arg16: memref<!tpu.dma_semaphore, #tpu.memory_space<semaphore_mem>>, %arg17: memref<!tpu.dma_semaphore, #tpu.memory_space<semaphore_mem>>, %arg18: memref<!tpu.dma_semaphore, #tpu.memory_space<semaphore_mem>>) attributes {dimension_semantics = [#tpu.dimension_semantics<core_parallel>, #tpu.dimension_semantics<subcore_parallel>], iteration_bounds = array<i64: 2, 16>, scalar_prefetch = 0 : i64, scratch_operands = 13 : i64, tpu.core_type = #tpu.core_type<sc_vector_subcore>, window_params = [{transform_indices = #map}, {transform_indices = #map1}, {transform_indices = #map2}, {transform_indices = #map}]} {
    %mul3A = arith.constant 2 : i32
    %mul3A_0 = arith.muli %arg1, %mul3A : i32
    %add3A = arith.addi %mul3A_0, %arg0 : i32
    %mul3A_1 = arith.constant 78 : i32
    %mul3A_2 = arith.muli %add3A, %mul3A_1 : i32
    %min3A = arith.constant 4 : i32
    %min3A_3 = arith.minsi %add3A, %min3A : i32
    %add3A_4 = arith.addi %mul3A_2, %min3A_3 : i32
    %lt3A = arith.constant 4 : i32
    %lt3A_5 = arith.cmpi slt, %add3A, %lt3A : i32
    %jit3A = arith.constant 1 : i32
    %jit3A_6 = arith.constant 0 : i32
    %select_n3A = arith.select %lt3A_5, %jit3A, %jit3A_6 : i32
    %add3A_7 = arith.constant 78 : i32
    %add3A_8 = arith.addi %add3A_7, %select_n3A : i32
    %mul3A_9 = arith.constant 632 : i32
    %mul3A_10 = arith.muli %arg1, %mul3A_9 : i32
    "tpu.region"() ({
      %run_scoped3A = tpu.sem_alloc : memref<!tpu.dma_semaphore, #tpu.memory_space<semaphore_mem>>
      %dma_start3A_52 = arith.constant 0 : i32
      %dma_start3A_53 = tpu.memref_slice %arg12[%mul3A_10, %dma_start3A_52] : memref<10112x128xf32, #tpu.memory_space<vmem_shared>> -> memref<632x128xf32, #tpu.memory_space<vmem_shared>>
      %dma_start3A_54 = arith.constant 0 : i32
      %dma_start3A_55 = tpu.memref_slice %arg4[%mul3A_10, %dma_start3A_54] : memref<10112x128xf32, #tpu.memory_space<hbm>> -> memref<632x128xf32, #tpu.memory_space<hbm>>
      tpu.enqueue_dma source(%dma_start3A_55 : memref<632x128xf32, #tpu.memory_space<hbm>>) target(%dma_start3A_53 : memref<632x128xf32, #tpu.memory_space<vmem_shared>>) target_semaphore(%run_scoped3A : memref<!tpu.dma_semaphore, #tpu.memory_space<semaphore_mem>>)
      %dma_wait3A_56 = arith.constant 0 : i32
      %dma_wait3A_57 = tpu.memref_slice %arg12[%mul3A_10, %dma_wait3A_56] : memref<10112x128xf32, #tpu.memory_space<vmem_shared>> -> memref<632x128xf32, #tpu.memory_space<vmem_shared>>
      %dma_wait3A_58 = arith.constant 0 : i32
      %dma_wait3A_59 = tpu.memref_slice %arg4[%mul3A_10, %dma_wait3A_58] : memref<10112x128xf32, #tpu.memory_space<hbm>> -> memref<632x128xf32, #tpu.memory_space<hbm>>
      tpu.wait_dma2 semaphore(%run_scoped3A : memref<!tpu.dma_semaphore, #tpu.memory_space<semaphore_mem>>) src(%dma_wait3A_59 : memref<632x128xf32, #tpu.memory_space<hbm>>) dst(%dma_wait3A_57 : memref<632x128xf32, #tpu.memory_space<vmem_shared>>)
      tpu.yield
    }) : () -> ()
    %barrier3A = arith.constant 0 : index
    tpu.barrier barrier_id(%barrier3A)
    %add3A_11 = arith.constant 0 : i32
    %add3A_12 = arith.addi %add3A_4, %add3A_11 : i32
    %mul3A_13 = arith.constant 128 : i32
    %mul3A_14 = arith.muli %add3A_12, %mul3A_13 : i32
    "tpu.region"() ({
      %run_scoped3A = tpu.sem_alloc : memref<!tpu.dma_semaphore, #tpu.memory_space<semaphore_mem>>
      %dma_start3A_52 = tpu.memref_slice %arg3[%mul3A_14] : memref<320000xi32, #tpu.memory_space<hbm>> -> memref<128xi32, #tpu.memory_space<hbm>>
      %dma_start3A_53 = tpu.memref_slice %arg3[%mul3A_14] : memref<320000xi32, #tpu.memory_space<hbm>> -> memref<128xi32, #tpu.memory_space<hbm>>
      tpu.enqueue_dma source(%dma_start3A_53 : memref<128xi32, #tpu.memory_space<hbm>>) target(%arg6 : memref<128xi32, #tpu.memory_space<vmem>>) target_semaphore(%run_scoped3A : memref<!tpu.dma_semaphore, #tpu.memory_space<semaphore_mem>>)
      %dma_wait3A_54 = tpu.memref_slice %arg3[%mul3A_14] : memref<320000xi32, #tpu.memory_space<hbm>> -> memref<128xi32, #tpu.memory_space<hbm>>
      %dma_wait3A_55 = tpu.memref_slice %arg3[%mul3A_14] : memref<320000xi32, #tpu.memory_space<hbm>> -> memref<128xi32, #tpu.memory_space<hbm>>
      tpu.wait_dma2 semaphore(%run_scoped3A : memref<!tpu.dma_semaphore, #tpu.memory_space<semaphore_mem>>) src(%dma_wait3A_55 : memref<128xi32, #tpu.memory_space<hbm>>) dst(%arg6 : memref<128xi32, #tpu.memory_space<vmem>>)
      tpu.yield
    }) : () -> ()
    %add3A_15 = arith.constant 0 : i32
    %add3A_16 = arith.addi %add3A_4, %add3A_15 : i32
    %dma_start3A = arith.constant 0 : i32
    %dma_start3A_17 = arith.constant 0 : i32
    %dma_start3A_18 = tpu.memref_slice %arg2[%add3A_16, %dma_start3A, %dma_start3A_17] : memref<2500x128x128xf32, #tpu.memory_space<hbm>> -> memref<1x128x128xf32, #tpu.memory_space<hbm>>
    %dma_start3A_19 = tpu.memref_squeeze %dma_start3A_18 : memref<1x128x128xf32, #tpu.memory_space<hbm>> -> memref<128x128xf32, #tpu.memory_space<hbm>>
    %dma_start3A_20 = arith.constant 0 : i32
    %dma_start3A_21 = arith.constant 0 : i32
    %dma_start3A_22 = tpu.memref_slice %arg2[%add3A_16, %dma_start3A_20, %dma_start3A_21] : memref<2500x128x128xf32, #tpu.memory_space<hbm>> -> memref<1x128x128xf32, #tpu.memory_space<hbm>>
    %dma_start3A_23 = tpu.memref_squeeze %dma_start3A_22 : memref<1x128x128xf32, #tpu.memory_space<hbm>> -> memref<128x128xf32, #tpu.memory_space<hbm>>
    tpu.enqueue_dma source(%dma_start3A_23 : memref<128x128xf32, #tpu.memory_space<hbm>>) target(%arg9 : memref<128x128xf32, #tpu.memory_space<vmem>>) target_semaphore(%arg13 : memref<!tpu.dma_semaphore, #tpu.memory_space<semaphore_mem>>)
    %add3A_24 = arith.constant 1 : i32
    %add3A_25 = arith.addi %add3A_4, %add3A_24 : i32
    %mul3A_26 = arith.constant 128 : i32
    %mul3A_27 = arith.muli %add3A_25, %mul3A_26 : i32
    "tpu.region"() ({
      %run_scoped3A = tpu.sem_alloc : memref<!tpu.dma_semaphore, #tpu.memory_space<semaphore_mem>>
      %dma_start3A_52 = tpu.memref_slice %arg3[%mul3A_27] : memref<320000xi32, #tpu.memory_space<hbm>> -> memref<128xi32, #tpu.memory_space<hbm>>
      %dma_start3A_53 = tpu.memref_slice %arg3[%mul3A_27] : memref<320000xi32, #tpu.memory_space<hbm>> -> memref<128xi32, #tpu.memory_space<hbm>>
      tpu.enqueue_dma source(%dma_start3A_53 : memref<128xi32, #tpu.memory_space<hbm>>) target(%arg7 : memref<128xi32, #tpu.memory_space<vmem>>) target_semaphore(%run_scoped3A : memref<!tpu.dma_semaphore, #tpu.memory_space<semaphore_mem>>)
      %dma_wait3A_54 = tpu.memref_slice %arg3[%mul3A_27] : memref<320000xi32, #tpu.memory_space<hbm>> -> memref<128xi32, #tpu.memory_space<hbm>>
      %dma_wait3A_55 = tpu.memref_slice %arg3[%mul3A_27] : memref<320000xi32, #tpu.memory_space<hbm>> -> memref<128xi32, #tpu.memory_space<hbm>>
      tpu.wait_dma2 semaphore(%run_scoped3A : memref<!tpu.dma_semaphore, #tpu.memory_space<semaphore_mem>>) src(%dma_wait3A_55 : memref<128xi32, #tpu.memory_space<hbm>>) dst(%arg7 : memref<128xi32, #tpu.memory_space<vmem>>)
      tpu.yield
    }) : () -> ()
    %add3A_28 = arith.constant 1 : i32
    %add3A_29 = arith.addi %add3A_4, %add3A_28 : i32
    %dma_start3A_30 = arith.constant 0 : i32
    %dma_start3A_31 = arith.constant 0 : i32
    %dma_start3A_32 = tpu.memref_slice %arg2[%add3A_29, %dma_start3A_30, %dma_start3A_31] : memref<2500x128x128xf32, #tpu.memory_space<hbm>> -> memref<1x128x128xf32, #tpu.memory_space<hbm>>
    %dma_start3A_33 = tpu.memref_squeeze %dma_start3A_32 : memref<1x128x128xf32, #tpu.memory_space<hbm>> -> memref<128x128xf32, #tpu.memory_space<hbm>>
    %dma_start3A_34 = arith.constant 0 : i32
    %dma_start3A_35 = arith.constant 0 : i32
    %dma_start3A_36 = tpu.memref_slice %arg2[%add3A_29, %dma_start3A_34, %dma_start3A_35] : memref<2500x128x128xf32, #tpu.memory_space<hbm>> -> memref<1x128x128xf32, #tpu.memory_space<hbm>>
    %dma_start3A_37 = tpu.memref_squeeze %dma_start3A_36 : memref<1x128x128xf32, #tpu.memory_space<hbm>> -> memref<128x128xf32, #tpu.memory_space<hbm>>
    tpu.enqueue_dma source(%dma_start3A_37 : memref<128x128xf32, #tpu.memory_space<hbm>>) target(%arg10 : memref<128x128xf32, #tpu.memory_space<vmem>>) target_semaphore(%arg14 : memref<!tpu.dma_semaphore, #tpu.memory_space<semaphore_mem>>)
    %scan3A = arith.constant 0 : i32
    %scan3A_38 = arith.constant 0 : i32
    %scan3A_39 = arith.constant 27 : i32
    %scan3A_40 = arith.addi %scan3A_38, %scan3A_39 : i32
    %scan3A_41 = arith.constant 1 : i32
    scf.for %scan3A_52 = %scan3A_38 to %scan3A_40 step %scan3A_41  : i32 {
      %mul3A_53 = arith.constant 3 : i32
      %mul3A_54 = arith.muli %mul3A_53, %scan3A_52 : i32
      %add3A_55 = arith.constant 0 : i32
      %add3A_56 = arith.addi %mul3A_54, %add3A_55 : i32
      %lt3A_57 = arith.cmpi slt, %add3A_56, %add3A_8 : i32
      %convert_element_type3A = arith.extui %lt3A_57 : i1 to i32
      %cond3A = arith.constant 0 : i32
      %cond3A_58 = arith.cmpi ne, %convert_element_type3A, %cond3A : i32
      scf.if %cond3A_58 {
        %add3A_75 = arith.addi %add3A_4, %add3A_56 : i32
        %dma_wait3A_76 = arith.constant 0 : i32
        %dma_wait3A_77 = arith.constant 0 : i32
        %dma_wait3A_78 = tpu.memref_slice %arg2[%add3A_75, %dma_wait3A_76, %dma_wait3A_77] : memref<2500x128x128xf32, #tpu.memory_space<hbm>> -> memref<1x128x128xf32, #tpu.memory_space<hbm>>
        %dma_wait3A_79 = tpu.memref_squeeze %dma_wait3A_78 : memref<1x128x128xf32, #tpu.memory_space<hbm>> -> memref<128x128xf32, #tpu.memory_space<hbm>>
        %dma_wait3A_80 = arith.constant 0 : i32
        %dma_wait3A_81 = arith.constant 0 : i32
        %dma_wait3A_82 = tpu.memref_slice %arg2[%add3A_75, %dma_wait3A_80, %dma_wait3A_81] : memref<2500x128x128xf32, #tpu.memory_space<hbm>> -> memref<1x128x128xf32, #tpu.memory_space<hbm>>
        %dma_wait3A_83 = tpu.memref_squeeze %dma_wait3A_82 : memref<1x128x128xf32, #tpu.memory_space<hbm>> -> memref<128x128xf32, #tpu.memory_space<hbm>>
        tpu.wait_dma2 semaphore(%arg13 : memref<!tpu.dma_semaphore, #tpu.memory_space<semaphore_mem>>) src(%dma_wait3A_83 : memref<128x128xf32, #tpu.memory_space<hbm>>) dst(%arg9 : memref<128x128xf32, #tpu.memory_space<vmem>>)
        %dma_start3A_84 = arith.constant 0 : i32
        %dma_start3A_85 = arith.constant 0 : i32
        %dma_start3A_86 = tpu.memref_slice %arg12[%dma_start3A_84, %dma_start3A_85] : memref<10112x128xf32, #tpu.memory_space<vmem_shared>> -> memref<10112x128xf32, #tpu.memory_space<vmem_shared>>
        tpu.enqueue_indirect_dma source(%arg9 : memref<128x128xf32, #tpu.memory_space<vmem>>) target(%dma_start3A_86 : memref<10112x128xf32, #tpu.memory_space<vmem_shared>>) offsets(%arg6 : memref<128xi32, #tpu.memory_space<vmem>>) semaphore(%arg16 : memref<!tpu.dma_semaphore, #tpu.memory_space<semaphore_mem>>) {add = true}
        %add3A_87 = arith.constant 2 : i32
        %add3A_88 = arith.addi %add3A_56, %add3A_87 : i32
        %lt3A_89 = arith.cmpi slt, %add3A_88, %add3A_8 : i32
        %convert_element_type3A_90 = arith.extui %lt3A_89 : i1 to i32
        %cond3A_91 = arith.constant 0 : i32
        %cond3A_92 = arith.cmpi ne, %convert_element_type3A_90, %cond3A_91 : i32
        scf.if %cond3A_92 {
          %gt3A = arith.constant 0 : i32
          %gt3A_93 = arith.cmpi sgt, %scan3A_52, %gt3A : i32
          %convert_element_type3A_94 = arith.extui %gt3A_93 : i1 to i32
          %cond3A_95 = arith.constant 0 : i32
          %cond3A_96 = arith.cmpi ne, %convert_element_type3A_94, %cond3A_95 : i32
          scf.if %cond3A_96 {
            %dma_wait3A_111 = arith.constant 0 : i32
            %dma_wait3A_112 = arith.constant 0 : i32
            %dma_wait3A_113 = tpu.memref_slice %arg12[%dma_wait3A_111, %dma_wait3A_112] : memref<10112x128xf32, #tpu.memory_space<vmem_shared>> -> memref<10112x128xf32, #tpu.memory_space<vmem_shared>>
            tpu.wait_indirect_dma semaphore(%arg18 : memref<!tpu.dma_semaphore, #tpu.memory_space<semaphore_mem>>) src(%arg11 : memref<128x128xf32, #tpu.memory_space<vmem>>) dst(%dma_wait3A_113 : memref<10112x128xf32, #tpu.memory_space<vmem_shared>>)
          } else {
          }
          %add3A_97 = arith.constant 2 : i32
          %add3A_98 = arith.addi %add3A_56, %add3A_97 : i32
          %add3A_99 = arith.addi %add3A_4, %add3A_98 : i32
          %mul3A_100 = arith.constant 128 : i32
          %mul3A_101 = arith.muli %add3A_99, %mul3A_100 : i32
          "tpu.region"() ({
            %run_scoped3A = tpu.sem_alloc : memref<!tpu.dma_semaphore, #tpu.memory_space<semaphore_mem>>
            %dma_start3A_111 = tpu.memref_slice %arg3[%mul3A_101] : memref<320000xi32, #tpu.memory_space<hbm>> -> memref<128xi32, #tpu.memory_space<hbm>>
            %dma_start3A_112 = tpu.memref_slice %arg3[%mul3A_101] : memref<320000xi32, #tpu.memory_space<hbm>> -> memref<128xi32, #tpu.memory_space<hbm>>
            tpu.enqueue_dma source(%dma_start3A_112 : memref<128xi32, #tpu.memory_space<hbm>>) target(%arg8 : memref<128xi32, #tpu.memory_space<vmem>>) target_semaphore(%run_scoped3A : memref<!tpu.dma_semaphore, #tpu.memory_space<semaphore_mem>>)
            %dma_wait3A_113 = tpu.memref_slice %arg3[%mul3A_101] : memref<320000xi32, #tpu.memory_space<hbm>> -> memref<128xi32, #tpu.memory_space<hbm>>
            %dma_wait3A_114 = tpu.memref_slice %arg3[%mul3A_101] : memref<320000xi32, #tpu.memory_space<hbm>> -> memref<128xi32, #tpu.memory_space<hbm>>
            tpu.wait_dma2 semaphore(%run_scoped3A : memref<!tpu.dma_semaphore, #tpu.memory_space<semaphore_mem>>) src(%dma_wait3A_114 : memref<128xi32, #tpu.memory_space<hbm>>) dst(%arg8 : memref<128xi32, #tpu.memory_space<vmem>>)
            tpu.yield
          }) : () -> ()
          %add3A_102 = arith.addi %add3A_4, %add3A_98 : i32
          %dma_start3A_103 = arith.constant 0 : i32
          %dma_start3A_104 = arith.constant 0 : i32
          %dma_start3A_105 = tpu.memref_slice %arg2[%add3A_102, %dma_start3A_103, %dma_start3A_104] : memref<2500x128x128xf32, #tpu.memory_space<hbm>> -> memref<1x128x128xf32, #tpu.memory_space<hbm>>
          %dma_start3A_106 = tpu.memref_squeeze %dma_start3A_105 : memref<1x128x128xf32, #tpu.memory_space<hbm>> -> memref<128x128xf32, #tpu.memory_space<hbm>>
          %dma_start3A_107 = arith.constant 0 : i32
          %dma_start3A_108 = arith.constant 0 : i32
          %dma_start3A_109 = tpu.memref_slice %arg2[%add3A_102, %dma_start3A_107, %dma_start3A_108] : memref<2500x128x128xf32, #tpu.memory_space<hbm>> -> memref<1x128x128xf32, #tpu.memory_space<hbm>>
          %dma_start3A_110 = tpu.memref_squeeze %dma_start3A_109 : memref<1x128x128xf32, #tpu.memory_space<hbm>> -> memref<128x128xf32, #tpu.memory_space<hbm>>
          tpu.enqueue_dma source(%dma_start3A_110 : memref<128x128xf32, #tpu.memory_space<hbm>>) target(%arg11 : memref<128x128xf32, #tpu.memory_space<vmem>>) target_semaphore(%arg15 : memref<!tpu.dma_semaphore, #tpu.memory_space<semaphore_mem>>)
        } else {
        }
      } else {
      }
      %mul3A_59 = arith.constant 3 : i32
      %mul3A_60 = arith.muli %mul3A_59, %scan3A_52 : i32
      %add3A_61 = arith.constant 1 : i32
      %add3A_62 = arith.addi %mul3A_60, %add3A_61 : i32
      %lt3A_63 = arith.cmpi slt, %add3A_62, %add3A_8 : i32
      %convert_element_type3A_64 = arith.extui %lt3A_63 : i1 to i32
      %cond3A_65 = arith.constant 0 : i32
      %cond3A_66 = arith.cmpi ne, %convert_element_type3A_64, %cond3A_65 : i32
      scf.if %cond3A_66 {
        %add3A_75 = arith.addi %add3A_4, %add3A_62 : i32
        %dma_wait3A_76 = arith.constant 0 : i32
        %dma_wait3A_77 = arith.constant 0 : i32
        %dma_wait3A_78 = tpu.memref_slice %arg2[%add3A_75, %dma_wait3A_76, %dma_wait3A_77] : memref<2500x128x128xf32, #tpu.memory_space<hbm>> -> memref<1x128x128xf32, #tpu.memory_space<hbm>>
        %dma_wait3A_79 = tpu.memref_squeeze %dma_wait3A_78 : memref<1x128x128xf32, #tpu.memory_space<hbm>> -> memref<128x128xf32, #tpu.memory_space<hbm>>
        %dma_wait3A_80 = arith.constant 0 : i32
        %dma_wait3A_81 = arith.constant 0 : i32
        %dma_wait3A_82 = tpu.memref_slice %arg2[%add3A_75, %dma_wait3A_80, %dma_wait3A_81] : memref<2500x128x128xf32, #tpu.memory_space<hbm>> -> memref<1x128x128xf32, #tpu.memory_space<hbm>>
        %dma_wait3A_83 = tpu.memref_squeeze %dma_wait3A_82 : memref<1x128x128xf32, #tpu.memory_space<hbm>> -> memref<128x128xf32, #tpu.memory_space<hbm>>
        tpu.wait_dma2 semaphore(%arg14 : memref<!tpu.dma_semaphore, #tpu.memory_space<semaphore_mem>>) src(%dma_wait3A_83 : memref<128x128xf32, #tpu.memory_space<hbm>>) dst(%arg10 : memref<128x128xf32, #tpu.memory_space<vmem>>)
        %dma_start3A_84 = arith.constant 0 : i32
        %dma_start3A_85 = arith.constant 0 : i32
        %dma_start3A_86 = tpu.memref_slice %arg12[%dma_start3A_84, %dma_start3A_85] : memref<10112x128xf32, #tpu.memory_space<vmem_shared>> -> memref<10112x128xf32, #tpu.memory_space<vmem_shared>>
        tpu.enqueue_indirect_dma source(%arg10 : memref<128x128xf32, #tpu.memory_space<vmem>>) target(%dma_start3A_86 : memref<10112x128xf32, #tpu.memory_space<vmem_shared>>) offsets(%arg7 : memref<128xi32, #tpu.memory_space<vmem>>) semaphore(%arg17 : memref<!tpu.dma_semaphore, #tpu.memory_space<semaphore_mem>>) {add = true}
        %add3A_87 = arith.constant 2 : i32
        %add3A_88 = arith.addi %add3A_62, %add3A_87 : i32
        %lt3A_89 = arith.cmpi slt, %add3A_88, %add3A_8 : i32
        %convert_element_type3A_90 = arith.extui %lt3A_89 : i1 to i32
        %cond3A_91 = arith.constant 0 : i32
        %cond3A_92 = arith.cmpi ne, %convert_element_type3A_90, %cond3A_91 : i32
        scf.if %cond3A_92 {
          %dma_wait3A_93 = arith.constant 0 : i32
          %dma_wait3A_94 = arith.constant 0 : i32
          %dma_wait3A_95 = tpu.memref_slice %arg12[%dma_wait3A_93, %dma_wait3A_94] : memref<10112x128xf32, #tpu.memory_space<vmem_shared>> -> memref<10112x128xf32, #tpu.memory_space<vmem_shared>>
          tpu.wait_indirect_dma semaphore(%arg16 : memref<!tpu.dma_semaphore, #tpu.memory_space<semaphore_mem>>) src(%arg9 : memref<128x128xf32, #tpu.memory_space<vmem>>) dst(%dma_wait3A_95 : memref<10112x128xf32, #tpu.memory_space<vmem_shared>>)
          %add3A_96 = arith.constant 2 : i32
          %add3A_97 = arith.addi %add3A_62, %add3A_96 : i32
          %add3A_98 = arith.addi %add3A_4, %add3A_97 : i32
          %mul3A_99 = arith.constant 128 : i32
          %mul3A_100 = arith.muli %add3A_98, %mul3A_99 : i32
          "tpu.region"() ({
            %run_scoped3A = tpu.sem_alloc : memref<!tpu.dma_semaphore, #tpu.memory_space<semaphore_mem>>
            %dma_start3A_110 = tpu.memref_slice %arg3[%mul3A_100] : memref<320000xi32, #tpu.memory_space<hbm>> -> memref<128xi32, #tpu.memory_space<hbm>>
            %dma_start3A_111 = tpu.memref_slice %arg3[%mul3A_100] : memref<320000xi32, #tpu.memory_space<hbm>> -> memref<128xi32, #tpu.memory_space<hbm>>
            tpu.enqueue_dma source(%dma_start3A_111 : memref<128xi32, #tpu.memory_space<hbm>>) target(%arg6 : memref<128xi32, #tpu.memory_space<vmem>>) target_semaphore(%run_scoped3A : memref<!tpu.dma_semaphore, #tpu.memory_space<semaphore_mem>>)
            %dma_wait3A_112 = tpu.memref_slice %arg3[%mul3A_100] : memref<320000xi32, #tpu.memory_space<hbm>> -> memref<128xi32, #tpu.memory_space<hbm>>
            %dma_wait3A_113 = tpu.memref_slice %arg3[%mul3A_100] : memref<320000xi32, #tpu.memory_space<hbm>> -> memref<128xi32, #tpu.memory_space<hbm>>
            tpu.wait_dma2 semaphore(%run_scoped3A : memref<!tpu.dma_semaphore, #tpu.memory_space<semaphore_mem>>) src(%dma_wait3A_113 : memref<128xi32, #tpu.memory_space<hbm>>) dst(%arg6 : memref<128xi32, #tpu.memory_space<vmem>>)
            tpu.yield
          }) : () -> ()
          %add3A_101 = arith.addi %add3A_4, %add3A_97 : i32
          %dma_start3A_102 = arith.constant 0 : i32
          %dma_start3A_103 = arith.constant 0 : i32
          %dma_start3A_104 = tpu.memref_slice %arg2[%add3A_101, %dma_start3A_102, %dma_start3A_103] : memref<2500x128x128xf32, #tpu.memory_space<hbm>> -> memref<1x128x128xf32, #tpu.memory_space<hbm>>
          %dma_start3A_105 = tpu.memref_squeeze %dma_start3A_104 : memref<1x128x128xf32, #tpu.memory_space<hbm>> -> memref<128x128xf32, #tpu.memory_space<hbm>>
          %dma_start3A_106 = arith.constant 0 : i32
          %dma_start3A_107 = arith.constant 0 : i32
          %dma_start3A_108 = tpu.memref_slice %arg2[%add3A_101, %dma_start3A_106, %dma_start3A_107] : memref<2500x128x128xf32, #tpu.memory_space<hbm>> -> memref<1x128x128xf32, #tpu.memory_space<hbm>>
          %dma_start3A_109 = tpu.memref_squeeze %dma_start3A_108 : memref<1x128x128xf32, #tpu.memory_space<hbm>> -> memref<128x128xf32, #tpu.memory_space<hbm>>
          tpu.enqueue_dma source(%dma_start3A_109 : memref<128x128xf32, #tpu.memory_space<hbm>>) target(%arg9 : memref<128x128xf32, #tpu.memory_space<vmem>>) target_semaphore(%arg13 : memref<!tpu.dma_semaphore, #tpu.memory_space<semaphore_mem>>)
        } else {
        }
      } else {
      }
      %mul3A_67 = arith.constant 3 : i32
      %mul3A_68 = arith.muli %mul3A_67, %scan3A_52 : i32
      %add3A_69 = arith.constant 2 : i32
      %add3A_70 = arith.addi %mul3A_68, %add3A_69 : i32
      %lt3A_71 = arith.cmpi slt, %add3A_70, %add3A_8 : i32
      %convert_element_type3A_72 = arith.extui %lt3A_71 : i1 to i32
      %cond3A_73 = arith.constant 0 : i32
      %cond3A_74 = arith.cmpi ne, %convert_element_type3A_72, %cond3A_73 : i32
      scf.if %cond3A_74 {
        %add3A_75 = arith.addi %add3A_4, %add3A_70 : i32
        %dma_wait3A_76 = arith.constant 0 : i32
        %dma_wait3A_77 = arith.constant 0 : i32
        %dma_wait3A_78 = tpu.memref_slice %arg2[%add3A_75, %dma_wait3A_76, %dma_wait3A_77] : memref<2500x128x128xf32, #tpu.memory_space<hbm>> -> memref<1x128x128xf32, #tpu.memory_space<hbm>>
        %dma_wait3A_79 = tpu.memref_squeeze %dma_wait3A_78 : memref<1x128x128xf32, #tpu.memory_space<hbm>> -> memref<128x128xf32, #tpu.memory_space<hbm>>
        %dma_wait3A_80 = arith.constant 0 : i32
        %dma_wait3A_81 = arith.constant 0 : i32
        %dma_wait3A_82 = tpu.memref_slice %arg2[%add3A_75, %dma_wait3A_80, %dma_wait3A_81] : memref<2500x128x128xf32, #tpu.memory_space<hbm>> -> memref<1x128x128xf32, #tpu.memory_space<hbm>>
        %dma_wait3A_83 = tpu.memref_squeeze %dma_wait3A_82 : memref<1x128x128xf32, #tpu.memory_space<hbm>> -> memref<128x128xf32, #tpu.memory_space<hbm>>
        tpu.wait_dma2 semaphore(%arg15 : memref<!tpu.dma_semaphore, #tpu.memory_space<semaphore_mem>>) src(%dma_wait3A_83 : memref<128x128xf32, #tpu.memory_space<hbm>>) dst(%arg11 : memref<128x128xf32, #tpu.memory_space<vmem>>)
        %dma_start3A_84 = arith.constant 0 : i32
        %dma_start3A_85 = arith.constant 0 : i32
        %dma_start3A_86 = tpu.memref_slice %arg12[%dma_start3A_84, %dma_start3A_85] : memref<10112x128xf32, #tpu.memory_space<vmem_shared>> -> memref<10112x128xf32, #tpu.memory_space<vmem_shared>>
        tpu.enqueue_indirect_dma source(%arg11 : memref<128x128xf32, #tpu.memory_space<vmem>>) target(%dma_start3A_86 : memref<10112x128xf32, #tpu.memory_space<vmem_shared>>) offsets(%arg8 : memref<128xi32, #tpu.memory_space<vmem>>) semaphore(%arg18 : memref<!tpu.dma_semaphore, #tpu.memory_space<semaphore_mem>>) {add = true}
        %add3A_87 = arith.constant 2 : i32
        %add3A_88 = arith.addi %add3A_70, %add3A_87 : i32
        %lt3A_89 = arith.cmpi slt, %add3A_88, %add3A_8 : i32
        %convert_element_type3A_90 = arith.extui %lt3A_89 : i1 to i32
        %cond3A_91 = arith.constant 0 : i32
        %cond3A_92 = arith.cmpi ne, %convert_element_type3A_90, %cond3A_91 : i32
        scf.if %cond3A_92 {
          %dma_wait3A_93 = arith.constant 0 : i32
          %dma_wait3A_94 = arith.constant 0 : i32
          %dma_wait3A_95 = tpu.memref_slice %arg12[%dma_wait3A_93, %dma_wait3A_94] : memref<10112x128xf32, #tpu.memory_space<vmem_shared>> -> memref<10112x128xf32, #tpu.memory_space<vmem_shared>>
          tpu.wait_indirect_dma semaphore(%arg17 : memref<!tpu.dma_semaphore, #tpu.memory_space<semaphore_mem>>) src(%arg10 : memref<128x128xf32, #tpu.memory_space<vmem>>) dst(%dma_wait3A_95 : memref<10112x128xf32, #tpu.memory_space<vmem_shared>>)
          %add3A_96 = arith.constant 2 : i32
          %add3A_97 = arith.addi %add3A_70, %add3A_96 : i32
          %add3A_98 = arith.addi %add3A_4, %add3A_97 : i32
          %mul3A_99 = arith.constant 128 : i32
          %mul3A_100 = arith.muli %add3A_98, %mul3A_99 : i32
          "tpu.region"() ({
            %run_scoped3A = tpu.sem_alloc : memref<!tpu.dma_semaphore, #tpu.memory_space<semaphore_mem>>
            %dma_start3A_110 = tpu.memref_slice %arg3[%mul3A_100] : memref<320000xi32, #tpu.memory_space<hbm>> -> memref<128xi32, #tpu.memory_space<hbm>>
            %dma_start3A_111 = tpu.memref_slice %arg3[%mul3A_100] : memref<320000xi32, #tpu.memory_space<hbm>> -> memref<128xi32, #tpu.memory_space<hbm>>
            tpu.enqueue_dma source(%dma_start3A_111 : memref<128xi32, #tpu.memory_space<hbm>>) target(%arg7 : memref<128xi32, #tpu.memory_space<vmem>>) target_semaphore(%run_scoped3A : memref<!tpu.dma_semaphore, #tpu.memory_space<semaphore_mem>>)
            %dma_wait3A_112 = tpu.memref_slice %arg3[%mul3A_100] : memref<320000xi32, #tpu.memory_space<hbm>> -> memref<128xi32, #tpu.memory_space<hbm>>
            %dma_wait3A_113 = tpu.memref_slice %arg3[%mul3A_100] : memref<320000xi32, #tpu.memory_space<hbm>> -> memref<128xi32, #tpu.memory_space<hbm>>
            tpu.wait_dma2 semaphore(%run_scoped3A : memref<!tpu.dma_semaphore, #tpu.memory_space<semaphore_mem>>) src(%dma_wait3A_113 : memref<128xi32, #tpu.memory_space<hbm>>) dst(%arg7 : memref<128xi32, #tpu.memory_space<vmem>>)
            tpu.yield
          }) : () -> ()
          %add3A_101 = arith.addi %add3A_4, %add3A_97 : i32
          %dma_start3A_102 = arith.constant 0 : i32
          %dma_start3A_103 = arith.constant 0 : i32
          %dma_start3A_104 = tpu.memref_slice %arg2[%add3A_101, %dma_start3A_102, %dma_start3A_103] : memref<2500x128x128xf32, #tpu.memory_space<hbm>> -> memref<1x128x128xf32, #tpu.memory_space<hbm>>
          %dma_start3A_105 = tpu.memref_squeeze %dma_start3A_104 : memref<1x128x128xf32, #tpu.memory_space<hbm>> -> memref<128x128xf32, #tpu.memory_space<hbm>>
          %dma_start3A_106 = arith.constant 0 : i32
          %dma_start3A_107 = arith.constant 0 : i32
          %dma_start3A_108 = tpu.memref_slice %arg2[%add3A_101, %dma_start3A_106, %dma_start3A_107] : memref<2500x128x128xf32, #tpu.memory_space<hbm>> -> memref<1x128x128xf32, #tpu.memory_space<hbm>>
          %dma_start3A_109 = tpu.memref_squeeze %dma_start3A_108 : memref<1x128x128xf32, #tpu.memory_space<hbm>> -> memref<128x128xf32, #tpu.memory_space<hbm>>
          tpu.enqueue_dma source(%dma_start3A_109 : memref<128x128xf32, #tpu.memory_space<hbm>>) target(%arg10 : memref<128x128xf32, #tpu.memory_space<vmem>>) target_semaphore(%arg14 : memref<!tpu.dma_semaphore, #tpu.memory_space<semaphore_mem>>)
        } else {
        }
      } else {
      }
    }
    %scan3A_42 = arith.constant 27 : i32
    %dma_wait3A = arith.constant 0 : i32
    %dma_wait3A_43 = arith.constant 0 : i32
    %dma_wait3A_44 = tpu.memref_slice %arg12[%dma_wait3A, %dma_wait3A_43] : memref<10112x128xf32, #tpu.memory_space<vmem_shared>> -> memref<10112x128xf32, #tpu.memory_space<vmem_shared>>
    tpu.wait_indirect_dma semaphore(%arg16 : memref<!tpu.dma_semaphore, #tpu.memory_space<semaphore_mem>>) src(%arg9 : memref<128x128xf32, #tpu.memory_space<vmem>>) dst(%dma_wait3A_44 : memref<10112x128xf32, #tpu.memory_space<vmem_shared>>)
    %dma_wait3A_45 = arith.constant 0 : i32
    %dma_wait3A_46 = arith.constant 0 : i32
    %dma_wait3A_47 = tpu.memref_slice %arg12[%dma_wait3A_45, %dma_wait3A_46] : memref<10112x128xf32, #tpu.memory_space<vmem_shared>> -> memref<10112x128xf32, #tpu.memory_space<vmem_shared>>
    tpu.wait_indirect_dma semaphore(%arg17 : memref<!tpu.dma_semaphore, #tpu.memory_space<semaphore_mem>>) src(%arg10 : memref<128x128xf32, #tpu.memory_space<vmem>>) dst(%dma_wait3A_47 : memref<10112x128xf32, #tpu.memory_space<vmem_shared>>)
    %dma_wait3A_48 = arith.constant 0 : i32
    %dma_wait3A_49 = arith.constant 0 : i32
    %dma_wait3A_50 = tpu.memref_slice %arg12[%dma_wait3A_48, %dma_wait3A_49] : memref<10112x128xf32, #tpu.memory_space<vmem_shared>> -> memref<10112x128xf32, #tpu.memory_space<vmem_shared>>
    tpu.wait_indirect_dma semaphore(%arg18 : memref<!tpu.dma_semaphore, #tpu.memory_space<semaphore_mem>>) src(%arg11 : memref<128x128xf32, #tpu.memory_space<vmem>>) dst(%dma_wait3A_50 : memref<10112x128xf32, #tpu.memory_space<vmem_shared>>)
    %barrier3A_51 = arith.constant 0 : index
    tpu.barrier barrier_id(%barrier3A_51)
    "tpu.region"() ({
      %run_scoped3A = tpu.sem_alloc : memref<!tpu.dma_semaphore, #tpu.memory_space<semaphore_mem>>
      %dma_start3A_52 = arith.constant 0 : i32
      %dma_start3A_53 = tpu.memref_slice %arg5[%arg0, %mul3A_10, %dma_start3A_52] : memref<2x10112x128xf32, #tpu.memory_space<hbm>> -> memref<1x632x128xf32, #tpu.memory_space<hbm>>
      %dma_start3A_54 = tpu.memref_squeeze %dma_start3A_53 : memref<1x632x128xf32, #tpu.memory_space<hbm>> -> memref<632x128xf32, #tpu.memory_space<hbm>>
      %dma_start3A_55 = arith.constant 0 : i32
      %dma_start3A_56 = tpu.memref_slice %arg12[%mul3A_10, %dma_start3A_55] : memref<10112x128xf32, #tpu.memory_space<vmem_shared>> -> memref<632x128xf32, #tpu.memory_space<vmem_shared>>
      tpu.enqueue_dma source(%dma_start3A_56 : memref<632x128xf32, #tpu.memory_space<vmem_shared>>) target(%dma_start3A_54 : memref<632x128xf32, #tpu.memory_space<hbm>>) target_semaphore(%run_scoped3A : memref<!tpu.dma_semaphore, #tpu.memory_space<semaphore_mem>>)
      %dma_wait3A_57 = arith.constant 0 : i32
      %dma_wait3A_58 = tpu.memref_slice %arg5[%arg0, %mul3A_10, %dma_wait3A_57] : memref<2x10112x128xf32, #tpu.memory_space<hbm>> -> memref<1x632x128xf32, #tpu.memory_space<hbm>>
      %dma_wait3A_59 = tpu.memref_squeeze %dma_wait3A_58 : memref<1x632x128xf32, #tpu.memory_space<hbm>> -> memref<632x128xf32, #tpu.memory_space<hbm>>
      %dma_wait3A_60 = arith.constant 0 : i32
      %dma_wait3A_61 = tpu.memref_slice %arg12[%mul3A_10, %dma_wait3A_60] : memref<10112x128xf32, #tpu.memory_space<vmem_shared>> -> memref<632x128xf32, #tpu.memory_space<vmem_shared>>
      tpu.wait_dma2 semaphore(%run_scoped3A : memref<!tpu.dma_semaphore, #tpu.memory_space<semaphore_mem>>) src(%dma_wait3A_61 : memref<632x128xf32, #tpu.memory_space<vmem_shared>>) dst(%dma_wait3A_59 : memref<632x128xf32, #tpu.memory_space<hbm>>)
      tpu.yield
    }) : () -> ()
    return
  }
}

module attributes {stable_mosaic.version = 14 : i64} {
  func.func @_tc_edge_body(%arg0: i32, %arg1: memref<8000x128xf32, #tpu.memory_space<vmem>>, %arg2: memref<8000x128xf32, #tpu.memory_space<vmem>>, %arg3: memref<128x128xf32, #tpu.memory_space<vmem>>, %arg4: memref<128x128xf32, #tpu.memory_space<vmem>>, %arg5: memref<1x128xf32, #tpu.memory_space<vmem>>, %arg6: memref<1x128xf32, #tpu.memory_space<vmem>>, %arg7: memref<1x128xf32, #tpu.memory_space<vmem>>, %arg8: memref<8000x128xf32, #tpu.memory_space<vmem>>) attributes {dimension_semantics = [#tpu.dimension_semantics<arbitrary>], iteration_bounds = array<i64: 40>, scalar_prefetch = 0 : i64, scratch_operands = 0 : i64, tpu.core_type = #tpu.core_type<tc>, window_params = [{transform_indices = @transform_0, window_bounds = array<i64: 8000, 128>}, {transform_indices = @transform_1, window_bounds = array<i64: 8000, 128>}, {pipeline_mode = #tpu.pipeline_mode<synchronous>, transform_indices = @transform_2, window_bounds = array<i64: 128, 128>}, {pipeline_mode = #tpu.pipeline_mode<synchronous>, transform_indices = @transform_3, window_bounds = array<i64: 128, 128>}, {pipeline_mode = #tpu.pipeline_mode<synchronous>, transform_indices = @transform_4, window_bounds = array<i64: 1, 128>}, {pipeline_mode = #tpu.pipeline_mode<synchronous>, transform_indices = @transform_5, window_bounds = array<i64: 1, 128>}, {pipeline_mode = #tpu.pipeline_mode<synchronous>, transform_indices = @transform_6, window_bounds = array<i64: 1, 128>}, {transform_indices = @transform_7, window_bounds = array<i64: 8000, 128>}]} {
    %get3A = arith.constant 0 : index
    %get3A_0 = arith.constant 0 : index
    %get3A_1 = vector.load %arg2[%get3A, %get3A_0] : memref<8000x128xf32, #tpu.memory_space<vmem>>, vector<8000x128xf32>
    %get3A_2 = arith.constant 0 : index
    %get3A_3 = arith.constant 0 : index
    %get3A_4 = vector.load %arg1[%get3A_2, %get3A_3] : memref<8000x128xf32, #tpu.memory_space<vmem>>, vector<8000x128xf32>
    %get3A_5 = arith.constant 0 : index
    %get3A_6 = arith.constant 0 : index
    %get3A_7 = vector.load %arg3[%get3A_5, %get3A_6] : memref<128x128xf32, #tpu.memory_space<vmem>>, vector<128x128xf32>
    %dot_general3A = arith.constant dense<0.000000e+00> : vector<8000x128xf32>
    %dot_general3A_8 = tpu.matmul %get3A_1, %get3A_7, %dot_general3A {dimension_numbers = #tpu.dot_dimension_numbers<[1], [0], [0], [1], [0, 0, 1, 1], [], []>, transpose_lhs_hint = false} : vector<8000x128xf32>, vector<128x128xf32>, vector<8000x128xf32> -> vector<8000x128xf32>
    %add3A = arith.addf %get3A_4, %dot_general3A_8 : vector<8000x128xf32>
    %logistic3A = arith.negf %add3A : vector<8000x128xf32>
    %logistic3A_9 = math.exp %logistic3A : vector<8000x128xf32>
    %logistic3A_10 = arith.constant 1.000000e+00 : f32
    %logistic3A_11 = vector.broadcast %logistic3A_10 : f32 to vector<8000x128xf32>
    %logistic3A_12 = arith.addf %logistic3A_11, %logistic3A_9 : vector<8000x128xf32>
    %logistic3A_13 = arith.divf %logistic3A_11, %logistic3A_12 : vector<8000x128xf32>
    %mul3A = arith.mulf %add3A, %logistic3A_13 : vector<8000x128xf32>
    %get3A_14 = arith.constant 0 : index
    %get3A_15 = arith.constant 0 : index
    %get3A_16 = vector.load %arg4[%get3A_14, %get3A_15] : memref<128x128xf32, #tpu.memory_space<vmem>>, vector<128x128xf32>
    %dot_general3A_17 = arith.constant dense<0.000000e+00> : vector<8000x128xf32>
    %dot_general3A_18 = tpu.matmul %mul3A, %get3A_16, %dot_general3A_17 {dimension_numbers = #tpu.dot_dimension_numbers<[1], [0], [0], [1], [0, 0, 1, 1], [], []>, transpose_lhs_hint = false} : vector<8000x128xf32>, vector<128x128xf32>, vector<8000x128xf32> -> vector<8000x128xf32>
    %get3A_19 = arith.constant 0 : index
    %get3A_20 = arith.constant 0 : index
    %get3A_21 = vector.load %arg5[%get3A_19, %get3A_20] : memref<1x128xf32, #tpu.memory_space<vmem>>, vector<1x128xf32>
    %add3A_22 = vector.broadcast %get3A_21 : vector<1x128xf32> to vector<8000x128xf32>
    %add3A_23 = arith.addf %dot_general3A_18, %add3A_22 : vector<8000x128xf32>
    %get3A_24 = arith.constant 0 : index
    %get3A_25 = arith.constant 0 : index
    %get3A_26 = vector.load %arg6[%get3A_24, %get3A_25] : memref<1x128xf32, #tpu.memory_space<vmem>>, vector<1x128xf32>
    %get3A_27 = arith.constant 0 : index
    %get3A_28 = arith.constant 0 : index
    %get3A_29 = vector.load %arg7[%get3A_27, %get3A_28] : memref<1x128xf32, #tpu.memory_space<vmem>>, vector<1x128xf32>
    %reduce_sum3A = arith.constant dense<0.000000e+00> : vector<8000xf32>
    %reduce_sum3A_30 = vector.multi_reduction <add>, %add3A_23, %reduce_sum3A [1] : vector<8000x128xf32> to vector<8000xf32>
    %broadcast_in_dim3A = vector.shape_cast %reduce_sum3A_30 : vector<8000xf32> to vector<8000x1xf32>
    %div3A = arith.constant 1.280000e+02 : f32
    %div3A_31 = vector.broadcast %div3A : f32 to vector<8000x1xf32>
    %div3A_32 = arith.divf %broadcast_in_dim3A, %div3A_31 : vector<8000x1xf32>
    %jit3A = arith.constant 0 : i32
    %reduce_sum3A_33 = arith.constant dense<0.000000e+00> : vector<8000xf32>
    %reduce_sum3A_34 = vector.multi_reduction <add>, %add3A_23, %reduce_sum3A_33 [1] : vector<8000x128xf32> to vector<8000xf32>
    %broadcast_in_dim3A_35 = vector.shape_cast %reduce_sum3A_34 : vector<8000xf32> to vector<8000x1xf32>
    %div3A_36 = arith.constant 1.280000e+02 : f32
    %div3A_37 = vector.broadcast %div3A_36 : f32 to vector<8000x1xf32>
    %div3A_38 = arith.divf %broadcast_in_dim3A_35, %div3A_37 : vector<8000x1xf32>
    %sub3A = vector.broadcast %div3A_38 : vector<8000x1xf32> to vector<8000x128xf32>
    %sub3A_39 = arith.subf %add3A_23, %sub3A : vector<8000x128xf32>
    %square3A = arith.mulf %sub3A_39, %sub3A_39 : vector<8000x128xf32>
    %convert_element_type3A = arith.sitofp %jit3A : i32 to f32
    %sub3A_40 = arith.constant 1.280000e+02 : f32
    %sub3A_41 = arith.subf %sub3A_40, %convert_element_type3A : f32
    %reduce_sum3A_42 = arith.constant dense<0.000000e+00> : vector<8000xf32>
    %reduce_sum3A_43 = vector.multi_reduction <add>, %square3A, %reduce_sum3A_42 [1] : vector<8000x128xf32> to vector<8000xf32>
    %broadcast_in_dim3A_44 = vector.shape_cast %reduce_sum3A_43 : vector<8000xf32> to vector<8000x1xf32>
    %div3A_45 = vector.broadcast %sub3A_41 : f32 to vector<8000x1xf32>
    %div3A_46 = arith.divf %broadcast_in_dim3A_44, %div3A_45 : vector<8000x1xf32>
    %gt3A = arith.constant 0.000000e+00 : f32
    %gt3A_47 = arith.cmpf ogt, %sub3A_41, %gt3A : f32
    %jit3A_48 = arith.constant 0x7FC00000 : f32
    %broadcast_in_dim3A_49 = vector.broadcast %jit3A_48 : f32 to vector<8000x1xf32>
    %select_n3A = arith.select %gt3A_47, %div3A_46, %broadcast_in_dim3A_49 : vector<8000x1xf32>
    %sub3A_50 = vector.broadcast %div3A_32 : vector<8000x1xf32> to vector<8000x128xf32>
    %sub3A_51 = arith.subf %add3A_23, %sub3A_50 : vector<8000x128xf32>
    %add3A_52 = arith.constant 9.99999974E-6 : f32
    %add3A_53 = vector.broadcast %add3A_52 : f32 to vector<8000x1xf32>
    %add3A_54 = arith.addf %select_n3A, %add3A_53 : vector<8000x1xf32>
    %rsqrt3A = math.rsqrt %add3A_54 : vector<8000x1xf32>
    %mul3A_55 = vector.broadcast %rsqrt3A : vector<8000x1xf32> to vector<8000x128xf32>
    %mul3A_56 = arith.mulf %sub3A_51, %mul3A_55 : vector<8000x128xf32>
    %mul3A_57 = vector.broadcast %get3A_26 : vector<1x128xf32> to vector<8000x128xf32>
    %mul3A_58 = arith.mulf %mul3A_56, %mul3A_57 : vector<8000x128xf32>
    %add3A_59 = vector.broadcast %get3A_29 : vector<1x128xf32> to vector<8000x128xf32>
    %add3A_60 = arith.addf %mul3A_58, %add3A_59 : vector<8000x128xf32>
    %add3A_61 = arith.addf %add3A_60, %get3A_1 : vector<8000x128xf32>
    %swap3A = arith.constant 0 : index
    %swap3A_62 = arith.constant 0 : index
    %swap3A_63 = vector.load %arg8[%swap3A, %swap3A_62] : memref<8000x128xf32, #tpu.memory_space<vmem>>, vector<8000x128xf32>
    tpu.vector_store %arg8[%swap3A, %swap3A_62], %add3A_61 {strides = array<i32>} : memref<8000x128xf32, #tpu.memory_space<vmem>>, vector<8000x128xf32>,
    return
  }
  func.func @transform_0(%arg0: i32) -> (i32, i32) {
    %c0_i32 = arith.constant 0 : i32
    %c0_i32_0 = arith.constant 0 : i32
    return %arg0, %c0_i32 : i32, i32
  }
  func.func @transform_1(%arg0: i32) -> (i32, i32) {
    %c0_i32 = arith.constant 0 : i32
    %c0_i32_0 = arith.constant 0 : i32
    return %arg0, %c0_i32 : i32, i32
  }
  func.func @transform_2(%arg0: i32) -> (i32, i32) {
    %c0_i32 = arith.constant 0 : i32
    %c0_i32_0 = arith.constant 0 : i32
    %c0_i32_1 = arith.constant 0 : i32
    return %c0_i32, %c0_i32_0 : i32, i32
  }
  func.func @transform_3(%arg0: i32) -> (i32, i32) {
    %c0_i32 = arith.constant 0 : i32
    %c0_i32_0 = arith.constant 0 : i32
    %c0_i32_1 = arith.constant 0 : i32
    return %c0_i32, %c0_i32_0 : i32, i32
  }
  func.func @transform_4(%arg0: i32) -> (i32, i32) {
    %c0_i32 = arith.constant 0 : i32
    %c0_i32_0 = arith.constant 0 : i32
    %c0_i32_1 = arith.constant 0 : i32
    return %c0_i32, %c0_i32_0 : i32, i32
  }
  func.func @transform_5(%arg0: i32) -> (i32, i32) {
    %c0_i32 = arith.constant 0 : i32
    %c0_i32_0 = arith.constant 0 : i32
    %c0_i32_1 = arith.constant 0 : i32
    return %c0_i32, %c0_i32_0 : i32, i32
  }
  func.func @transform_6(%arg0: i32) -> (i32, i32) {
    %c0_i32 = arith.constant 0 : i32
    %c0_i32_0 = arith.constant 0 : i32
    %c0_i32_1 = arith.constant 0 : i32
    return %c0_i32, %c0_i32_0 : i32, i32
  }
  func.func @transform_7(%arg0: i32) -> (i32, i32) {
    %c0_i32 = arith.constant 0 : i32
    %c0_i32_0 = arith.constant 0 : i32
    return %arg0, %c0_i32 : i32, i32
  }
}

module attributes {stable_mosaic.version = 14 : i64} {
  func.func @_tc_pre_body(%arg0: memref<10000x128xf32, #tpu.memory_space<vmem>>, %arg1: memref<10000x128xf32, #tpu.memory_space<vmem>>, %arg2: memref<128x128xf32, #tpu.memory_space<vmem>>, %arg3: memref<128x128xf32, #tpu.memory_space<vmem>>, %arg4: memref<1x128xf32, #tpu.memory_space<vmem>>, %arg5: memref<256x128xf32, #tpu.memory_space<vmem>>, %arg6: memref<1x128xf32, #tpu.memory_space<vmem>>, %arg7: memref<128x128xf32, #tpu.memory_space<vmem>>, %arg8: memref<1x128xf32, #tpu.memory_space<vmem>>, %arg9: memref<1x128xf32, #tpu.memory_space<vmem>>, %arg10: memref<1x128xf32, #tpu.memory_space<vmem>>, %arg11: memref<10000x128xf32, #tpu.memory_space<vmem>>, %arg12: memref<10000x128xf32, #tpu.memory_space<vmem>>, %arg13: memref<10000x128xf32, #tpu.memory_space<vmem>>) attributes {dimension_semantics = [], scalar_prefetch = 0 : i64, scratch_operands = 0 : i64, tpu.core_type = #tpu.core_type<tc>} {
    %get3A = arith.constant 0 : index
    %get3A_0 = arith.constant 0 : index
    %get3A_1 = vector.load %arg0[%get3A, %get3A_0] : memref<10000x128xf32, #tpu.memory_space<vmem>>, vector<10000x128xf32>
    %get3A_2 = arith.constant 0 : index
    %get3A_3 = arith.constant 0 : index
    %get3A_4 = vector.load %arg1[%get3A_2, %get3A_3] : memref<10000x128xf32, #tpu.memory_space<vmem>>, vector<10000x128xf32>
    %get3A_5 = arith.constant 0 : index
    %get3A_6 = arith.constant 0 : index
    %get3A_7 = vector.load %arg2[%get3A_5, %get3A_6] : memref<128x128xf32, #tpu.memory_space<vmem>>, vector<128x128xf32>
    %dot_general3A = arith.constant dense<0.000000e+00> : vector<10000x128xf32>
    %dot_general3A_8 = tpu.matmul %get3A_4, %get3A_7, %dot_general3A {dimension_numbers = #tpu.dot_dimension_numbers<[1], [0], [0], [1], [0, 0, 1, 1], [], []>, transpose_lhs_hint = false} : vector<10000x128xf32>, vector<128x128xf32>, vector<10000x128xf32> -> vector<10000x128xf32>
    %get3A_9 = arith.constant 0 : index
    %get3A_10 = arith.constant 0 : index
    %get3A_11 = vector.load %arg4[%get3A_9, %get3A_10] : memref<1x128xf32, #tpu.memory_space<vmem>>, vector<1x128xf32>
    %add3A = vector.broadcast %get3A_11 : vector<1x128xf32> to vector<10000x128xf32>
    %add3A_12 = arith.addf %dot_general3A_8, %add3A : vector<10000x128xf32>
    %swap3A = arith.constant 0 : index
    %swap3A_13 = arith.constant 0 : index
    %swap3A_14 = vector.load %arg11[%swap3A, %swap3A_13] : memref<10000x128xf32, #tpu.memory_space<vmem>>, vector<10000x128xf32>
    tpu.vector_store %arg11[%swap3A, %swap3A_13], %add3A_12 {strides = array<i32>} : memref<10000x128xf32, #tpu.memory_space<vmem>>, vector<10000x128xf32>,
    %get3A_15 = arith.constant 0 : index
    %get3A_16 = arith.constant 0 : index
    %get3A_17 = vector.load %arg3[%get3A_15, %get3A_16] : memref<128x128xf32, #tpu.memory_space<vmem>>, vector<128x128xf32>
    %dot_general3A_18 = arith.constant dense<0.000000e+00> : vector<10000x128xf32>
    %dot_general3A_19 = tpu.matmul %get3A_1, %get3A_17, %dot_general3A_18 {dimension_numbers = #tpu.dot_dimension_numbers<[1], [0], [0], [1], [0, 0, 1, 1], [], []>, transpose_lhs_hint = false} : vector<10000x128xf32>, vector<128x128xf32>, vector<10000x128xf32> -> vector<10000x128xf32>
    %swap3A_20 = arith.constant 0 : index
    %swap3A_21 = arith.constant 0 : index
    %swap3A_22 = vector.load %arg12[%swap3A_20, %swap3A_21] : memref<10000x128xf32, #tpu.memory_space<vmem>>, vector<10000x128xf32>
    tpu.vector_store %arg12[%swap3A_20, %swap3A_21], %dot_general3A_19 {strides = array<i32>} : memref<10000x128xf32, #tpu.memory_space<vmem>>, vector<10000x128xf32>,
    %get3A_23 = arith.constant 0 : index
    %get3A_24 = arith.constant 0 : index
    %get3A_25 = vector.load %arg5[%get3A_23, %get3A_24] : memref<256x128xf32, #tpu.memory_space<vmem>>, vector<128x128xf32>
    %get3A_26 = arith.constant 128 : index
    %get3A_27 = arith.constant 0 : index
    %get3A_28 = vector.load %arg5[%get3A_26, %get3A_27] : memref<256x128xf32, #tpu.memory_space<vmem>>, vector<128x128xf32>
    %add3A_29 = arith.addf %get3A_25, %get3A_28 : vector<128x128xf32>
    %dot_general3A_30 = arith.constant dense<0.000000e+00> : vector<10000x128xf32>
    %dot_general3A_31 = tpu.matmul %get3A_1, %add3A_29, %dot_general3A_30 {dimension_numbers = #tpu.dot_dimension_numbers<[1], [0], [0], [1], [0, 0, 1, 1], [], []>, transpose_lhs_hint = false} : vector<10000x128xf32>, vector<128x128xf32>, vector<10000x128xf32> -> vector<10000x128xf32>
    %get3A_32 = arith.constant 0 : index
    %get3A_33 = arith.constant 0 : index
    %get3A_34 = vector.load %arg6[%get3A_32, %get3A_33] : memref<1x128xf32, #tpu.memory_space<vmem>>, vector<1x128xf32>
    %add3A_35 = vector.broadcast %get3A_34 : vector<1x128xf32> to vector<10000x128xf32>
    %add3A_36 = arith.addf %dot_general3A_31, %add3A_35 : vector<10000x128xf32>
    %logistic3A = arith.negf %add3A_36 : vector<10000x128xf32>
    %logistic3A_37 = math.exp %logistic3A : vector<10000x128xf32>
    %logistic3A_38 = arith.constant 1.000000e+00 : f32
    %logistic3A_39 = vector.broadcast %logistic3A_38 : f32 to vector<10000x128xf32>
    %logistic3A_40 = arith.addf %logistic3A_39, %logistic3A_37 : vector<10000x128xf32>
    %logistic3A_41 = arith.divf %logistic3A_39, %logistic3A_40 : vector<10000x128xf32>
    %mul3A = arith.mulf %add3A_36, %logistic3A_41 : vector<10000x128xf32>
    %get3A_42 = arith.constant 0 : index
    %get3A_43 = arith.constant 0 : index
    %get3A_44 = vector.load %arg7[%get3A_42, %get3A_43] : memref<128x128xf32, #tpu.memory_space<vmem>>, vector<128x128xf32>
    %dot_general3A_45 = arith.constant dense<0.000000e+00> : vector<10000x128xf32>
    %dot_general3A_46 = tpu.matmul %mul3A, %get3A_44, %dot_general3A_45 {dimension_numbers = #tpu.dot_dimension_numbers<[1], [0], [0], [1], [0, 0, 1, 1], [], []>, transpose_lhs_hint = false} : vector<10000x128xf32>, vector<128x128xf32>, vector<10000x128xf32> -> vector<10000x128xf32>
    %get3A_47 = arith.constant 0 : index
    %get3A_48 = arith.constant 0 : index
    %get3A_49 = vector.load %arg8[%get3A_47, %get3A_48] : memref<1x128xf32, #tpu.memory_space<vmem>>, vector<1x128xf32>
    %add3A_50 = vector.broadcast %get3A_49 : vector<1x128xf32> to vector<10000x128xf32>
    %add3A_51 = arith.addf %dot_general3A_46, %add3A_50 : vector<10000x128xf32>
    %get3A_52 = arith.constant 0 : index
    %get3A_53 = arith.constant 0 : index
    %get3A_54 = vector.load %arg9[%get3A_52, %get3A_53] : memref<1x128xf32, #tpu.memory_space<vmem>>, vector<1x128xf32>
    %get3A_55 = arith.constant 0 : index
    %get3A_56 = arith.constant 0 : index
    %get3A_57 = vector.load %arg10[%get3A_55, %get3A_56] : memref<1x128xf32, #tpu.memory_space<vmem>>, vector<1x128xf32>
    %reduce_sum3A = arith.constant dense<0.000000e+00> : vector<10000xf32>
    %reduce_sum3A_58 = vector.multi_reduction <add>, %add3A_51, %reduce_sum3A [1] : vector<10000x128xf32> to vector<10000xf32>
    %broadcast_in_dim3A = vector.shape_cast %reduce_sum3A_58 : vector<10000xf32> to vector<10000x1xf32>
    %div3A = arith.constant 1.280000e+02 : f32
    %div3A_59 = vector.broadcast %div3A : f32 to vector<10000x1xf32>
    %div3A_60 = arith.divf %broadcast_in_dim3A, %div3A_59 : vector<10000x1xf32>
    %jit3A = arith.constant 0 : i32
    %reduce_sum3A_61 = arith.constant dense<0.000000e+00> : vector<10000xf32>
    %reduce_sum3A_62 = vector.multi_reduction <add>, %add3A_51, %reduce_sum3A_61 [1] : vector<10000x128xf32> to vector<10000xf32>
    %broadcast_in_dim3A_63 = vector.shape_cast %reduce_sum3A_62 : vector<10000xf32> to vector<10000x1xf32>
    %div3A_64 = arith.constant 1.280000e+02 : f32
    %div3A_65 = vector.broadcast %div3A_64 : f32 to vector<10000x1xf32>
    %div3A_66 = arith.divf %broadcast_in_dim3A_63, %div3A_65 : vector<10000x1xf32>
    %sub3A = vector.broadcast %div3A_66 : vector<10000x1xf32> to vector<10000x128xf32>
    %sub3A_67 = arith.subf %add3A_51, %sub3A : vector<10000x128xf32>
    %square3A = arith.mulf %sub3A_67, %sub3A_67 : vector<10000x128xf32>
    %convert_element_type3A = arith.sitofp %jit3A : i32 to f32
    %sub3A_68 = arith.constant 1.280000e+02 : f32
    %sub3A_69 = arith.subf %sub3A_68, %convert_element_type3A : f32
    %reduce_sum3A_70 = arith.constant dense<0.000000e+00> : vector<10000xf32>
    %reduce_sum3A_71 = vector.multi_reduction <add>, %square3A, %reduce_sum3A_70 [1] : vector<10000x128xf32> to vector<10000xf32>
    %broadcast_in_dim3A_72 = vector.shape_cast %reduce_sum3A_71 : vector<10000xf32> to vector<10000x1xf32>
    %div3A_73 = vector.broadcast %sub3A_69 : f32 to vector<10000x1xf32>
    %div3A_74 = arith.divf %broadcast_in_dim3A_72, %div3A_73 : vector<10000x1xf32>
    %gt3A = arith.constant 0.000000e+00 : f32
    %gt3A_75 = arith.cmpf ogt, %sub3A_69, %gt3A : f32
    %jit3A_76 = arith.constant 0x7FC00000 : f32
    %broadcast_in_dim3A_77 = vector.broadcast %jit3A_76 : f32 to vector<10000x1xf32>
    %select_n3A = arith.select %gt3A_75, %div3A_74, %broadcast_in_dim3A_77 : vector<10000x1xf32>
    %sub3A_78 = vector.broadcast %div3A_60 : vector<10000x1xf32> to vector<10000x128xf32>
    %sub3A_79 = arith.subf %add3A_51, %sub3A_78 : vector<10000x128xf32>
    %add3A_80 = arith.constant 9.99999974E-6 : f32
    %add3A_81 = vector.broadcast %add3A_80 : f32 to vector<10000x1xf32>
    %add3A_82 = arith.addf %select_n3A, %add3A_81 : vector<10000x1xf32>
    %rsqrt3A = math.rsqrt %add3A_82 : vector<10000x1xf32>
    %mul3A_83 = vector.broadcast %rsqrt3A : vector<10000x1xf32> to vector<10000x128xf32>
    %mul3A_84 = arith.mulf %sub3A_79, %mul3A_83 : vector<10000x128xf32>
    %mul3A_85 = vector.broadcast %get3A_54 : vector<1x128xf32> to vector<10000x128xf32>
    %mul3A_86 = arith.mulf %mul3A_84, %mul3A_85 : vector<10000x128xf32>
    %add3A_87 = vector.broadcast %get3A_57 : vector<1x128xf32> to vector<10000x128xf32>
    %add3A_88 = arith.addf %mul3A_86, %add3A_87 : vector<10000x128xf32>
    %add3A_89 = arith.addf %add3A_88, %get3A_1 : vector<10000x128xf32>
    %swap3A_90 = arith.constant 0 : index
    %swap3A_91 = arith.constant 0 : index
    %swap3A_92 = vector.load %arg13[%swap3A_90, %swap3A_91] : memref<10000x128xf32, #tpu.memory_space<vmem>>, vector<10000x128xf32>
    tpu.vector_store %arg13[%swap3A_90, %swap3A_91], %add3A_89 {strides = array<i32>} : memref<10000x128xf32, #tpu.memory_space<vmem>>, vector<10000x128xf32>,
    return
  }
}

module attributes {stable_mosaic.version = 14 : i64} {
  func.func @_tc_post_body(%arg0: memref<10000x128xf32, #tpu.memory_space<vmem>>, %arg1: memref<10000x128xf32, #tpu.memory_space<vmem>>, %arg2: memref<10000x128xf32, #tpu.memory_space<vmem>>, %arg3: memref<256x128xf32, #tpu.memory_space<vmem>>, %arg4: memref<1x128xf32, #tpu.memory_space<vmem>>, %arg5: memref<128x128xf32, #tpu.memory_space<vmem>>, %arg6: memref<1x128xf32, #tpu.memory_space<vmem>>, %arg7: memref<1x128xf32, #tpu.memory_space<vmem>>, %arg8: memref<1x128xf32, #tpu.memory_space<vmem>>, %arg9: memref<10000x128xf32, #tpu.memory_space<vmem>>) attributes {dimension_semantics = [], scalar_prefetch = 0 : i64, scratch_operands = 0 : i64, tpu.core_type = #tpu.core_type<tc>} {
    %get3A = arith.constant 0 : index
    %get3A_0 = arith.constant 0 : index
    %get3A_1 = vector.load %arg0[%get3A, %get3A_0] : memref<10000x128xf32, #tpu.memory_space<vmem>>, vector<10000x128xf32>
    %get3A_2 = arith.constant 0 : index
    %get3A_3 = arith.constant 0 : index
    %get3A_4 = vector.load %arg1[%get3A_2, %get3A_3] : memref<10000x128xf32, #tpu.memory_space<vmem>>, vector<10000x128xf32>
    %get3A_5 = arith.constant 0 : index
    %get3A_6 = arith.constant 0 : index
    %get3A_7 = vector.load %arg2[%get3A_5, %get3A_6] : memref<10000x128xf32, #tpu.memory_space<vmem>>, vector<10000x128xf32>
    %add3A = arith.addf %get3A_4, %get3A_7 : vector<10000x128xf32>
    %get3A_8 = arith.constant 0 : index
    %get3A_9 = arith.constant 0 : index
    %get3A_10 = vector.load %arg3[%get3A_8, %get3A_9] : memref<256x128xf32, #tpu.memory_space<vmem>>, vector<128x128xf32>
    %dot_general3A = arith.constant dense<0.000000e+00> : vector<10000x128xf32>
    %dot_general3A_11 = tpu.matmul %get3A_1, %get3A_10, %dot_general3A {dimension_numbers = #tpu.dot_dimension_numbers<[1], [0], [0], [1], [0, 0, 1, 1], [], []>, transpose_lhs_hint = false} : vector<10000x128xf32>, vector<128x128xf32>, vector<10000x128xf32> -> vector<10000x128xf32>
    %get3A_12 = arith.constant 128 : index
    %get3A_13 = arith.constant 0 : index
    %get3A_14 = vector.load %arg3[%get3A_12, %get3A_13] : memref<256x128xf32, #tpu.memory_space<vmem>>, vector<128x128xf32>
    %dot_general3A_15 = arith.constant dense<0.000000e+00> : vector<10000x128xf32>
    %dot_general3A_16 = tpu.matmul %add3A, %get3A_14, %dot_general3A_15 {dimension_numbers = #tpu.dot_dimension_numbers<[1], [0], [0], [1], [0, 0, 1, 1], [], []>, transpose_lhs_hint = false} : vector<10000x128xf32>, vector<128x128xf32>, vector<10000x128xf32> -> vector<10000x128xf32>
    %add3A_17 = arith.addf %dot_general3A_11, %dot_general3A_16 : vector<10000x128xf32>
    %get3A_18 = arith.constant 0 : index
    %get3A_19 = arith.constant 0 : index
    %get3A_20 = vector.load %arg4[%get3A_18, %get3A_19] : memref<1x128xf32, #tpu.memory_space<vmem>>, vector<1x128xf32>
    %add3A_21 = vector.broadcast %get3A_20 : vector<1x128xf32> to vector<10000x128xf32>
    %add3A_22 = arith.addf %add3A_17, %add3A_21 : vector<10000x128xf32>
    %logistic3A = arith.negf %add3A_22 : vector<10000x128xf32>
    %logistic3A_23 = math.exp %logistic3A : vector<10000x128xf32>
    %logistic3A_24 = arith.constant 1.000000e+00 : f32
    %logistic3A_25 = vector.broadcast %logistic3A_24 : f32 to vector<10000x128xf32>
    %logistic3A_26 = arith.addf %logistic3A_25, %logistic3A_23 : vector<10000x128xf32>
    %logistic3A_27 = arith.divf %logistic3A_25, %logistic3A_26 : vector<10000x128xf32>
    %mul3A = arith.mulf %add3A_22, %logistic3A_27 : vector<10000x128xf32>
    %get3A_28 = arith.constant 0 : index
    %get3A_29 = arith.constant 0 : index
    %get3A_30 = vector.load %arg5[%get3A_28, %get3A_29] : memref<128x128xf32, #tpu.memory_space<vmem>>, vector<128x128xf32>
    %dot_general3A_31 = arith.constant dense<0.000000e+00> : vector<10000x128xf32>
    %dot_general3A_32 = tpu.matmul %mul3A, %get3A_30, %dot_general3A_31 {dimension_numbers = #tpu.dot_dimension_numbers<[1], [0], [0], [1], [0, 0, 1, 1], [], []>, transpose_lhs_hint = false} : vector<10000x128xf32>, vector<128x128xf32>, vector<10000x128xf32> -> vector<10000x128xf32>
    %get3A_33 = arith.constant 0 : index
    %get3A_34 = arith.constant 0 : index
    %get3A_35 = vector.load %arg6[%get3A_33, %get3A_34] : memref<1x128xf32, #tpu.memory_space<vmem>>, vector<1x128xf32>
    %add3A_36 = vector.broadcast %get3A_35 : vector<1x128xf32> to vector<10000x128xf32>
    %add3A_37 = arith.addf %dot_general3A_32, %add3A_36 : vector<10000x128xf32>
    %get3A_38 = arith.constant 0 : index
    %get3A_39 = arith.constant 0 : index
    %get3A_40 = vector.load %arg7[%get3A_38, %get3A_39] : memref<1x128xf32, #tpu.memory_space<vmem>>, vector<1x128xf32>
    %get3A_41 = arith.constant 0 : index
    %get3A_42 = arith.constant 0 : index
    %get3A_43 = vector.load %arg8[%get3A_41, %get3A_42] : memref<1x128xf32, #tpu.memory_space<vmem>>, vector<1x128xf32>
    %reduce_sum3A = arith.constant dense<0.000000e+00> : vector<10000xf32>
    %reduce_sum3A_44 = vector.multi_reduction <add>, %add3A_37, %reduce_sum3A [1] : vector<10000x128xf32> to vector<10000xf32>
    %broadcast_in_dim3A = vector.shape_cast %reduce_sum3A_44 : vector<10000xf32> to vector<10000x1xf32>
    %div3A = arith.constant 1.280000e+02 : f32
    %div3A_45 = vector.broadcast %div3A : f32 to vector<10000x1xf32>
    %div3A_46 = arith.divf %broadcast_in_dim3A, %div3A_45 : vector<10000x1xf32>
    %jit3A = arith.constant 0 : i32
    %reduce_sum3A_47 = arith.constant dense<0.000000e+00> : vector<10000xf32>
    %reduce_sum3A_48 = vector.multi_reduction <add>, %add3A_37, %reduce_sum3A_47 [1] : vector<10000x128xf32> to vector<10000xf32>
    %broadcast_in_dim3A_49 = vector.shape_cast %reduce_sum3A_48 : vector<10000xf32> to vector<10000x1xf32>
    %div3A_50 = arith.constant 1.280000e+02 : f32
    %div3A_51 = vector.broadcast %div3A_50 : f32 to vector<10000x1xf32>
    %div3A_52 = arith.divf %broadcast_in_dim3A_49, %div3A_51 : vector<10000x1xf32>
    %sub3A = vector.broadcast %div3A_52 : vector<10000x1xf32> to vector<10000x128xf32>
    %sub3A_53 = arith.subf %add3A_37, %sub3A : vector<10000x128xf32>
    %square3A = arith.mulf %sub3A_53, %sub3A_53 : vector<10000x128xf32>
    %convert_element_type3A = arith.sitofp %jit3A : i32 to f32
    %sub3A_54 = arith.constant 1.280000e+02 : f32
    %sub3A_55 = arith.subf %sub3A_54, %convert_element_type3A : f32
    %reduce_sum3A_56 = arith.constant dense<0.000000e+00> : vector<10000xf32>
    %reduce_sum3A_57 = vector.multi_reduction <add>, %square3A, %reduce_sum3A_56 [1] : vector<10000x128xf32> to vector<10000xf32>
    %broadcast_in_dim3A_58 = vector.shape_cast %reduce_sum3A_57 : vector<10000xf32> to vector<10000x1xf32>
    %div3A_59 = vector.broadcast %sub3A_55 : f32 to vector<10000x1xf32>
    %div3A_60 = arith.divf %broadcast_in_dim3A_58, %div3A_59 : vector<10000x1xf32>
    %gt3A = arith.constant 0.000000e+00 : f32
    %gt3A_61 = arith.cmpf ogt, %sub3A_55, %gt3A : f32
    %jit3A_62 = arith.constant 0x7FC00000 : f32
    %broadcast_in_dim3A_63 = vector.broadcast %jit3A_62 : f32 to vector<10000x1xf32>
    %select_n3A = arith.select %gt3A_61, %div3A_60, %broadcast_in_dim3A_63 : vector<10000x1xf32>
    %sub3A_64 = vector.broadcast %div3A_46 : vector<10000x1xf32> to vector<10000x128xf32>
    %sub3A_65 = arith.subf %add3A_37, %sub3A_64 : vector<10000x128xf32>
    %add3A_66 = arith.constant 9.99999974E-6 : f32
    %add3A_67 = vector.broadcast %add3A_66 : f32 to vector<10000x1xf32>
    %add3A_68 = arith.addf %select_n3A, %add3A_67 : vector<10000x1xf32>
    %rsqrt3A = math.rsqrt %add3A_68 : vector<10000x1xf32>
    %mul3A_69 = vector.broadcast %rsqrt3A : vector<10000x1xf32> to vector<10000x128xf32>
    %mul3A_70 = arith.mulf %sub3A_65, %mul3A_69 : vector<10000x128xf32>
    %mul3A_71 = vector.broadcast %get3A_40 : vector<1x128xf32> to vector<10000x128xf32>
    %mul3A_72 = arith.mulf %mul3A_70, %mul3A_71 : vector<10000x128xf32>
    %add3A_73 = vector.broadcast %get3A_43 : vector<1x128xf32> to vector<10000x128xf32>
    %add3A_74 = arith.addf %mul3A_72, %add3A_73 : vector<10000x128xf32>
    %add3A_75 = arith.addf %add3A_74, %get3A_1 : vector<10000x128xf32>
    %swap3A = arith.constant 0 : index
    %swap3A_76 = arith.constant 0 : index
    %swap3A_77 = vector.load %arg9[%swap3A, %swap3A_76] : memref<10000x128xf32, #tpu.memory_space<vmem>>, vector<10000x128xf32>
    tpu.vector_store %arg9[%swap3A, %swap3A_76], %add3A_75 {strides = array<i32>} : memref<10000x128xf32, #tpu.memory_space<vmem>>, vector<10000x128xf32>,
    return
  }
}

</mosaic_0001>

<sc_bundles>
// kernel: kernel.10.cloned.1.call-start
scs
__scs_entry_jumppad:
0x0: {  	(pc) =	sbr.rel $0x88, $3  }
0x1: {  	(tag) =	ssettag $0x0;
	lr =	simm.s32 $0x1  }
0x2: {  	[smem:$0x3F91] =	sst lr;
	_ =	strace $0xD0000000  }
0x3: {  	_ = 	snop  }
0x4: {  	_ = 	snop  }
0x5: {  	_ = 	snop  }
0x6: {  	_ = 	snop  }
0x7: {  	_ = 	snop  }
__scs_overlays_trampoline_lowered:
0x8: {  	[smem:$0x3FA0] =	sst s0  }
0x9: {  	[smem:$0x3FA1] =	sst s1  }
0xa: {  	[smem:$0x3FA2] =	sst s2  }
0xb: {  	[smem:$0x3FA3] =	sst s3  }
0xc: {  	[smem:$0x3FA4] =	sst s4  }
0xd: {  	[smem:$0x3FA5] =	sst s5  }
0xe: {  	[smem:$0x3FA6] =	sst s6  }
0xf: {  	[smem:$0x3FA7] =	sst s7  }
0x10: {  	[smem:$0x3FA8] =	sst s8  }
0x11: {  	[smem:$0x3FA9] =	sst s9;
	s0 =	simm.s32 @!p0 $0x0  }
0x12: {  	s1 =	sld [smem:$0x3F8F];
	s0 =	simm.s32 @p0 $0x1  }
0x13: {  	[smem:$0x3FAA] =	sst s0;
	s0 =	simm.s32 @!p1 $0x0  }
0x14: {  	s2 =	sld [smem:$0x3F8E];
	s0 =	simm.s32 @p1 $0x1  }
0x15: {  	[smem:$0x3FAB] =	sst s0;
	s0 =	simm.s32 @!p2 $0x0  }
0x16: {  	s3 =	sld [smem:$0x3FDB];
	s0 =	simm.s32 @p2 $0x1  }
0x17: {  	s4 =	simm.s32 $0x1BF5;
	[smem:$0x3FAD] =	sst s0  }
0x18: {  	s0 =	sld [smem:$0x3F90];
	_ =	swait.ge [sflag:s4], $0x0  }
0x19: {  	s7 =	sld [smem:$0x3F91]  }
0x1a: {  	s8 =	sadd.s32 $0xFFFFE003, lr  }
0x1b: {  	s9 =	sadd.s32 $0xFFFFFEF7, lr;
	s5 =	simm.s32 $0xFFFFFFFF;
	p2 =	slt.u32 s8, $0xFFFFF086  }
0x1c: {  	p1 =	slt.u32 s9, $0xF7A;
	s5 =	simm.s32 @!p2 $0x0  }
0x1d: {  	s5 =	simm.s32 @p1 $0x1;
	p0 =	seq.s32 s7, s2  }
0x1e: {  	s7 =	smul.u32 @!p0 $0xF7A, s2;
	p2 =	seq.s32 @!p0 s5, $0x0  }
0x1f: {  	s9 =	smul.u32 $0xF7A, s1;
	s8 =	simm.s32 @!p0 $0x1BF5;
	p2 =	por !p2, p0  }
0x20: {  	[sflag:s8] =	ssyncset.s32 @!p0 $0xFFFFF086;
	s6 =	sadd.s32 @!p0 s3, s7;
	s7 =	simm.s32 @!p0 $0x108  }
0x21: {  	s3 =	sadd.s32 s3, s9;
	s6 =	sadd.s32 @!p0 $0x88, s6;
	s7 =	simm.s32 @p2 $0x1082  }
0x22: {  	[simem:s7], [sflag:s8] =	dma.local @!p0 [hbm:s6], $0xF7A  }
0x23: {  	s9 =	sor.u32 $0xD0000000, s2;
	s6 =	simm.s32 $0x108;
	_ =	swait.ge @!p0 [sflag:s8], $0x0  }
0x24: {  	s3 =	sadd.s32 $0x88, s3;
	s6 =	simm.s32 @!p1 $0x1082;
	[sflag:s4] =	ssyncset.s32 $0xFFFFF086  }
0x25: {  	[simem:s6], [sflag:s4] =	dma.local [hbm:s3], $0xF7A  }
0x26: {  	[smem:$0x3F91] =	sst s1;
	(tag) =	ssettag s2;
	_ =	strace s9  }
0x27: {  	s1 =	sld [smem:$0x3FA1]  }
0x28: {  	s2 =	sld [smem:$0x3FA2]  }
0x29: {  	s4 =	sld [smem:$0x3FA4]  }
0x2a: {  	p0 =	seq.s32 s5, $0x0;
	s5 =	sld [smem:$0x3FA5]  }
0x2b: {  	s6 =	sld [smem:$0x3FA6]  }
0x2c: {  	s7 =	sld [smem:$0x3FA7]  }
0x2d: {  	s3 =	simm.s32 $0x108;
	s8 =	sld [smem:$0x3FA8]  }
0x2e: {  	s3 =	simm.s32 @!p0 $0x1082;
	s9 =	sld [smem:$0x3FA9]  }
0x2f: {  	lr =	sadd.s32 s0, s3;
	s0 =	sld [smem:$0x3FA0]  }
0x30: {  	s3 =	sld [smem:$0x3FA3]  }
0x31: {  	[smem:$0x3FAC] =	sst s10  }
0x32: {  	s10 =	sld [smem:$0x3FAA];
	_ =	sdelay $0x3  }
0x33: {  	p0 =	seq.s32 s10, $0x1;
	s10 =	sld [smem:$0x3FAC];
	_ =	sdelay $0x3  }
0x34: {  	[smem:$0x3FAC] =	sst s10  }
0x35: {  	s10 =	sld [smem:$0x3FAB];
	_ =	sdelay $0x3  }
0x36: {  	p1 =	seq.s32 s10, $0x1;
	s10 =	sld [smem:$0x3FAC];
	_ =	sdelay $0x3  }
0x37: {  	[smem:$0x3FAC] =	sst s10  }
0x38: {  	s10 =	sld [smem:$0x3FAD]  }
0x39: {  	_ = 	snop;
	(pc) =	sbr.ind lr, $3  }
0x3a: {  	_ = 	snop  }
0x3b: {  	_ = 	snop  }
0x3c: {  	p2 =	seq.s32 s10, $0x1;
	s10 =	sld [smem:$0x3FAC]  }
0x3d: {  	_ =	shalt  }
0x3e: {  	_ =	shalt  }
0x3f: {  	_ =	shalt  }
0x40: {  	_ =	shalt  }
0x41: {  	_ =	shalt  }
0x42: {  	_ =	shalt  }
0x43: {  	_ =	shalt  }
0x44: {  	_ =	shalt  }
0x45: {  	_ =	shalt  }
0x46: {  	_ =	shalt  }
0x47: {  	_ =	shalt  }
0x48: {  	_ =	shalt  }
0x49: {  	_ =	shalt  }
0x4a: {  	_ =	shalt  }
0x4b: {  	_ =	shalt  }
0x4c: {  	_ =	shalt  }
0x4d: {  	_ =	shalt  }
0x4e: {  	_ =	shalt  }
0x4f: {  	_ =	shalt  }
0x50: {  	_ =	shalt  }
0x51: {  	_ =	shalt  }
0x52: {  	_ =	shalt  }
0x53: {  	_ =	shalt  }
0x54: {  	_ =	shalt  }
0x55: {  	_ =	shalt  }
0x56: {  	_ =	shalt  }
0x57: {  	_ =	shalt  }
0x58: {  	_ =	shalt  }
0x59: {  	_ =	shalt  }
0x5a: {  	_ =	shalt  }
0x5b: {  	_ =	shalt  }
0x5c: {  	_ =	shalt  }
0x5d: {  	_ =	shalt  }
0x5e: {  	_ =	shalt  }
0x5f: {  	_ =	shalt  }
0x60: {  	_ =	shalt  }
0x61: {  	_ =	shalt  }
0x62: {  	_ =	shalt  }
0x63: {  	_ =	shalt  }
0x64: {  	_ =	shalt  }
0x65: {  	_ =	shalt  }
0x66: {  	_ =	shalt  }
0x67: {  	_ =	shalt  }
0x68: {  	_ =	shalt  }
0x69: {  	_ =	shalt  }
0x6a: {  	_ =	shalt  }
0x6b: {  	_ =	shalt  }
0x6c: {  	_ =	shalt  }
0x6d: {  	_ =	shalt  }
0x6e: {  	_ =	shalt  }
0x6f: {  	_ =	shalt  }
0x70: {  	_ =	shalt  }
0x71: {  	_ =	shalt  }
0x72: {  	_ =	shalt  }
0x73: {  	_ =	shalt  }
0x74: {  	_ =	shalt  }
0x75: {  	_ =	shalt  }
0x76: {  	_ =	shalt  }
0x77: {  	_ =	shalt  }
0x78: {  	_ =	shalt  }
0x79: {  	_ =	shalt  }
0x7a: {  	_ =	shalt  }
0x7b: {  	_ =	shalt  }
0x7c: {  	_ =	shalt  }
0x7d: {  	_ =	shalt  }
0x7e: {  	_ =	shalt  }
0x7f: {  	_ =	shalt  }
0x80: {  	_ =	shalt  }
0x81: {  	_ =	shalt  }
0x82: {  	_ =	shalt  }
0x83: {  	_ =	shalt  }
0x84: {  	_ =	shalt  }
0x85: {  	_ =	shalt  }
0x86: {  	_ =	shalt  }
0x87: {  	_ =	shalt  }
.Lfunc_end0:
.L_simem_size_0:
called_computation.1_lowered:
.L_overlay_start_0:
0x88: {  	s2 =	sld [smem:$0x3FD9]  }
0x89: {  	s3 =	sld [smem:$0x3FFE];
	_ =	sdelay $0x1  }
0x8a: {  	s1 =	srdreg.scid  }
0x8b: {  	s0 =	sand.u32 $0x1, s1  }
0x8c: {  	s14 =	sshll.u32 s0, $0xA;
	s2 =	sadd.s32 s3, s2  }
0x8d: {  	s2 =	sadd.s32 s2, s14  }
0x8e: {  	[smem:$0x3FB8] =	sst s2  }
0x8f: {  	_ = 	snop  }
0x90: {  	s2 =	sld [smem:$0x3FD0];
	_ =	sdelay $0x2  }
0x91: {  	s15 =	simm.s32 $0xA;
	s4 =	simm.s32 $0x10  }
0x92: {  	[smem:s4], [sflag:s15] =	dma.local [hbm:s2], $0x1  }
0x93: {  	_ =	swait.eq [sflag:s15], $0x1  }
0x94: {  	[sflag:s15] =	ssyncset.done $0x0  }
0x95: {  	[sflag:s15] =	ssyncadd.s32 $0xFFFFFFFF  }
0x96: {  	s16 =	sld [smem:$0x12];
	(tm) =	ssettm $0x1  }
0x97: {  	s17 =	sld [smem:$0x3FFB];
	_ =	sdelay $0x3  }
0x98: {  	_ =	strace s17  }
0x99: {  	s3 =	sld [smem:$0x3FFC];
	_ =	sdelay $0x3  }
0x9a: {  	_ =	strace s3  }
0x9b: {  	s3 =	sld [smem:$0x3FFD];
	_ =	sdelay $0x3  }
0x9c: {  	_ =	strace s3  }
0x9d: {  	_ =	strace $0x8FFFFFFF  }
0x9e: {  	s18 =	sld [smem:$0x3FDB];
	_ =	sdelay $0x1  }
0x9f: {  	s19 =	simm.s32 $_scs_section_size  }
0xa0: {  	s5 =	simm.s32 $_size__tile_overlayer_lowered;
	s6 =	simm.s32 $_tile_overlayer_lowered  }
0xa1: {  	s22 =	simm.s32 $0x1BFF;
	s21 =	sshll.u32 s6, $0x1;
	s3 =	sadd.s32 s19, s18  }
0xa2: {  	s7 =	simm.s32 $0x0;
	s20 =	sshll.u32 s5, $0x1;
	s5 =	sadd.s32 s21, s3  }
0xa3: {  	[timem:s7], [sflag:s22] =	dma.local [hbm:s5], s20  }
0xa4: {  	_ =	swait.ge [sflag:s22], s20  }
0xa5: {  	s4 =	ssub.s32 $0x0, s20;
	[sflag:s22] =	ssyncset.done $0x0  }
0xa6: {  	[sflag:s22] =	ssyncadd.s32 s4;
	_ =	sdelay $0x1  }
0xa7: {  	s23 =	simm.s32 $0x1B8B  }
0xa8: {  	_ =	swait.ge [sflag:s23], $0x1  }
0xa9: {  	[sflag:s23] =	ssyncset.done $0x0  }
0xaa: {  	s25 =	simm.s32 $0x1B8E;
	s24 =	sld [smem:$0x3FFE];
	[sflag:s23] =	ssyncadd.s32 $0xFFFFFFFF  }
0xab: {  	s26 =	simm.s32 $execute0_lowered;
	[smem:$0x3FD2] =	sst s25  }
0xac: {  	s5 =	sshll.u32 s26, $0x1;
	_ =	strace $0x80000049;
	[dreg:$0x1] =	wrdreg $0xFFFFFFFF  }
0xad: {  	s28 =	simm.s32 $_size_execute0_lowered;
	s3 =	sadd.s32 s3, s5;
	[dreg:$0x0] =	wrdreg $0x0  }
0xae: {  	s5 =	sshll.u32 s28, $0x1;
	[dreg:$0x2] =	wrdreg s3  }
0xaf: {  	[dreg:$0x3] =	wrdreg s5  }
0xb0: {  	[dreg:$0x4] =	wrdreg $0xC0  }
0xb1: {  	_ =	task [dreg:s7], $0x5FFFF  }
0xb2: {  	[dreg:$0x1] =	wrdreg $0xFFFFFFFF  }
0xb3: {  	[dreg:$0x0] =	wrdreg $0x60  }
0xb4: {  	[dreg:$0x2] =	wrdreg s16  }
0xb5: {  	[dreg:$0x3] =	wrdreg s24  }
0xb6: {  	[dreg:$0x4] =	wrdreg $0xC1800  }
0xb7: {  	[dreg:$0x5] =	wrdreg $0x9  }
0xb8: {  	_ =	task.clear_ibuf [dreg:s7], $0x6FFFF;
	_ =	strace $0x90000049  }
0xb9: {  	s29 =	simm.s32 $0x9;
	_ =	strace $0x8000004B  }
0xba: {  	_ =	swait.ge [sflag:s29], $0x1  }
0xbb: {  	[sflag:s29] =	ssyncadd.s32 $0xFFFFFFFF  }
0xbc: {  	_ =	strace $0x9000004B  }
0xbd: {  	_ =	sfence  }
0xbe: {  	s30 =	sld [smem:$0x0];
	_ =	sdelay $0x2  }
0xbf: {  	s31 =	sshll.u32 s1, $0xD;
	s1 =	sshrl.u32 s1, $0x2  }
0xc0: {  	s3 =	sand.u32 $0x4000, s31;
	s1 =	sadd.s32 s1, s30  }
0xc1: {  	s0 =	sor.u32 s3, s0;
	s1 =	sshll.u32 s1, $0x11  }
0xc2: {  	s0 =	sor.u32 s1, s0  }
0xc3: {  	s0 =	sadd.s32 $0x8F2B, s0  }
0xc4: {  	[sflag:s0] =	ssyncadd.remote.s32 $0x1  }
0xc5: {  	_ =	sfence.sel $0xFFFF  }
0xc6: {  	[dreg:$0x0] =	wrdreg $0xFFFFFFFF;
	(pc) =	sbr.abs _section_cstart, $3  }
0xc7: {  	[dreg:$0x1] =	wrdreg $0xFFFFFFFF  }
0xc8: {  	_ =	task.clear_ibuf [dreg:s7], $0x2FFFF;
	_ =	strace $0x9FFFFFFF  }
0xc9: {  	(tm) =	ssettm $0x7FFFFFFF  }
tec
execute0_lowered:
.L_overlay_start_1:
0x0: {  	(tag) =	ssettag $0x1  }
0x1: {  	s0 =	rddreg [dreg:$0x0]  }
0x2: {  	s1 =	rddreg [dreg:$0x1];
	s13 =	stileid.u32  }
0x3: {  	s3 =	srdreg.scid;
	s2 =	rddreg [dreg:$0x2];
	s28 =	simm.s32 $0x0  }
0x4: {  	s4 =	smul.u32 $0x13C00, s13;
	s5 =	sand.u32 $0x1, s3;
	s3 =	simm.s32 $0x0  }
0x5: {  	s20 =	sadd.s32 $0x4E6200, s1;
	s8 =	sshll.u32 s13, $0x1;
	s10 =	smul.u32 $0x4F000, s13  }
0x6: {  	p0 =	slt.u32 s13, $0x2;
	s22 =	sshll.u32 s13, $0x6;
	s13 =	smul.u32 $0x9C, s13  }
0x7: {  	s6 =	smul.u32 $0x13C000, s5;
	[smem:$0x7FF] =	sst s3;
	s21 =	ssub.s32 $0x2, s5  }
0x8: {  	s8 =	sor.u32 s5, s8;
	s5 =	smul.u32 $0x4E, s5;
	_ =	strace $0x8000004A  }
0x9: {  	s7 =	sshrl.u32 s4, $0x3;
	s9 =	sshrl.u32 s21, $0x1;
	s11 =	smul.u32 $0x4E, s8  }
0xa: {  	s8 =	smin.u32 s8, $0x4;
	s10 =	sshrl.u32 s10, $0x2;
	s4 =	sadd.s32 s4, s6  }
0xb: {  	s7 =	sadd.s32 s7, s1;
	s9 =	ssub.s32 s21, s9;
	s10 =	sadd.s32 s10, s2  }
0xc: {  	s5 =	sadd.s32 s5, s13;
	s4 =	sshrl.u32 s4, $0x3;
	s11 =	sadd.s32 s8, s11  }
0xd: {  	[dreg:$0x6] =	wrdreg s10;
	s7 =	sadd.s32 $0x3A00, s7;
	s5 =	sadd.s32 s8, s5  }
0xe: {  	s31 =	smax.u32 s9, $0x1;
	s1 =	sadd.s32 s4, s1;
	s4 =	simm.s32 $0x4F  }
0xf: {  	[dreg:$0x7] =	wrdreg s7;
	s23 =	sshll.u32 s11, $0x4;
	s7 =	sor.u32 $0x1C07, s22  }
0x10: {  	s24 =	sadd.s32 $0x1, s11;
	s11 =	sshll.u32 s11, $0xB;
	s8 =	sshll.u32 s5, $0xB  }
0x11: {  	s5 =	sshll.u32 s5, $0x4;
	[dreg:$0xd] =	wrdreg s31;
	s4 =	simm.s32 @!p0 $0x4E  }
0x12: {  	s10 =	sadd.s32 s20, s23;
	s12 =	sshll.u32 s24, $0x4;
	s11 =	sadd.s32 s0, s11  }
0x13: {  	s1 =	sadd.s32 $0x2B200, s1;
	s30 =	sadd.s32 s5, s20;
	[dreg:$0x8] =	wrdreg s10  }
0x14: {  	s12 =	sand.u32 $0x1FFFFFF0, s12;
	s10 =	sshll.u32 s24, $0xB;
	[dreg:$0x9] =	wrdreg s11  }
0x15: {  	s26 =	sadd.s32 $0xFFFFFFFF, s4;
	s29 =	sadd.s32 $0xFFFFFFFE, s4;
	[dreg:$0xc] =	wrdreg s1  }
0x16: {  	s6 =	sadd.s32 $0x40, s30;
	s17 =	sadd.s32 $0x30, s30;
	[dreg:$0x4] =	wrdreg s26  }
0x17: {  	s25 =	sadd.s32 s20, s12;
	s10 =	sand.u32 $0x1FFFF800, s10;
	[dreg:$0x5] =	wrdreg s29  }
0x18: {  	s19 =	sadd.s32 $0x20, s30;
	[dreg:$0xa] =	wrdreg s25;
	s10 =	sadd.s32 s0, s10  }
0x19: {  	s20 =	simm.s32 $0x7;
	s0 =	sadd.s32 s8, s0;
	[dreg:$0xb] =	wrdreg s10  }
0x1a: {  	s8 =	sadd.s32 $0x2000, s0;
	s16 =	sadd.s32 $0x1800, s0;
	s18 =	sadd.s32 $0x1000, s0  }
.LBB2_1:
0x1b: {  	s0 =	rddreg [dreg:$0x6]  }
0x1c: {  	s14 =	rddreg [dreg:$0x7];
	s29 =	sshrl.u32 s0, $0x3  }
0x1d: {  	[spmem:s29], [sflag:s7] =	dma.local [hbm:s14], $0x2780  }
0x1e: {  	_ =	swait.ge [sflag:s20], $0x2780  }
0x1f: {  	[sflag:s20] =	ssyncset.done $0x0  }
0x20: {  	[sflag:s20] =	ssyncadd.s32 $0xFFFFD880  }
0x21: {  	[bflag:$0x0] =	sbarrier.arrive $0xFFFF  }
0x22: {  	s15 =	rddreg [dreg:$0x8]  }
0x23: {  	[tilespmem:s3], [sflag:$0x7] =	stream.linear.gather [hbm4b:s15+s3], $0x80, $0x38;
	[tilespmem:$0x1FD80] =	vst v63  }
0x24: {  	_ =	swait.ge [sflag:s20], $0x80  }
0x25: {  	[sflag:s20] =	ssyncset.done $0x0  }
0x26: {  	s1 =	simm.s32 $0x180;
	s21 =	rddreg [dreg:$0x9];
	[sflag:s20] =	ssyncadd.s32 $0xFFFFFF80  }
0x27: {  	[tilespmem:s1], [sflag:$0x1] =	stream.linear.gather [hbm4b:s21+s3], $0x4000, $0x38;
	[tilespmem:$0x1FD80] =	vst v63  }
0x28: {  	s23 =	simm.s32 $0x80;
	p1 =	sle.u32 s4, $0x0;
	s22 =	rddreg [dreg:$0xa]  }
0x29: {  	[tilespmem:s23], [sflag:$0x7] =	stream.linear.gather [hbm4b:s22+s3], $0x80, $0x38;
	[tilespmem:$0x1FD80] =	vst v63  }
0x2a: {  	s25 =	simm.s32 $0x4180;
	p2 =	sle.u32 @!p1 s4, $0x2;
	_ =	swait.ge [sflag:s20], $0x80  }
0x2b: {  	s0 =	simm.s32 @!p1 $0x1;
	p0 =	por p2, p1;
	[sflag:s20] =	ssyncset.done $0x0  }
0x2c: {  	p3 =	por @!p0 $0x1, $0x1;
	s24 =	rddreg [dreg:$0xb];
	[sflag:s20] =	ssyncadd.s32 $0xFFFFFF80  }
0x2d: {  	[tilespmem:s25], [sflag:$0x2] =	stream.linear.gather [hbm4b:s24+s3], $0x4000, $0x38;
	[tilespmem:$0x1FD80] =	vst v63  }
0x2e: {  	p2 =	por @!p1 p3, p2;
	_ =	swait.ge @!p1 [sflag:s0], $0x4000  }
0x2f: {  	s5 =	simm.s32 @!p1 $0x0;
	p2 =	por p2, p1;
	[sflag:s0] =	ssyncset.done @!p1 $0x0  }
0x30: {  	s1 =	simm.s32 @!p1 $0x180;
	[sflag:s0] =	ssyncadd.s32 @!p1 $0xFFFFC000;
	s0 =	simm.s32 @!p1 $0x80  }
0x31: {  	[spmem:s2] =	stream.indirect.scatter.add.f32 @!p1 [tilespmem:s1], [sflag:$0x4], $0x80, s5, s0, $0xb8;
	[tilespmem:$0x1FD80] =	vst v63  }
0x32: {  	s0 =	simm.s32 @!p2 $0x6  }
0x33: {  	_ =	swait.ge @!p2 [sflag:s0], $0x4000  }
0x34: {  	s1 =	simm.s32 @!p0 $0x0;
	[sflag:s0] =	ssyncset.done @!p2 $0x0  }
0x35: {  	s5 =	simm.s32 @!p0 $0x100;
	[sflag:s0] =	ssyncadd.s32 @!p2 $0xFFFFC000;
	s0 =	simm.s32 @!p0 $0x7  }
0x36: {  	[tilespmem:s5], [sflag:$0x7] =	stream.linear.gather @!p0 [hbm4b:s19+s1], $0x80, $0x38;
	[tilespmem:$0x1FD80] =	vst v63  }
0x37: {  	_ =	swait.ge @!p0 [sflag:s0], $0x80  }
0x38: {  	s31 =	simm.s32 $0x7;
	[sflag:s0] =	ssyncset.done @!p0 $0x0;
	s26 =	rddreg [dreg:$0x4]  }
0x39: {  	[sflag:s0] =	ssyncadd.s32 @!p0 $0xFFFFFF80;
	s0 =	simm.s32 @!p0 $0x8180;
	p1 =	sle.u32 s26, $0x0  }
0x3a: {  	[tilespmem:s0], [sflag:$0x3] =	stream.linear.gather @!p0 [hbm4b:s18+s1], $0x4000, $0x38;
	[tilespmem:$0x1FD80] =	vst v63  }
0x3b: {  	s9 =	simm.s32 $0x3;
	s30 =	sadd.s32 $0x1800, s8;
	s0 =	simm.s32 @!p1 $0x2  }
0x3c: {  	s14 =	smov.u32 s8;
	p0 =	sle.u32 @!p1 s4, $0x3;
	_ =	swait.ge @!p1 [sflag:s0], $0x4000  }
0x3d: {  	s1 =	simm.s32 @!p1 $0x4180;
	p0 =	por p0, p1;
	[sflag:s0] =	ssyncset.done @!p1 $0x0  }
0x3e: {  	s5 =	simm.s32 @!p1 $0x80;
	[sflag:s0] =	ssyncadd.s32 @!p1 $0xFFFFC000;
	s0 =	simm.s32 @!p0 $0x4  }
0x3f: {  	[spmem:s2] =	stream.indirect.scatter.add.f32 @!p1 [tilespmem:s1], [sflag:$0x5], $0x80, s5, s5, $0xb8;
	[tilespmem:$0x1FD80] =	vst v63  }
0x40: {  	s15 =	smov.u32 s6;
	s21 =	sadd.s32 $0x30, s17;
	_ =	swait.ge @!p0 [sflag:s0], $0x4000  }
0x41: {  	s23 =	sadd.s32 $0x30, s19;
	s22 =	sadd.s32 $0x1800, s18;
	[sflag:s0] =	ssyncset.done @!p0 $0x0  }
0x42: {  	s1 =	simm.s32 @!p0 $0x0;
	[sflag:s0] =	ssyncadd.s32 @!p0 $0xFFFFC000;
	s0 =	simm.s32 @!p0 $0x7  }
0x43: {  	[tilespmem:s1], [sflag:$0x7] =	stream.linear.gather @!p0 [hbm4b:s17+s1], $0x80, $0x38;
	[tilespmem:$0x1FD80] =	vst v63  }
0x44: {  	s11 =	simm.s32 @!p0 $0x180;
	s5 =	simm.s32 $0xA;
	_ =	swait.ge @!p0 [sflag:s0], $0x80  }
0x45: {  	p1 =	sle.u32 s4, $0x3;
	[sflag:s0] =	ssyncset.done @!p0 $0x0;
	s10 =	rddreg [dreg:$0x5]  }
0x46: {  	s13 =	simm.s32 @!p1 $0x5;
	[sflag:s0] =	ssyncadd.s32 @!p0 $0xFFFFFF80;
	p3 =	sle.u32 s10, $0x0  }
0x47: {  	[tilespmem:s11], [sflag:$0x1] =	stream.linear.gather @!p0 [hbm4b:s16+s1], $0x4000, $0x38;
	[tilespmem:$0x1FD80] =	vst v63  }
0x48: {  	s0 =	sadd.s32 $0x1800, s16;
	s12 =	simm.s32 @!p3 $0x3;
	p0 =	sle.u32 @!p3 s4, $0x4  }
0x49: {  	s1 =	sadd.s32 $0x30, s6;
	_ =	swait.ge @!p3 [sflag:s12], $0x4000;
	p2 =	por p0, p3  }
.LBB2_2:
0x4a: {  	[sflag:s12] =	ssyncset.done @!p3 $0x0  }
0x4b: {  	s24 =	simm.s32 @!p3 $0x80;
	s25 =	simm.s32 @!p3 $0x100;
	s11 =	smov.u32 s9  }
0x4c: {  	s9 =	simm.s32 @!p3 $0x8180;
	s26 =	simm.s32 @!p2 $0x5;
	[sflag:s12] =	ssyncadd.s32 @!p3 $0xFFFFC000  }
0x4d: {  	[spmem:s2] =	stream.indirect.scatter.add.f32 @!p3 [tilespmem:s9], [sflag:$0x6], $0x80, s25, s24, $0xb8;
	[tilespmem:$0x1FD80] =	vst v63  }
0x4e: {  	_ =	swait.ge @!p2 [sflag:s26], $0x4000  }
0x4f: {  	s9 =	simm.s32 @!p2 $0x0;
	[sflag:s26] =	ssyncset.done @!p2 $0x0  }
0x50: {  	s24 =	simm.s32 @!p2 $0x80;
	s25 =	simm.s32 @!p2 $0x7;
	[sflag:s26] =	ssyncadd.s32 @!p2 $0xFFFFC000  }
0x51: {  	[tilespmem:s24], [sflag:$0x7] =	stream.linear.gather @!p2 [hbm4b:s15+s9], $0x80, $0x38;
	[tilespmem:$0x1FD80] =	vst v63  }
0x52: {  	s10 =	smov.u32 s31;
	_ =	swait.ge @!p2 [sflag:s25], $0x80  }
0x53: {  	p4 =	sge.u32 @!p1 s13, s4;
	s13 =	simm.s32 @!p2 $0x4180;
	[sflag:s25] =	ssyncset.done @!p2 $0x0  }
0x54: {  	p3 =	por p4, p1;
	s24 =	simm.s32 @!p1 $0x1;
	[sflag:s25] =	ssyncadd.s32 @!p2 $0xFFFFFF80  }
0x55: {  	[tilespmem:s13], [sflag:$0x2] =	stream.linear.gather @!p2 [hbm4b:s14+s9], $0x4000, $0x38;
	[tilespmem:$0x1FD80] =	vst v63  }
0x56: {  	s9 =	simm.s32 @!p1 $0x180;
	p2 =	seq.s32 @!p3 s10, $0x4;
	_ =	swait.ge @!p1 [sflag:s24], $0x4000  }
0x57: {  	s13 =	simm.s32 @!p1 $0x0;
	p2 =	por @!p1 p2, p4;
	[sflag:s24] =	ssyncset.done @!p1 $0x0  }
0x58: {  	s14 =	simm.s32 @!p1 $0x80;
	p2 =	por p2, p1;
	[sflag:s24] =	ssyncadd.s32 @!p1 $0xFFFFC000  }
0x59: {  	[spmem:s2] =	stream.indirect.scatter.add.f32 @!p1 [tilespmem:s9], [sflag:$0x4], $0x80, s13, s14, $0xb8;
	[tilespmem:$0x1FD80] =	vst v63  }
0x5a: {  	s9 =	simm.s32 @!p2 $0x6  }
0x5b: {  	s31 =	smov.u32 s5;
	_ =	swait.ge @!p2 [sflag:s9], $0x4000  }
0x5c: {  	s5 =	sadd.s32 $0x3, s5;
	s24 =	simm.s32 @!p3 $0x100;
	[sflag:s9] =	ssyncset.done @!p2 $0x0  }
0x5d: {  	s13 =	simm.s32 @!p3 $0x0;
	[sflag:s9] =	ssyncadd.s32 @!p2 $0xFFFFC000;
	s9 =	simm.s32 @!p3 $0x7  }
0x5e: {  	[tilespmem:s24], [sflag:$0x7] =	stream.linear.gather @!p3 [hbm4b:s23+s13], $0x80, $0x38;
	[tilespmem:$0x1FD80] =	vst v63  }
0x5f: {  	s12 =	smov.u32 s0;
	p0 =	sne.s32 s5, $0x55;
	_ =	swait.ge @!p3 [sflag:s9], $0x80  }
0x60: {  	s0 =	sadd.s32 $0x1800, s0;
	[sflag:s9] =	ssyncset.done @!p3 $0x0;
	s25 =	rddreg [dreg:$0x4]  }
0x61: {  	[sflag:s9] =	ssyncadd.s32 @!p3 $0xFFFFFF80;
	s9 =	simm.s32 @!p3 $0x8180;
	p2 =	sge.u32 s11, s25  }
0x62: {  	[tilespmem:s9], [sflag:$0x3] =	stream.linear.gather @!p3 [hbm4b:s22+s13], $0x4000, $0x38;
	[tilespmem:$0x1FD80] =	vst v63  }
0x63: {  	s15 =	smov.u32 s1;
	s9 =	simm.s32 @!p2 $0x2;
	s13 =	sadd.s32 @!p2 $0xFFFFFFFF, s10  }
0x64: {  	s1 =	sadd.s32 $0x30, s1;
	_ =	swait.ge @!p2 [sflag:s9], $0x4000;
	p1 =	sge.u32 @!p2 s13, s4  }
0x65: {  	s24 =	simm.s32 @!p2 $0x4180;
	[sflag:s9] =	ssyncset.done @!p2 $0x0;
	p1 =	por p1, p2  }
0x66: {  	s13 =	simm.s32 @!p2 $0x80;
	[sflag:s9] =	ssyncadd.s32 @!p2 $0xFFFFC000;
	s9 =	simm.s32 @!p1 $0x4  }
0x67: {  	[spmem:s2] =	stream.indirect.scatter.add.f32 @!p2 [tilespmem:s24], [sflag:$0x5], $0x80, s13, s13, $0xb8;
	[tilespmem:$0x1FD80] =	vst v63  }
0x68: {  	s14 =	smov.u32 s30;
	s30 =	sadd.s32 $0x1800, s30;
	_ =	swait.ge @!p1 [sflag:s9], $0x4000  }
0x69: {  	s23 =	sadd.s32 $0x30, s23;
	s22 =	sadd.s32 $0x1800, s22;
	[sflag:s9] =	ssyncset.done @!p1 $0x0  }
0x6a: {  	s13 =	simm.s32 @!p1 $0x0;
	s24 =	simm.s32 @!p1 $0x7;
	[sflag:s9] =	ssyncadd.s32 @!p1 $0xFFFFC000  }
0x6b: {  	[tilespmem:s13], [sflag:$0x7] =	stream.linear.gather @!p1 [hbm4b:s21+s13], $0x80, $0x38;
	[tilespmem:$0x1FD80] =	vst v63  }
0x6c: {  	s9 =	sadd.s32 $0xFFFFFFFC, s31;
	s21 =	sadd.s32 $0x30, s21;
	_ =	swait.ge @!p1 [sflag:s24], $0x80  }
.Ltmp0:
0x6d: {  	[sflag:s24] =	ssyncset.done @!p1 $0x0;
	s26 =	rddreg [dreg:$0x5];
	(pc) =	sbr.rel @p0 .LBB2_2-.Ltmp0, $4  }
0x6e: {  	[sflag:s24] =	ssyncadd.s32 @!p1 $0xFFFFFF80;
	s24 =	simm.s32 @!p1 $0x180;
	p3 =	sge.u32 s11, s26  }
0x6f: {  	[tilespmem:s24], [sflag:$0x1] =	stream.linear.gather @!p1 [hbm4b:s12+s13], $0x4000, $0x38;
	[tilespmem:$0x1FD80] =	vst v63  }
0x70: {  	p1 =	sge.u32 s9, s4;
	s12 =	simm.s32 @!p3 $0x3;
	p2 =	sge.u32 @!p3 s10, s4  }
0x71: {  	s13 =	sadd.s32 @!p1 $0xFFFFFFFE, s31;
	_ =	swait.ge @!p3 [sflag:s12], $0x4000;
	p2 =	por p2, p3  }
0x72: {  	[sflag:s12] =	ssyncset.done @!p3 $0x0;
	s5 =	simm.s32 @!p3 $0x80;
	s10 =	simm.s32 @!p3 $0x100  }
0x73: {  	s11 =	simm.s32 @!p3 $0x8180;
	[sflag:s12] =	ssyncadd.s32 @!p3 $0xFFFFC000;
	s12 =	simm.s32 @!p2 $0x5  }
0x74: {  	[spmem:s2] =	stream.indirect.scatter.add.f32 @!p3 [tilespmem:s11], [sflag:$0x6], $0x80, s10, s5, $0xb8;
	[tilespmem:$0x1FD80] =	vst v63  }
0x75: {  	_ =	swait.ge @!p2 [sflag:s12], $0x4000  }
0x76: {  	s5 =	simm.s32 @!p2 $0x0;
	[sflag:s12] =	ssyncset.done @!p2 $0x0  }
0x77: {  	s10 =	simm.s32 @!p2 $0x80;
	s11 =	simm.s32 @!p2 $0x7;
	[sflag:s12] =	ssyncadd.s32 @!p2 $0xFFFFC000  }
0x78: {  	[tilespmem:s10], [sflag:$0x7] =	stream.linear.gather @!p2 [hbm4b:s15+s5], $0x80, $0x38;
	[tilespmem:$0x1FD80] =	vst v63  }
0x79: {  	p3 =	sge.u32 @!p1 s13, s4;
	_ =	swait.ge @!p2 [sflag:s11], $0x80  }
0x7a: {  	p0 =	por p3, p1;
	[sflag:s11] =	ssyncset.done @!p2 $0x0  }
0x7b: {  	s12 =	simm.s32 @!p1 $0x1;
	s10 =	simm.s32 @!p2 $0x4180;
	[sflag:s11] =	ssyncadd.s32 @!p2 $0xFFFFFF80  }
0x7c: {  	[tilespmem:s10], [sflag:$0x2] =	stream.linear.gather @!p2 [hbm4b:s14+s5], $0x4000, $0x38;
	[tilespmem:$0x1FD80] =	vst v63  }
0x7d: {  	s11 =	simm.s32 @!p1 $0x80;
	p2 =	seq.s32 @!p0 s31, $0x4;
	_ =	swait.ge @!p1 [sflag:s12], $0x4000  }
0x7e: {  	s5 =	simm.s32 @!p1 $0x180;
	p2 =	por @!p1 p2, p3;
	[sflag:s12] =	ssyncset.done @!p1 $0x0  }
0x7f: {  	s10 =	simm.s32 @!p1 $0x0;
	p2 =	por p2, p1;
	[sflag:s12] =	ssyncadd.s32 @!p1 $0xFFFFC000  }
0x80: {  	[spmem:s2] =	stream.indirect.scatter.add.f32 @!p1 [tilespmem:s5], [sflag:$0x4], $0x80, s10, s11, $0xb8;
	[tilespmem:$0x1FD80] =	vst v63  }
0x81: {  	s5 =	simm.s32 @!p2 $0x6  }
0x82: {  	_ =	swait.ge @!p2 [sflag:s5], $0x4000  }
0x83: {  	s10 =	simm.s32 @!p0 $0x0;
	[sflag:s5] =	ssyncset.done @!p2 $0x0  }
0x84: {  	s11 =	simm.s32 @!p0 $0x100;
	[sflag:s5] =	ssyncadd.s32 @!p2 $0xFFFFC000;
	s5 =	simm.s32 @!p0 $0x7  }
0x85: {  	[tilespmem:s11], [sflag:$0x7] =	stream.linear.gather @!p0 [hbm4b:s23+s10], $0x80, $0x38;
	[tilespmem:$0x1FD80] =	vst v63  }
0x86: {  	_ =	swait.ge @!p0 [sflag:s5], $0x80  }
0x87: {  	[sflag:s5] =	ssyncset.done @!p0 $0x0;
	s15 =	rddreg [dreg:$0x4]  }
0x88: {  	[sflag:s5] =	ssyncadd.s32 @!p0 $0xFFFFFF80;
	s5 =	simm.s32 @!p0 $0x8180;
	p1 =	sge.u32 s9, s15  }
0x89: {  	[tilespmem:s5], [sflag:$0x3] =	stream.linear.gather @!p0 [hbm4b:s22+s10], $0x4000, $0x38;
	[tilespmem:$0x1FD80] =	vst v63  }
0x8a: {  	s5 =	simm.s32 @!p1 $0x2;
	s10 =	sadd.s32 @!p1 $0xFFFFFFFF, s31  }
0x8b: {  	_ =	swait.ge @!p1 [sflag:s5], $0x4000;
	p0 =	sge.u32 @!p1 s10, s4  }
0x8c: {  	s11 =	simm.s32 @!p1 $0x80;
	[sflag:s5] =	ssyncset.done @!p1 $0x0;
	p0 =	por p0, p1  }
0x8d: {  	s10 =	simm.s32 @!p1 $0x4180;
	[sflag:s5] =	ssyncadd.s32 @!p1 $0xFFFFC000;
	s5 =	simm.s32 @!p0 $0x4  }
0x8e: {  	[spmem:s2] =	stream.indirect.scatter.add.f32 @!p1 [tilespmem:s10], [sflag:$0x5], $0x80, s11, s11, $0xb8;
	[tilespmem:$0x1FD80] =	vst v63  }
0x8f: {  	_ =	swait.ge @!p0 [sflag:s5], $0x4000  }
0x90: {  	[sflag:s5] =	ssyncset.done @!p0 $0x0  }
0x91: {  	s10 =	simm.s32 @!p0 $0x0;
	[sflag:s5] =	ssyncadd.s32 @!p0 $0xFFFFC000;
	s5 =	simm.s32 @!p0 $0x7  }
0x92: {  	[tilespmem:s10], [sflag:$0x7] =	stream.linear.gather @!p0 [hbm4b:s21+s10], $0x80, $0x38;
	[tilespmem:$0x1FD80] =	vst v63  }
0x93: {  	_ =	swait.ge @!p0 [sflag:s5], $0x80  }
0x94: {  	[sflag:s5] =	ssyncset.done @!p0 $0x0;
	s23 =	rddreg [dreg:$0x5]  }
0x95: {  	[sflag:s5] =	ssyncadd.s32 @!p0 $0xFFFFFF80;
	s5 =	simm.s32 @!p0 $0x180;
	p1 =	sge.u32 s9, s23  }
0x96: {  	[tilespmem:s5], [sflag:$0x1] =	stream.linear.gather @!p0 [hbm4b:s0+s10], $0x4000, $0x38;
	[tilespmem:$0x1FD80] =	vst v63  }
0x97: {  	s0 =	simm.s32 @!p1 $0x3  }
0x98: {  	p0 =	sge.u32 @!p1 s31, s4;
	s5 =	simm.s32 @!p1 $0x80;
	_ =	swait.ge @!p1 [sflag:s0], $0x4000  }
0x99: {  	s9 =	simm.s32 @!p1 $0x100;
	p0 =	por p0, p1;
	[sflag:s0] =	ssyncset.done @!p1 $0x0  }
0x9a: {  	s10 =	simm.s32 @!p0 $0x5;
	[sflag:s0] =	ssyncadd.s32 @!p1 $0xFFFFC000;
	s0 =	simm.s32 @!p1 $0x8180  }
0x9b: {  	[spmem:s2] =	stream.indirect.scatter.add.f32 @!p1 [tilespmem:s0], [sflag:$0x6], $0x80, s9, s5, $0xb8;
	[tilespmem:$0x1FD80] =	vst v63  }
0x9c: {  	_ =	swait.ge @!p0 [sflag:s10], $0x4000  }
0x9d: {  	s0 =	simm.s32 @!p0 $0x0;
	[sflag:s10] =	ssyncset.done @!p0 $0x0  }
0x9e: {  	s5 =	simm.s32 @!p0 $0x80;
	s9 =	simm.s32 @!p0 $0x7;
	[sflag:s10] =	ssyncadd.s32 @!p0 $0xFFFFC000  }
0x9f: {  	[tilespmem:s5], [sflag:$0x7] =	stream.linear.gather @!p0 [hbm4b:s1+s0], $0x80, $0x38;
	[tilespmem:$0x1FD80] =	vst v63  }
0xa0: {  	_ =	swait.ge @!p0 [sflag:s9], $0x80  }
0xa1: {  	[sflag:s9] =	ssyncset.done @!p0 $0x0  }
0xa2: {  	s24 =	simm.s32 $0x4;
	s1 =	simm.s32 @!p0 $0x4180;
	[sflag:s9] =	ssyncadd.s32 @!p0 $0xFFFFFF80  }
0xa3: {  	[tilespmem:s1], [sflag:$0x2] =	stream.linear.gather @!p0 [hbm4b:s30+s0], $0x4000, $0x38;
	[tilespmem:$0x1FD80] =	vst v63  }
0xa4: {  	_ =	swait.ge [sflag:s24], $0x4000  }
0xa5: {  	[sflag:s24] =	ssyncset.done $0x0  }
0xa6: {  	s25 =	simm.s32 $0x5;
	[sflag:s24] =	ssyncadd.s32 $0xFFFFC000  }
0xa7: {  	_ =	swait.ge [sflag:s25], $0x4000  }
0xa8: {  	[sflag:s25] =	ssyncset.done $0x0  }
0xa9: {  	s26 =	simm.s32 $0x6;
	[sflag:s25] =	ssyncadd.s32 $0xFFFFC000  }
0xaa: {  	_ =	swait.ge [sflag:s26], $0x4000  }
0xab: {  	[sflag:s26] =	ssyncset.done $0x0  }
0xac: {  	[sflag:s26] =	ssyncadd.s32 $0xFFFFC000  }
0xad: {  	[bflag:$0x0] =	sbarrier.arrive $0xFFFF  }
0xae: {  	s30 =	rddreg [dreg:$0xc]  }
0xaf: {  	[hbm:s30], [sflag:s7] =	dma.local [spmem:s29], $0x2780  }
0xb0: {  	_ =	swait.ge [sflag:s20], $0x2780  }
0xb1: {  	s28 =	sadd.s32 $0x1, s28;
	s31 =	rddreg [dreg:$0xd]  }
0xb2: {  	p0 =	sne.s32 s28, s31  }
.Ltmp1:
0xb3: {  	_ = 	snop;
	(pc) =	sbr.rel @p0 .LBB2_1-.Ltmp1, $3  }
0xb4: {  	_ =	sdelay $0x1  }
0xb5: {  	[sflag:s20] =	ssyncset.done $0x0  }
0xb6: {  	[sflag:s20] =	ssyncadd.s32 $0xFFFFD880  }
0xb7: {  	_ =	sfence.sel $0x180000  }
0xb8: {  	[bflag:$0x0] =	sbarrier.arrive $0xFFFF  }
0xb9: {  	_ =	strace $0x9000004A  }
0xba: {  	s0 =	stileid.u32;
	[bflag:$0x2] =	sbarrier.arrive $0xFFFF  }
0xbb: {  	p0 =	sne.s32 s0, $0x0;
	s0 =	rddreg [dreg:$0x3]  }
0xbc: {  	s0 =	sadd.s32 @!p0 $0x100000, s0  }
0xbd: {  	[sflag:s0] =	ssyncadd.tile.s32 @!p0 $0x1;
	_ =	shalt  }
.Lfunc_end2:
_tile_overlayer_lowered:
.L_overlay_start_2:
0xbe: {  	(tag) =	ssettag $0x2  }
0xbf: {  	s0 =	rddreg [dreg:$0x0];
	s2 =	stileid.u32  }
0xc0: {  	s1 =	rddreg [dreg:$0x1];
	p0 =	sne.s32 s2, $0x0  }
0xc1: {  	s3 =	rddreg [dreg:$0x2];
	[bflag:$0x3] =	sbarrier.arrive $0xFFFF;
	s2 =	simm.s32 @!p0 $0x1C07  }
0xc2: {  	[timem:s3], [sflag:s2] =	dma.local @!p0 [hbm:s0], s1  }
0xc3: {  	s0 =	simm.s32 @!p0 $0x7  }
0xc4: {  	_ =	swait.ge @!p0 [sflag:s0], s1  }
0xc5: {  	s1 =	ssub.s32 @!p0 $0x0, s1;
	[sflag:s0] =	ssyncset.done @!p0 $0x0  }
0xc6: {  	[sflag:s0] =	ssyncadd.s32 @!p0 s1  }
0xc7: {  	[bflag:$0x3] =	sbarrier.arrive $0xFFFF  }
0xc8: {  	_ =	shalt  }

// kernel: kernel.7.cloned.1.call-start
scs
__scs_entry_jumppad:
0x0: {  	(pc) =	sbr.rel $0x88, $3  }
0x1: {  	(tag) =	ssettag $0x0;
	lr =	simm.s32 $0x1  }
0x2: {  	[smem:$0x3F91] =	sst lr;
	_ =	strace $0xD0000000  }
0x3: {  	_ = 	snop  }
0x4: {  	_ = 	snop  }
0x5: {  	_ = 	snop  }
0x6: {  	_ = 	snop  }
0x7: {  	_ = 	snop  }
__scs_overlays_trampoline_lowered:
0x8: {  	[smem:$0x3FA0] =	sst s0  }
0x9: {  	[smem:$0x3FA1] =	sst s1  }
0xa: {  	[smem:$0x3FA2] =	sst s2  }
0xb: {  	[smem:$0x3FA3] =	sst s3  }
0xc: {  	[smem:$0x3FA4] =	sst s4  }
0xd: {  	[smem:$0x3FA5] =	sst s5  }
0xe: {  	[smem:$0x3FA6] =	sst s6  }
0xf: {  	[smem:$0x3FA7] =	sst s7  }
0x10: {  	[smem:$0x3FA8] =	sst s8  }
0x11: {  	[smem:$0x3FA9] =	sst s9;
	s0 =	simm.s32 @!p0 $0x0  }
0x12: {  	s1 =	sld [smem:$0x3F8F];
	s0 =	simm.s32 @p0 $0x1  }
0x13: {  	[smem:$0x3FAA] =	sst s0;
	s0 =	simm.s32 @!p1 $0x0  }
0x14: {  	s2 =	sld [smem:$0x3F8E];
	s0 =	simm.s32 @p1 $0x1  }
0x15: {  	[smem:$0x3FAB] =	sst s0;
	s0 =	simm.s32 @!p2 $0x0  }
0x16: {  	s3 =	sld [smem:$0x3FDB];
	s0 =	simm.s32 @p2 $0x1  }
0x17: {  	s4 =	simm.s32 $0x1BF5;
	[smem:$0x3FAD] =	sst s0  }
0x18: {  	s0 =	sld [smem:$0x3F90];
	_ =	swait.ge [sflag:s4], $0x0  }
0x19: {  	s7 =	sld [smem:$0x3F91]  }
0x1a: {  	s8 =	sadd.s32 $0xFFFFE003, lr  }
0x1b: {  	s9 =	sadd.s32 $0xFFFFFEF7, lr;
	s5 =	simm.s32 $0xFFFFFFFF;
	p2 =	slt.u32 s8, $0xFFFFF086  }
0x1c: {  	p1 =	slt.u32 s9, $0xF7A;
	s5 =	simm.s32 @!p2 $0x0  }
0x1d: {  	s5 =	simm.s32 @p1 $0x1;
	p0 =	seq.s32 s7, s2  }
0x1e: {  	s7 =	smul.u32 @!p0 $0xF7A, s2;
	p2 =	seq.s32 @!p0 s5, $0x0  }
0x1f: {  	s9 =	smul.u32 $0xF7A, s1;
	s8 =	simm.s32 @!p0 $0x1BF5;
	p2 =	por !p2, p0  }
0x20: {  	[sflag:s8] =	ssyncset.s32 @!p0 $0xFFFFF086;
	s6 =	sadd.s32 @!p0 s3, s7;
	s7 =	simm.s32 @!p0 $0x108  }
0x21: {  	s3 =	sadd.s32 s3, s9;
	s6 =	sadd.s32 @!p0 $0x88, s6;
	s7 =	simm.s32 @p2 $0x1082  }
0x22: {  	[simem:s7], [sflag:s8] =	dma.local @!p0 [hbm:s6], $0xF7A  }
0x23: {  	s9 =	sor.u32 $0xD0000000, s2;
	s6 =	simm.s32 $0x108;
	_ =	swait.ge @!p0 [sflag:s8], $0x0  }
0x24: {  	s3 =	sadd.s32 $0x88, s3;
	s6 =	simm.s32 @!p1 $0x1082;
	[sflag:s4] =	ssyncset.s32 $0xFFFFF086  }
0x25: {  	[simem:s6], [sflag:s4] =	dma.local [hbm:s3], $0xF7A  }
0x26: {  	[smem:$0x3F91] =	sst s1;
	(tag) =	ssettag s2;
	_ =	strace s9  }
0x27: {  	s1 =	sld [smem:$0x3FA1]  }
0x28: {  	s2 =	sld [smem:$0x3FA2]  }
0x29: {  	s4 =	sld [smem:$0x3FA4]  }
0x2a: {  	p0 =	seq.s32 s5, $0x0;
	s5 =	sld [smem:$0x3FA5]  }
0x2b: {  	s6 =	sld [smem:$0x3FA6]  }
0x2c: {  	s7 =	sld [smem:$0x3FA7]  }
0x2d: {  	s3 =	simm.s32 $0x108;
	s8 =	sld [smem:$0x3FA8]  }
0x2e: {  	s3 =	simm.s32 @!p0 $0x1082;
	s9 =	sld [smem:$0x3FA9]  }
0x2f: {  	lr =	sadd.s32 s0, s3;
	s0 =	sld [smem:$0x3FA0]  }
0x30: {  	s3 =	sld [smem:$0x3FA3]  }
0x31: {  	[smem:$0x3FAC] =	sst s10  }
0x32: {  	s10 =	sld [smem:$0x3FAA];
	_ =	sdelay $0x3  }
0x33: {  	p0 =	seq.s32 s10, $0x1;
	s10 =	sld [smem:$0x3FAC];
	_ =	sdelay $0x3  }
0x34: {  	[smem:$0x3FAC] =	sst s10  }
0x35: {  	s10 =	sld [smem:$0x3FAB];
	_ =	sdelay $0x3  }
0x36: {  	p1 =	seq.s32 s10, $0x1;
	s10 =	sld [smem:$0x3FAC];
	_ =	sdelay $0x3  }
0x37: {  	[smem:$0x3FAC] =	sst s10  }
0x38: {  	s10 =	sld [smem:$0x3FAD]  }
0x39: {  	_ = 	snop;
	(pc) =	sbr.ind lr, $3  }
0x3a: {  	_ = 	snop  }
0x3b: {  	_ = 	snop  }
0x3c: {  	p2 =	seq.s32 s10, $0x1;
	s10 =	sld [smem:$0x3FAC]  }
0x3d: {  	_ =	shalt  }
0x3e: {  	_ =	shalt  }
0x3f: {  	_ =	shalt  }
0x40: {  	_ =	shalt  }
0x41: {  	_ =	shalt  }
0x42: {  	_ =	shalt  }
0x43: {  	_ =	shalt  }
0x44: {  	_ =	shalt  }
0x45: {  	_ =	shalt  }
0x46: {  	_ =	shalt  }
0x47: {  	_ =	shalt  }
0x48: {  	_ =	shalt  }
0x49: {  	_ =	shalt  }
0x4a: {  	_ =	shalt  }
0x4b: {  	_ =	shalt  }
0x4c: {  	_ =	shalt  }
0x4d: {  	_ =	shalt  }
0x4e: {  	_ =	shalt  }
0x4f: {  	_ =	shalt  }
0x50: {  	_ =	shalt  }
0x51: {  	_ =	shalt  }
0x52: {  	_ =	shalt  }
0x53: {  	_ =	shalt  }
0x54: {  	_ =	shalt  }
0x55: {  	_ =	shalt  }
0x56: {  	_ =	shalt  }
0x57: {  	_ =	shalt  }
0x58: {  	_ =	shalt  }
0x59: {  	_ =	shalt  }
0x5a: {  	_ =	shalt  }
0x5b: {  	_ =	shalt  }
0x5c: {  	_ =	shalt  }
0x5d: {  	_ =	shalt  }
0x5e: {  	_ =	shalt  }
0x5f: {  	_ =	shalt  }
0x60: {  	_ =	shalt  }
0x61: {  	_ =	shalt  }
0x62: {  	_ =	shalt  }
0x63: {  	_ =	shalt  }
0x64: {  	_ =	shalt  }
0x65: {  	_ =	shalt  }
0x66: {  	_ =	shalt  }
0x67: {  	_ =	shalt  }
0x68: {  	_ =	shalt  }
0x69: {  	_ =	shalt  }
0x6a: {  	_ =	shalt  }
0x6b: {  	_ =	shalt  }
0x6c: {  	_ =	shalt  }
0x6d: {  	_ =	shalt  }
0x6e: {  	_ =	shalt  }
0x6f: {  	_ =	shalt  }
0x70: {  	_ =	shalt  }
0x71: {  	_ =	shalt  }
0x72: {  	_ =	shalt  }
0x73: {  	_ =	shalt  }
0x74: {  	_ =	shalt  }
0x75: {  	_ =	shalt  }
0x76: {  	_ =	shalt  }
0x77: {  	_ =	shalt  }
0x78: {  	_ =	shalt  }
0x79: {  	_ =	shalt  }
0x7a: {  	_ =	shalt  }
0x7b: {  	_ =	shalt  }
0x7c: {  	_ =	shalt  }
0x7d: {  	_ =	shalt  }
0x7e: {  	_ =	shalt  }
0x7f: {  	_ =	shalt  }
0x80: {  	_ =	shalt  }
0x81: {  	_ =	shalt  }
0x82: {  	_ =	shalt  }
0x83: {  	_ =	shalt  }
0x84: {  	_ =	shalt  }
0x85: {  	_ =	shalt  }
0x86: {  	_ =	shalt  }
0x87: {  	_ =	shalt  }
.Lfunc_end0:
.L_simem_size_0:
called_computation_lowered:
.L_overlay_start_0:
0x88: {  	s2 =	sld [smem:$0x3FD9]  }
0x89: {  	s3 =	sld [smem:$0x3FFE];
	_ =	sdelay $0x1  }
0x8a: {  	s1 =	srdreg.scid  }
0x8b: {  	s0 =	sand.u32 $0x1, s1  }
0x8c: {  	s14 =	sshll.u32 s0, $0xA;
	s2 =	sadd.s32 s3, s2  }
0x8d: {  	s2 =	sadd.s32 s2, s14  }
0x8e: {  	[smem:$0x3FB8] =	sst s2  }
0x8f: {  	_ = 	snop  }
0x90: {  	s2 =	sld [smem:$0x3FD0];
	_ =	sdelay $0x2  }
0x91: {  	s4 =	simm.s32 $0xA;
	s5 =	simm.s32 $0x10;
	s15 =	sld [smem:$0x3FC6]  }
0x92: {  	[smem:s5], [sflag:s4] =	dma.local [hbm:s2], $0x1  }
0x93: {  	_ =	swait.eq [sflag:s4], $0x1  }
0x94: {  	[sflag:s4] =	ssyncset.done $0x0  }
0x95: {  	s16 =	sld [smem:$0x11];
	[sflag:s4] =	ssyncadd.s32 $0xFFFFFFFF  }
0x96: {  	s17 =	sld [smem:$0x12];
	(tm) =	ssettm $0x1  }
0x97: {  	s18 =	sld [smem:$0x3FFB];
	_ =	sdelay $0x3  }
0x98: {  	_ =	strace s18  }
0x99: {  	s5 =	sld [smem:$0x3FFC];
	_ =	sdelay $0x3  }
0x9a: {  	_ =	strace s5  }
0x9b: {  	s5 =	sld [smem:$0x3FFD];
	_ =	sdelay $0x3  }
0x9c: {  	_ =	strace s5  }
0x9d: {  	_ =	strace $0x8FFFFFFF  }
0x9e: {  	s19 =	sld [smem:$0x3FDB];
	_ =	sdelay $0x1  }
0x9f: {  	s6 =	simm.s32 $_scs_section_size  }
0xa0: {  	s7 =	simm.s32 $_size__tile_overlayer_lowered;
	s8 =	simm.s32 $_tile_overlayer_lowered  }
0xa1: {  	s22 =	simm.s32 $0x1BFF;
	s21 =	sshll.u32 s8, $0x1;
	s5 =	sadd.s32 s6, s19  }
0xa2: {  	s9 =	simm.s32 $0x0;
	s20 =	sshll.u32 s7, $0x1;
	s7 =	sadd.s32 s21, s5  }
0xa3: {  	[timem:s9], [sflag:s22] =	dma.local [hbm:s7], s20  }
0xa4: {  	_ =	swait.ge [sflag:s22], s20  }
0xa5: {  	s6 =	ssub.s32 $0x0, s20;
	[sflag:s22] =	ssyncset.done $0x0  }
0xa6: {  	[sflag:s22] =	ssyncadd.s32 s6;
	_ =	sdelay $0x1  }
0xa7: {  	s23 =	simm.s32 $0x1B8B  }
0xa8: {  	_ =	swait.ge [sflag:s23], $0x1  }
0xa9: {  	[sflag:s23] =	ssyncset.done $0x0  }
0xaa: {  	s25 =	simm.s32 $0x1B8E;
	s24 =	sld [smem:$0x3FFE];
	[sflag:s23] =	ssyncadd.s32 $0xFFFFFFFF  }
0xab: {  	s26 =	simm.s32 $execute0_lowered;
	[smem:$0x3FD2] =	sst s25  }
0xac: {  	s7 =	sshll.u32 s26, $0x1;
	_ =	strace $0x80000046;
	[dreg:$0x1] =	wrdreg $0xFFFFFFFF  }
0xad: {  	s28 =	simm.s32 $_size_execute0_lowered;
	s5 =	sadd.s32 s5, s7;
	[dreg:$0x0] =	wrdreg $0x0  }
0xae: {  	s7 =	sshll.u32 s28, $0x1;
	[dreg:$0x2] =	wrdreg s5  }
0xaf: {  	[dreg:$0x3] =	wrdreg s7  }
0xb0: {  	[dreg:$0x4] =	wrdreg $0xC0  }
0xb1: {  	_ =	task [dreg:s9], $0x5FFFF  }
0xb2: {  	[dreg:$0x1] =	wrdreg $0xFFFFFFFF  }
0xb3: {  	[dreg:$0x0] =	wrdreg $0x60  }
0xb4: {  	[dreg:$0x2] =	wrdreg s16  }
0xb5: {  	[dreg:$0x3] =	wrdreg s17  }
0xb6: {  	[dreg:$0x4] =	wrdreg s15  }
0xb7: {  	[dreg:$0x5] =	wrdreg s24  }
0xb8: {  	[dreg:$0x6] =	wrdreg $0x9  }
0xb9: {  	_ =	task.clear_ibuf [dreg:s9], $0x7FFFF;
	_ =	strace $0x90000046  }
0xba: {  	s29 =	simm.s32 $0x9;
	_ =	strace $0x80000048  }
0xbb: {  	_ =	swait.ge [sflag:s29], $0x1  }
0xbc: {  	[sflag:s29] =	ssyncadd.s32 $0xFFFFFFFF  }
0xbd: {  	_ =	strace $0x90000048  }
0xbe: {  	_ =	sfence  }
0xbf: {  	s30 =	sld [smem:$0x0];
	_ =	sdelay $0x2  }
0xc0: {  	s31 =	sshll.u32 s1, $0xD;
	s1 =	sshrl.u32 s1, $0x2  }
0xc1: {  	s3 =	sand.u32 $0x4000, s31;
	s1 =	sadd.s32 s1, s30  }
0xc2: {  	s0 =	sor.u32 s3, s0;
	s1 =	sshll.u32 s1, $0x11  }
0xc3: {  	s0 =	sor.u32 s1, s0  }
0xc4: {  	s0 =	sadd.s32 $0x8F2B, s0  }
0xc5: {  	[sflag:s0] =	ssyncadd.remote.s32 $0x1  }
0xc6: {  	_ =	sfence.sel $0xFFFF  }
0xc7: {  	[dreg:$0x0] =	wrdreg $0xFFFFFFFF;
	(pc) =	sbr.abs _section_cstart, $3  }
0xc8: {  	[dreg:$0x1] =	wrdreg $0xFFFFFFFF  }
0xc9: {  	_ =	task.clear_ibuf [dreg:s9], $0x2FFFF;
	_ =	strace $0x9FFFFFFF  }
0xca: {  	(tm) =	ssettm $0x7FFFFFFF  }
0xcb: {  	_ =	shalt  }
tec
execute0_lowered:
.L_overlay_start_1:
0x0: {  	(tag) =	ssettag $0x1  }
0x1: {  	s1 =	rddreg [dreg:$0x0]  }
0x2: {  	s2 =	rddreg [dreg:$0x1]  }
0x3: {  	s4 =	rddreg [dreg:$0x2];
	s0 =	srdreg.scid  }
0x4: {  	s9 =	stileid.u32;
	s3 =	rddreg [dreg:$0x3]  }
0x5: {  	s5 =	simm.s32 $0x0;
	s12 =	simm.s32 $0x7;
	s13 =	simm.s32 $0x80  }
0x6: {  	s15 =	simm.s32 $0x4300;
	s16 =	simm.s32 $0x100;
	s17 =	simm.s32 $0x180  }
0x7: {  	s18 =	simm.s32 $0x8300;
	s19 =	simm.s32 $0xC300;
	s20 =	simm.s32 $0x1  }
0x8: {  	s21 =	simm.s32 $0x2;
	s22 =	simm.s32 $0x3;
	s23 =	simm.s32 $0x14300  }
0x9: {  	s24 =	simm.s32 $0x4;
	s0 =	sand.u32 $0x1, s0;
	s6 =	sshll.u32 s9, $0x1  }
0xa: {  	s25 =	simm.s32 $0x5;
	s26 =	simm.s32 $0x6;
	s6 =	sor.u32 s0, s6  }
0xb: {  	s28 =	simm.s32 $0x0;
	[smem:$0x7FF] =	sst s5;
	s7 =	smul.u32 $0x4E, s6  }
.Ltmp0:
0xc: {  	p0 =	slt.u32 s9, $0x2;
	s8 =	smin.u32 s6, $0x4;
	(pc) =	sbr.rel .LBB2_1-.Ltmp0, $4  }
0xd: {  	_ =	strace $0x80000047;
	s0 =	ssub.s32 $0x2, s0;
	s7 =	sadd.s32 s8, s7  }
0xe: {  	s6 =	sadd.s32 $0x4200, s3;
	s30 =	sshrl.u32 s0, $0x1;
	s31 =	sshll.u32 s7, $0x5  }
0xf: {  	s0 =	ssub.s32 s0, s30;
	s8 =	simm.s32 $0x4F;
	s9 =	sadd.s32 s4, s31  }
0x10: {  	s11 =	smax.u32 s0, $0x1;
	s8 =	simm.s32 @!p0 $0x4E;
	s10 =	sadd.s32 $0x20, s9  }
.LBB2_15:
0x11: {  	_ =	swait.ge [sflag:s24], $0x4000  }
0x12: {  	[sflag:s24] =	ssyncset.done $0x0  }
0x13: {  	s28 =	sadd.s32 $0x1, s28;
	[sflag:s24] =	ssyncadd.s32 $0xFFFFC000  }
0x14: {  	p0 =	sne.s32 s28, s11;
	_ =	swait.ge [sflag:s25], $0x4000  }
.Ltmp1:
0x15: {  	[sflag:s25] =	ssyncset.done $0x0;
	(pc) =	sbr.rel @!p0 .LBB2_16-.Ltmp1, $4  }
0x16: {  	[sflag:s25] =	ssyncadd.s32 $0xFFFFC000  }
0x17: {  	_ =	swait.ge [sflag:s26], $0x4000  }
0x18: {  	[sflag:s26] =	ssyncset.done $0x0  }
0x19: {  	[sflag:s26] =	ssyncadd.s32 $0xFFFFC000  }
.LBB2_1:
0x1a: {  	[tilespmem:s5], [sflag:$0x7] =	stream.linear.gather [hbm4b:s9+s5], $0x100, $0x38;
	[tilespmem:$0x18300] =	vst v63  }
0x1b: {  	_ =	swait.ge [sflag:s12], $0x100  }
0x1c: {  	[sflag:s12] =	ssyncset.done $0x0  }
0x1d: {  	s0 =	simm.s32 $0x300;
	[sflag:s12] =	ssyncadd.s32 $0xFFFFFF00  }
0x1e: {  	[tilespmem:s0], [sflag:$0x1] =	stream.indirect.gather [hbm4b:s1+s13], $0x80, s13, s13, $0xb8;
	[tilespmem:$0x18300] =	vst v63  }
0x1f: {  	_ = 	snop  }
0x20: {  	[tilespmem:s15], [sflag:$0x1] =	stream.indirect.gather [hbm4b:s2+s13], $0x80, s5, s13, $0xb8;
	[tilespmem:$0x18300] =	vst v63  }
0x21: {  	_ = 	snop  }
0x22: {  	[tilespmem:s16], [sflag:$0x7] =	stream.linear.gather [hbm4b:s10+s5], $0x100, $0x38;
	[tilespmem:$0x18300] =	vst v63  }
0x23: {  	_ =	swait.ge [sflag:s12], $0x100  }
.Ltmp2:
0x24: {  	[sflag:s12] =	ssyncset.done $0x0;
	(pc) =	sbr.rel .LBB2_2-.Ltmp2, $4  }
0x25: {  	[sflag:s12] =	ssyncadd.s32 $0xFFFFFF00  }
0x26: {  	[tilespmem:s18], [sflag:$0x2] =	stream.indirect.gather [hbm4b:s1+s13], $0x80, s17, s13, $0xb8;
	[tilespmem:$0x18300] =	vst v63  }
0x27: {  	s29 =	simm.s32 $0x0  }
0x28: {  	[tilespmem:s19], [sflag:$0x2] =	stream.indirect.gather [hbm4b:s2+s13], $0x80, s16, s13, $0xb8;
	[tilespmem:$0x18300] =	vst v63  }
.LBB2_14:
0x29: {  	s29 =	sadd.s32 $0x1, s29  }
0x2a: {  	p0 =	sne.s32 s29, $0x1B  }
.Ltmp3:
0x2b: {  	_ = 	snop;
	(pc) =	sbr.rel @!p0 .LBB2_15-.Ltmp3, $1  }
0x2c: {  	_ =	sdelay $0x3  }
.LBB2_2:
0x2d: {  	s30 =	smul.u32 $0x3, s29;
	_ =	sdelay $0x1  }
0x2e: {  	p0 =	sge.u32 s30, s8  }
.Ltmp4:
0x2f: {  	_ = 	snop;
	(pc) =	sbr.rel @p0 .LBB2_6-.Ltmp4, $1  }
0x30: {  	_ =	sdelay $0x3  }
0x31: {  	_ =	swait.ge [sflag:s20], $0x4000  }
0x32: {  	[sflag:s20] =	ssyncset.done $0x0  }
0x33: {  	[sflag:s20] =	ssyncadd.s32 $0xFFFFC000  }
0x34: {  	_ =	swait.ge [sflag:s20], $0x4000  }
0x35: {  	[sflag:s20] =	ssyncset.done $0x0  }
0x36: {  	s31 =	simm.s32 $0x0;
	[sflag:s20] =	ssyncadd.s32 $0xFFFFC000  }
0x37: {  	v6 =	vld [tilespmem:s31+$0x300]  }
0x38: {  	v7 =	vld [tilespmem:s31+$0x310]  }
0x39: {  	v8 =	vld [tilespmem:s31+$0x320]  }
0x3a: {  	v9 =	vld [tilespmem:s31+$0x330]  }
0x3b: {  	v10 =	vld [tilespmem:s31+$0x340]  }
0x3c: {  	v11 =	vld [tilespmem:s31+$0x350]  }
0x3d: {  	v12 =	vld [tilespmem:s31+$0x360]  }
0x3e: {  	v13 =	vld [tilespmem:s31+$0x370]  }
0x3f: {  	v14 =	vld [tilespmem:s31+$0x380]  }
0x40: {  	v15 =	vld [tilespmem:s31+$0x390]  }
0x41: {  	v5 =	vld [tilespmem:s31+$0x3A0]  }
0x42: {  	v4 =	vld [tilespmem:s31+$0x3B0]  }
0x43: {  	v3 =	vld [tilespmem:s31+$0x3C0]  }
0x44: {  	v2 =	vld [tilespmem:s31+$0x3D0]  }
0x45: {  	v1 =	vld [tilespmem:s31+$0x3E0]  }
0x46: {  	v0 =	vld [tilespmem:s31+$0x3F0]  }
0x47: {  	v16 =	vld [tilespmem:s31+$0x4300]  }
0x48: {  	v17 =	vld [tilespmem:s31+$0x4310]  }
0x49: {  	v18 =	vld [tilespmem:s31+$0x4320]  }
0x4a: {  	v19 =	vld [tilespmem:s31+$0x4330]  }
0x4b: {  	v20 =	vld [tilespmem:s31+$0x4340]  }
0x4c: {  	v60 =	vld [tilespmem:s31+$0x4350];
	v6 =	vadd.f32 v16, v6  }
0x4d: {  	v21 =	vld [tilespmem:s31+$0x4360];
	v7 =	vadd.f32 v17, v7  }
0x4e: {  	v61 =	vld [tilespmem:s31+$0x4370];
	[tilespmem:s31+$0x4300] =	vst v6;
	v6 =	vadd.f32 v18, v8  }
0x4f: {  	v62 =	vld [tilespmem:s31+$0x4380];
	[tilespmem:s31+$0x4310] =	vst v7;
	v7 =	vadd.f32 v19, v9  }
0x50: {  	v63 =	vld [tilespmem:s31+$0x4390];
	[tilespmem:s31+$0x4320] =	vst v6;
	v6 =	vadd.f32 v20, v10  }
0x51: {  	v8 =	vadd.f32 v60, v11;
	[tilespmem:s31+$0x4330] =	vst v7;
	v7 =	vld [tilespmem:s31+$0x43A0]  }
0x52: {  	v9 =	vadd.f32 v21, v12;
	[tilespmem:s31+$0x4340] =	vst v6;
	v6 =	vld [tilespmem:s31+$0x43B0]  }
0x53: {  	[tilespmem:s31+$0x4350] =	vst v8;
	v8 =	vld [tilespmem:s31+$0x43C0];
	v10 =	vadd.f32 v61, v13  }
0x54: {  	v12 =	vadd.f32 v62, v14;
	[tilespmem:s31+$0x4360] =	vst v9;
	v9 =	vld [tilespmem:s31+$0x43D0]  }
0x55: {  	s3 =	simm.s32 $0x400;
	v11 =	vadd.f32 v63, v15;
	[tilespmem:s31+$0x4370] =	vst v10;
	v10 =	vld [tilespmem:s31+$0x43E0]  }
.LBB2_4:
0x56: {  	s0 =	sshra.s32 s3, $0x2;
	p0 =	sne.s32 s3, $0xFC00;
	[tilespmem:s31+$0x4380] =	vst v12;
	v5 =	vadd.f32 v7, v5;
	v7 =	vld [tilespmem:s31+$0x43F0]  }
0x57: {  	v12 =	vld [tilespmem:s0+$0x300];
	[tilespmem:s31+$0x4390] =	vst v11;
	v4 =	vadd.f32 v6, v4  }
0x58: {  	v6 =	vld [tilespmem:s0+$0x310];
	[tilespmem:s31+$0x43A0] =	vst v5;
	v3 =	vadd.f32 v8, v3  }
0x59: {  	v8 =	vld [tilespmem:s0+$0x320];
	[tilespmem:s31+$0x43B0] =	vst v4;
	v2 =	vadd.f32 v9, v2  }
0x5a: {  	v9 =	vld [tilespmem:s0+$0x330];
	[tilespmem:s31+$0x43C0] =	vst v3;
	v1 =	vadd.f32 v10, v1  }
0x5b: {  	v10 =	vld [tilespmem:s0+$0x340];
	[tilespmem:s31+$0x43D0] =	vst v2;
	v0 =	vadd.f32 v7, v0  }
0x5c: {  	v7 =	vld [tilespmem:s0+$0x350];
	[tilespmem:s31+$0x43E0] =	vst v1  }
0x5d: {  	v11 =	vld [tilespmem:s0+$0x360];
	[tilespmem:s31+$0x43F0] =	vst v0;
	s31 =	smov.u32 s0  }
0x5e: {  	v13 =	vld [tilespmem:s31+$0x370]  }
0x5f: {  	v14 =	vld [tilespmem:s31+$0x380]  }
0x60: {  	v15 =	vld [tilespmem:s31+$0x390]  }
0x61: {  	v5 =	vld [tilespmem:s31+$0x3A0]  }
0x62: {  	v4 =	vld [tilespmem:s31+$0x3B0]  }
0x63: {  	v3 =	vld [tilespmem:s31+$0x3C0]  }
0x64: {  	v2 =	vld [tilespmem:s31+$0x3D0]  }
0x65: {  	v1 =	vld [tilespmem:s31+$0x3E0]  }
0x66: {  	v0 =	vld [tilespmem:s31+$0x3F0]  }
0x67: {  	v16 =	vld [tilespmem:s31+$0x4300]  }
0x68: {  	v17 =	vld [tilespmem:s31+$0x4310]  }
0x69: {  	v18 =	vld [tilespmem:s31+$0x4320]  }
0x6a: {  	v19 =	vld [tilespmem:s31+$0x4330]  }
0x6b: {  	v20 =	vld [tilespmem:s31+$0x4340]  }
0x6c: {  	v12 =	vadd.f32 v16, v12;
	v16 =	vld [tilespmem:s31+$0x4350]  }
0x6d: {  	v6 =	vadd.f32 v17, v6;
	v17 =	vld [tilespmem:s31+$0x4360]  }
0x6e: {  	[tilespmem:s31+$0x4300] =	vst v12;
	v8 =	vadd.f32 v18, v8;
	v12 =	vld [tilespmem:s31+$0x4370]  }
0x6f: {  	[tilespmem:s31+$0x4310] =	vst v6;
	v6 =	vadd.f32 v19, v9;
	v9 =	vld [tilespmem:s31+$0x4380]  }
0x70: {  	[tilespmem:s31+$0x4320] =	vst v8;
	v8 =	vadd.f32 v20, v10;
	v10 =	vld [tilespmem:s31+$0x4390]  }
.Ltmp5:
0x71: {  	[tilespmem:s31+$0x4330] =	vst v6;
	v16 =	vadd.f32 v16, v7;
	v7 =	vld [tilespmem:s31+$0x43A0];
	(pc) =	sbr.rel @p0 .LBB2_4-.Ltmp5, $4  }
0x72: {  	[tilespmem:s31+$0x4340] =	vst v8;
	v11 =	vadd.f32 v17, v11;
	v6 =	vld [tilespmem:s31+$0x43B0]  }
0x73: {  	[tilespmem:s31+$0x4350] =	vst v16;
	v13 =	vadd.f32 v12, v13;
	v8 =	vld [tilespmem:s31+$0x43C0]  }
0x74: {  	[tilespmem:s31+$0x4360] =	vst v11;
	v12 =	vadd.f32 v9, v14;
	v9 =	vld [tilespmem:s31+$0x43D0]  }
0x75: {  	s3 =	sadd.s32 $0x400, s3;
	[tilespmem:s31+$0x4370] =	vst v13;
	v11 =	vadd.f32 v10, v15;
	v10 =	vld [tilespmem:s31+$0x43E0]  }
0x76: {  	[tilespmem:s31+$0x4380] =	vst v12;
	v5 =	vadd.f32 v7, v5;
	v63 =	vld [tilespmem:s31+$0x43F0]  }
0x77: {  	[tilespmem:s31+$0x4390] =	vst v11;
	v4 =	vadd.f32 v6, v4  }
0x78: {  	[tilespmem:s31+$0x43A0] =	vst v5;
	v3 =	vadd.f32 v8, v3  }
0x79: {  	[tilespmem:s31+$0x43B0] =	vst v4;
	v2 =	vadd.f32 v9, v2  }
0x7a: {  	s0 =	sadd.s32 s7, s30;
	[tilespmem:s31+$0x43C0] =	vst v3;
	v1 =	vadd.f32 v10, v1  }
0x7b: {  	s0 =	sshll.u32 s0, $0xB;
	[tilespmem:s31+$0x43D0] =	vst v2;
	v0 =	vadd.f32 v63, v0  }
0x7c: {  	s0 =	sand.u32 $0x1FFFF800, s0;
	[tilespmem:s31+$0x43E0] =	vst v1  }
0x7d: {  	s0 =	sadd.s32 s6, s0;
	[tilespmem:s31+$0x43F0] =	vst v0  }
0x7e: {  	[hbm4b:s0+s5] =	stream.linear.scatter [tilespmem:s15], [sflag:$0x4], $0x4000, $0x38;
	[tilespmem:$0x18300] =	vst v63  }
0x7f: {  	s0 =	sadd.s32 $0x2, s30  }
0x80: {  	p0 =	sge.u32 s0, s8  }
0x81: {  	p1 =	seq.s32 @!p0 s29, $0x0  }
0x82: {  	p1 =	por p1, p0  }
0x83: {  	s0 =	sadd.s32 @!p0 s7, s0;
	s3 =	simm.s32 @!p1 $0x6  }
0x84: {  	s0 =	sshll.u32 @!p0 s0, $0x5;
	_ =	swait.ge @!p1 [sflag:s3], $0x4000  }
0x85: {  	s31 =	simm.s32 @!p0 $0x200;
	s0 =	sand.u32 @!p0 $0x1FFFFFE0, s0;
	[sflag:s3] =	ssyncset.done @!p1 $0x0  }
0x86: {  	s0 =	sadd.s32 @!p0 s4, s0;
	[sflag:s3] =	ssyncadd.s32 @!p1 $0xFFFFC000;
	s3 =	simm.s32 @!p0 $0x0  }
0x87: {  	[tilespmem:s31], [sflag:$0x7] =	stream.linear.gather @!p0 [hbm4b:s0+s3], $0x100, $0x38;
	[tilespmem:$0x18300] =	vst v63  }
0x88: {  	s0 =	simm.s32 @!p0 $0x7  }
0x89: {  	_ =	swait.ge @!p0 [sflag:s0], $0x100  }
0x8a: {  	s14 =	simm.s32 @!p0 $0x10300;
	[sflag:s0] =	ssyncset.done @!p0 $0x0  }
0x8b: {  	s3 =	simm.s32 @!p0 $0x280;
	[sflag:s0] =	ssyncadd.s32 @!p0 $0xFFFFFF00;
	s0 =	simm.s32 @!p0 $0x80  }
0x8c: {  	[tilespmem:s14], [sflag:$0x3] =	stream.indirect.gather @!p0 [hbm4b:s1+s0], $0x80, s3, s0, $0xb8;
	[tilespmem:$0x18300] =	vst v63  }
0x8d: {  	s3 =	simm.s32 @!p0 $0x14300  }
0x8e: {  	[tilespmem:s3], [sflag:$0x3] =	stream.indirect.gather @!p0 [hbm4b:s2+s0], $0x80, s31, s0, $0xb8;
	[tilespmem:$0x18300] =	vst v63  }
.LBB2_6:
0x8f: {  	s31 =	sadd.s32 $0x1, s30  }
0x90: {  	p0 =	sge.u32 s31, s8  }
.Ltmp6:
0x91: {  	_ = 	snop;
	(pc) =	sbr.rel @p0 .LBB2_10-.Ltmp6, $1  }
0x92: {  	_ =	sdelay $0x3  }
0x93: {  	_ =	swait.ge [sflag:s21], $0x4000  }
0x94: {  	[sflag:s21] =	ssyncset.done $0x0  }
0x95: {  	[sflag:s21] =	ssyncadd.s32 $0xFFFFC000  }
0x96: {  	_ =	swait.ge [sflag:s21], $0x4000  }
0x97: {  	[sflag:s21] =	ssyncset.done $0x0  }
0x98: {  	s3 =	simm.s32 $0x0;
	[sflag:s21] =	ssyncadd.s32 $0xFFFFC000  }
0x99: {  	v6 =	vld [tilespmem:s3+$0x8300]  }
0x9a: {  	v7 =	vld [tilespmem:s3+$0x8310]  }
0x9b: {  	v8 =	vld [tilespmem:s3+$0x8320]  }
0x9c: {  	v9 =	vld [tilespmem:s3+$0x8330]  }
0x9d: {  	v10 =	vld [tilespmem:s3+$0x8340]  }
0x9e: {  	v11 =	vld [tilespmem:s3+$0x8350]  }
0x9f: {  	v12 =	vld [tilespmem:s3+$0x8360]  }
0xa0: {  	v13 =	vld [tilespmem:s3+$0x8370]  }
0xa1: {  	v14 =	vld [tilespmem:s3+$0x8380]  }
0xa2: {  	v15 =	vld [tilespmem:s3+$0x8390]  }
0xa3: {  	v5 =	vld [tilespmem:s3+$0x83A0]  }
0xa4: {  	v4 =	vld [tilespmem:s3+$0x83B0]  }
0xa5: {  	v3 =	vld [tilespmem:s3+$0x83C0]  }
0xa6: {  	v2 =	vld [tilespmem:s3+$0x83D0]  }
0xa7: {  	v1 =	vld [tilespmem:s3+$0x83E0]  }
0xa8: {  	v0 =	vld [tilespmem:s3+$0x83F0]  }
0xa9: {  	v16 =	vld [tilespmem:s3+$0xC300]  }
0xaa: {  	v17 =	vld [tilespmem:s3+$0xC310]  }
0xab: {  	v18 =	vld [tilespmem:s3+$0xC320]  }
0xac: {  	v19 =	vld [tilespmem:s3+$0xC330]  }
0xad: {  	v20 =	vld [tilespmem:s3+$0xC340]  }
0xae: {  	v60 =	vld [tilespmem:s3+$0xC350];
	v6 =	vadd.f32 v16, v6  }
0xaf: {  	v21 =	vld [tilespmem:s3+$0xC360];
	v7 =	vadd.f32 v17, v7  }
0xb0: {  	v61 =	vld [tilespmem:s3+$0xC370];
	[tilespmem:s3+$0xC300] =	vst v6;
	v6 =	vadd.f32 v18, v8  }
0xb1: {  	v62 =	vld [tilespmem:s3+$0xC380];
	[tilespmem:s3+$0xC310] =	vst v7;
	v7 =	vadd.f32 v19, v9  }
0xb2: {  	v63 =	vld [tilespmem:s3+$0xC390];
	[tilespmem:s3+$0xC320] =	vst v6;
	v6 =	vadd.f32 v20, v10  }
0xb3: {  	v8 =	vadd.f32 v60, v11;
	[tilespmem:s3+$0xC330] =	vst v7;
	v7 =	vld [tilespmem:s3+$0xC3A0]  }
0xb4: {  	v9 =	vadd.f32 v21, v12;
	[tilespmem:s3+$0xC340] =	vst v6;
	v6 =	vld [tilespmem:s3+$0xC3B0]  }
0xb5: {  	[tilespmem:s3+$0xC350] =	vst v8;
	v8 =	vld [tilespmem:s3+$0xC3C0];
	v10 =	vadd.f32 v61, v13  }
0xb6: {  	v12 =	vadd.f32 v62, v14;
	[tilespmem:s3+$0xC360] =	vst v9;
	v9 =	vld [tilespmem:s3+$0xC3D0]  }
0xb7: {  	s0 =	simm.s32 $0x400;
	v11 =	vadd.f32 v63, v15;
	[tilespmem:s3+$0xC370] =	vst v10;
	v10 =	vld [tilespmem:s3+$0xC3E0]  }
.LBB2_8:
0xb8: {  	s14 =	sshra.s32 s0, $0x2;
	p0 =	sne.s32 s0, $0xFC00;
	[tilespmem:s3+$0xC380] =	vst v12;
	v5 =	vadd.f32 v7, v5;
	v7 =	vld [tilespmem:s3+$0xC3F0]  }
0xb9: {  	v12 =	vld [tilespmem:s14+$0x8300];
	[tilespmem:s3+$0xC390] =	vst v11;
	v4 =	vadd.f32 v6, v4  }
0xba: {  	v6 =	vld [tilespmem:s14+$0x8310];
	[tilespmem:s3+$0xC3A0] =	vst v5;
	v3 =	vadd.f32 v8, v3  }
0xbb: {  	v8 =	vld [tilespmem:s14+$0x8320];
	[tilespmem:s3+$0xC3B0] =	vst v4;
	v2 =	vadd.f32 v9, v2  }
0xbc: {  	v9 =	vld [tilespmem:s14+$0x8330];
	[tilespmem:s3+$0xC3C0] =	vst v3;
	v1 =	vadd.f32 v10, v1  }
0xbd: {  	v10 =	vld [tilespmem:s14+$0x8340];
	[tilespmem:s3+$0xC3D0] =	vst v2;
	v0 =	vadd.f32 v7, v0  }
0xbe: {  	v7 =	vld [tilespmem:s14+$0x8350];
	[tilespmem:s3+$0xC3E0] =	vst v1  }
0xbf: {  	v11 =	vld [tilespmem:s14+$0x8360];
	[tilespmem:s3+$0xC3F0] =	vst v0;
	s3 =	smov.u32 s14  }
0xc0: {  	v13 =	vld [tilespmem:s3+$0x8370]  }
0xc1: {  	v14 =	vld [tilespmem:s3+$0x8380]  }
0xc2: {  	v15 =	vld [tilespmem:s3+$0x8390]  }
0xc3: {  	v5 =	vld [tilespmem:s3+$0x83A0]  }
0xc4: {  	v4 =	vld [tilespmem:s3+$0x83B0]  }
0xc5: {  	v3 =	vld [tilespmem:s3+$0x83C0]  }
0xc6: {  	v2 =	vld [tilespmem:s3+$0x83D0]  }
0xc7: {  	v1 =	vld [tilespmem:s3+$0x83E0]  }
0xc8: {  	v0 =	vld [tilespmem:s3+$0x83F0]  }
0xc9: {  	v16 =	vld [tilespmem:s3+$0xC300]  }
0xca: {  	v17 =	vld [tilespmem:s3+$0xC310]  }
0xcb: {  	v18 =	vld [tilespmem:s3+$0xC320]  }
0xcc: {  	v19 =	vld [tilespmem:s3+$0xC330]  }
0xcd: {  	v20 =	vld [tilespmem:s3+$0xC340]  }
0xce: {  	v12 =	vadd.f32 v16, v12;
	v16 =	vld [tilespmem:s3+$0xC350]  }
0xcf: {  	v6 =	vadd.f32 v17, v6;
	v17 =	vld [tilespmem:s3+$0xC360]  }
0xd0: {  	[tilespmem:s3+$0xC300] =	vst v12;
	v8 =	vadd.f32 v18, v8;
	v12 =	vld [tilespmem:s3+$0xC370]  }
0xd1: {  	[tilespmem:s3+$0xC310] =	vst v6;
	v6 =	vadd.f32 v19, v9;
	v9 =	vld [tilespmem:s3+$0xC380]  }
0xd2: {  	[tilespmem:s3+$0xC320] =	vst v8;
	v8 =	vadd.f32 v20, v10;
	v10 =	vld [tilespmem:s3+$0xC390]  }
.Ltmp7:
0xd3: {  	[tilespmem:s3+$0xC330] =	vst v6;
	v16 =	vadd.f32 v16, v7;
	v7 =	vld [tilespmem:s3+$0xC3A0];
	(pc) =	sbr.rel @p0 .LBB2_8-.Ltmp7, $4  }
0xd4: {  	[tilespmem:s3+$0xC340] =	vst v8;
	v11 =	vadd.f32 v17, v11;
	v6 =	vld [tilespmem:s3+$0xC3B0]  }
0xd5: {  	[tilespmem:s3+$0xC350] =	vst v16;
	v13 =	vadd.f32 v12, v13;
	v8 =	vld [tilespmem:s3+$0xC3C0]  }
0xd6: {  	[tilespmem:s3+$0xC360] =	vst v11;
	v12 =	vadd.f32 v9, v14;
	v9 =	vld [tilespmem:s3+$0xC3D0]  }
0xd7: {  	s0 =	sadd.s32 $0x400, s0;
	[tilespmem:s3+$0xC370] =	vst v13;
	v11 =	vadd.f32 v10, v15;
	v10 =	vld [tilespmem:s3+$0xC3E0]  }
0xd8: {  	[tilespmem:s3+$0xC380] =	vst v12;
	v5 =	vadd.f32 v7, v5;
	v63 =	vld [tilespmem:s3+$0xC3F0]  }
0xd9: {  	[tilespmem:s3+$0xC390] =	vst v11;
	v4 =	vadd.f32 v6, v4  }
0xda: {  	[tilespmem:s3+$0xC3A0] =	vst v5;
	v3 =	vadd.f32 v8, v3  }
0xdb: {  	[tilespmem:s3+$0xC3B0] =	vst v4;
	v2 =	vadd.f32 v9, v2  }
0xdc: {  	s0 =	sadd.s32 s7, s31;
	[tilespmem:s3+$0xC3C0] =	vst v3;
	v1 =	vadd.f32 v10, v1  }
0xdd: {  	s0 =	sshll.u32 s0, $0xB;
	[tilespmem:s3+$0xC3D0] =	vst v2;
	v0 =	vadd.f32 v63, v0  }
0xde: {  	s0 =	sand.u32 $0x1FFFF800, s0;
	[tilespmem:s3+$0xC3E0] =	vst v1  }
0xdf: {  	s0 =	sadd.s32 s6, s0;
	[tilespmem:s3+$0xC3F0] =	vst v0  }
0xe0: {  	[hbm4b:s0+s5] =	stream.linear.scatter [tilespmem:s19], [sflag:$0x5], $0x4000, $0x38;
	[tilespmem:$0x18300] =	vst v63  }
0xe1: {  	s0 =	sadd.s32 $0x3, s30  }
0xe2: {  	p0 =	sge.u32 s0, s8  }
0xe3: {  	s3 =	simm.s32 @!p0 $0x4;
	s0 =	sadd.s32 @!p0 s7, s0  }
0xe4: {  	_ =	swait.ge @!p0 [sflag:s3], $0x4000;
	s0 =	sshll.u32 @!p0 s0, $0x5  }
0xe5: {  	[sflag:s3] =	ssyncset.done @!p0 $0x0;
	s0 =	sand.u32 @!p0 $0x1FFFFFE0, s0  }
0xe6: {  	[sflag:s3] =	ssyncadd.s32 @!p0 $0xFFFFC000;
	s0 =	sadd.s32 @!p0 s4, s0;
	s3 =	simm.s32 @!p0 $0x0  }
0xe7: {  	[tilespmem:s3], [sflag:$0x7] =	stream.linear.gather @!p0 [hbm4b:s0+s3], $0x100, $0x38;
	[tilespmem:$0x18300] =	vst v63  }
0xe8: {  	s0 =	simm.s32 @!p0 $0x7  }
0xe9: {  	_ =	swait.ge @!p0 [sflag:s0], $0x100  }
0xea: {  	[sflag:s0] =	ssyncset.done @!p0 $0x0  }
0xeb: {  	s14 =	simm.s32 @!p0 $0x300;
	[sflag:s0] =	ssyncadd.s32 @!p0 $0xFFFFFF00;
	s0 =	simm.s32 @!p0 $0x80  }
0xec: {  	[tilespmem:s14], [sflag:$0x1] =	stream.indirect.gather @!p0 [hbm4b:s1+s0], $0x80, s0, s0, $0xb8;
	[tilespmem:$0x18300] =	vst v63  }
0xed: {  	s14 =	simm.s32 @!p0 $0x4300  }
0xee: {  	[tilespmem:s14], [sflag:$0x1] =	stream.indirect.gather @!p0 [hbm4b:s2+s0], $0x80, s3, s0, $0xb8;
	[tilespmem:$0x18300] =	vst v63  }
.LBB2_10:
0xef: {  	s31 =	sadd.s32 $0x2, s30  }
0xf0: {  	p0 =	sge.u32 s31, s8  }
.Ltmp8:
0xf1: {  	_ = 	snop;
	(pc) =	sbr.rel @p0 .LBB2_14-.Ltmp8, $1  }
0xf2: {  	_ =	sdelay $0x3  }
0xf3: {  	_ =	swait.ge [sflag:s22], $0x4000  }
0xf4: {  	[sflag:s22] =	ssyncset.done $0x0  }
0xf5: {  	[sflag:s22] =	ssyncadd.s32 $0xFFFFC000  }
0xf6: {  	_ =	swait.ge [sflag:s22], $0x4000  }
0xf7: {  	[sflag:s22] =	ssyncset.done $0x0  }
0xf8: {  	s3 =	simm.s32 $0x0;
	[sflag:s22] =	ssyncadd.s32 $0xFFFFC000  }
0xf9: {  	v6 =	vld [tilespmem:s3+$0x10300]  }
0xfa: {  	v7 =	vld [tilespmem:s3+$0x10310]  }
0xfb: {  	v8 =	vld [tilespmem:s3+$0x10320]  }
0xfc: {  	v9 =	vld [tilespmem:s3+$0x10330]  }
0xfd: {  	v10 =	vld [tilespmem:s3+$0x10340]  }
0xfe: {  	v11 =	vld [tilespmem:s3+$0x10350]  }
0xff: {  	v12 =	vld [tilespmem:s3+$0x10360]  }
0x100: {  	v13 =	vld [tilespmem:s3+$0x10370]  }
0x101: {  	v14 =	vld [tilespmem:s3+$0x10380]  }
0x102: {  	v15 =	vld [tilespmem:s3+$0x10390]  }
0x103: {  	v5 =	vld [tilespmem:s3+$0x103A0]  }
0x104: {  	v4 =	vld [tilespmem:s3+$0x103B0]  }
0x105: {  	v3 =	vld [tilespmem:s3+$0x103C0]  }
0x106: {  	v2 =	vld [tilespmem:s3+$0x103D0]  }
0x107: {  	v1 =	vld [tilespmem:s3+$0x103E0]  }
0x108: {  	v0 =	vld [tilespmem:s3+$0x103F0]  }
0x109: {  	v16 =	vld [tilespmem:s3+$0x14300]  }
0x10a: {  	v17 =	vld [tilespmem:s3+$0x14310]  }
0x10b: {  	v18 =	vld [tilespmem:s3+$0x14320]  }
0x10c: {  	v19 =	vld [tilespmem:s3+$0x14330]  }
0x10d: {  	v20 =	vld [tilespmem:s3+$0x14340]  }
0x10e: {  	v60 =	vld [tilespmem:s3+$0x14350];
	v6 =	vadd.f32 v16, v6  }
0x10f: {  	v21 =	vld [tilespmem:s3+$0x14360];
	v7 =	vadd.f32 v17, v7  }
0x110: {  	v61 =	vld [tilespmem:s3+$0x14370];
	[tilespmem:s3+$0x14300] =	vst v6;
	v6 =	vadd.f32 v18, v8  }
0x111: {  	v62 =	vld [tilespmem:s3+$0x14380];
	[tilespmem:s3+$0x14310] =	vst v7;
	v7 =	vadd.f32 v19, v9  }
0x112: {  	v63 =	vld [tilespmem:s3+$0x14390];
	[tilespmem:s3+$0x14320] =	vst v6;
	v6 =	vadd.f32 v20, v10  }
0x113: {  	v8 =	vadd.f32 v60, v11;
	[tilespmem:s3+$0x14330] =	vst v7;
	v7 =	vld [tilespmem:s3+$0x143A0]  }
0x114: {  	v9 =	vadd.f32 v21, v12;
	[tilespmem:s3+$0x14340] =	vst v6;
	v6 =	vld [tilespmem:s3+$0x143B0]  }
0x115: {  	[tilespmem:s3+$0x14350] =	vst v8;
	v8 =	vld [tilespmem:s3+$0x143C0];
	v10 =	vadd.f32 v61, v13  }
0x116: {  	v12 =	vadd.f32 v62, v14;
	[tilespmem:s3+$0x14360] =	vst v9;
	v9 =	vld [tilespmem:s3+$0x143D0]  }
0x117: {  	s0 =	simm.s32 $0x400;
	v11 =	vadd.f32 v63, v15;
	[tilespmem:s3+$0x14370] =	vst v10;
	v10 =	vld [tilespmem:s3+$0x143E0]  }
.LBB2_12:
0x118: {  	s14 =	sshra.s32 s0, $0x2;
	p0 =	sne.s32 s0, $0xFC00;
	[tilespmem:s3+$0x14380] =	vst v12;
	v5 =	vadd.f32 v7, v5;
	v7 =	vld [tilespmem:s3+$0x143F0]  }
0x119: {  	v12 =	vld [tilespmem:s14+$0x10300];
	[tilespmem:s3+$0x14390] =	vst v11;
	v4 =	vadd.f32 v6, v4  }
0x11a: {  	v6 =	vld [tilespmem:s14+$0x10310];
	[tilespmem:s3+$0x143A0] =	vst v5;
	v3 =	vadd.f32 v8, v3  }
0x11b: {  	v8 =	vld [tilespmem:s14+$0x10320];
	[tilespmem:s3+$0x143B0] =	vst v4;
	v2 =	vadd.f32 v9, v2  }
0x11c: {  	v9 =	vld [tilespmem:s14+$0x10330];
	[tilespmem:s3+$0x143C0] =	vst v3;
	v1 =	vadd.f32 v10, v1  }
0x11d: {  	v10 =	vld [tilespmem:s14+$0x10340];
	[tilespmem:s3+$0x143D0] =	vst v2;
	v0 =	vadd.f32 v7, v0  }
0x11e: {  	v7 =	vld [tilespmem:s14+$0x10350];
	[tilespmem:s3+$0x143E0] =	vst v1  }
0x11f: {  	v11 =	vld [tilespmem:s14+$0x10360];
	[tilespmem:s3+$0x143F0] =	vst v0;
	s3 =	smov.u32 s14  }
0x120: {  	v13 =	vld [tilespmem:s3+$0x10370]  }
0x121: {  	v14 =	vld [tilespmem:s3+$0x10380]  }
0x122: {  	v15 =	vld [tilespmem:s3+$0x10390]  }
0x123: {  	v5 =	vld [tilespmem:s3+$0x103A0]  }
0x124: {  	v4 =	vld [tilespmem:s3+$0x103B0]  }
0x125: {  	v3 =	vld [tilespmem:s3+$0x103C0]  }
0x126: {  	v2 =	vld [tilespmem:s3+$0x103D0]  }
0x127: {  	v1 =	vld [tilespmem:s3+$0x103E0]  }
0x128: {  	v0 =	vld [tilespmem:s3+$0x103F0]  }
0x129: {  	v16 =	vld [tilespmem:s3+$0x14300]  }
0x12a: {  	v17 =	vld [tilespmem:s3+$0x14310]  }
0x12b: {  	v18 =	vld [tilespmem:s3+$0x14320]  }
0x12c: {  	v19 =	vld [tilespmem:s3+$0x14330]  }
0x12d: {  	v20 =	vld [tilespmem:s3+$0x14340]  }
0x12e: {  	v12 =	vadd.f32 v16, v12;
	v16 =	vld [tilespmem:s3+$0x14350]  }
0x12f: {  	v6 =	vadd.f32 v17, v6;
	v17 =	vld [tilespmem:s3+$0x14360]  }
0x130: {  	[tilespmem:s3+$0x14300] =	vst v12;
	v8 =	vadd.f32 v18, v8;
	v12 =	vld [tilespmem:s3+$0x14370]  }
0x131: {  	[tilespmem:s3+$0x14310] =	vst v6;
	v6 =	vadd.f32 v19, v9;
	v9 =	vld [tilespmem:s3+$0x14380]  }
0x132: {  	[tilespmem:s3+$0x14320] =	vst v8;
	v8 =	vadd.f32 v20, v10;
	v10 =	vld [tilespmem:s3+$0x14390]  }
.Ltmp9:
0x133: {  	[tilespmem:s3+$0x14330] =	vst v6;
	v16 =	vadd.f32 v16, v7;
	v7 =	vld [tilespmem:s3+$0x143A0];
	(pc) =	sbr.rel @p0 .LBB2_12-.Ltmp9, $4  }
0x134: {  	[tilespmem:s3+$0x14340] =	vst v8;
	v11 =	vadd.f32 v17, v11;
	v6 =	vld [tilespmem:s3+$0x143B0]  }
0x135: {  	[tilespmem:s3+$0x14350] =	vst v16;
	v13 =	vadd.f32 v12, v13;
	v8 =	vld [tilespmem:s3+$0x143C0]  }
0x136: {  	[tilespmem:s3+$0x14360] =	vst v11;
	v12 =	vadd.f32 v9, v14;
	v9 =	vld [tilespmem:s3+$0x143D0]  }
0x137: {  	s0 =	sadd.s32 $0x400, s0;
	[tilespmem:s3+$0x14370] =	vst v13;
	v11 =	vadd.f32 v10, v15;
	v10 =	vld [tilespmem:s3+$0x143E0]  }
0x138: {  	[tilespmem:s3+$0x14380] =	vst v12;
	v5 =	vadd.f32 v7, v5;
	v63 =	vld [tilespmem:s3+$0x143F0]  }
0x139: {  	[tilespmem:s3+$0x14390] =	vst v11;
	v4 =	vadd.f32 v6, v4  }
0x13a: {  	[tilespmem:s3+$0x143A0] =	vst v5;
	v3 =	vadd.f32 v8, v3  }
0x13b: {  	[tilespmem:s3+$0x143B0] =	vst v4;
	v2 =	vadd.f32 v9, v2  }
0x13c: {  	s0 =	sadd.s32 s7, s31;
	[tilespmem:s3+$0x143C0] =	vst v3;
	v1 =	vadd.f32 v10, v1  }
0x13d: {  	s0 =	sshll.u32 s0, $0xB;
	[tilespmem:s3+$0x143D0] =	vst v2;
	v0 =	vadd.f32 v63, v0  }
0x13e: {  	s0 =	sand.u32 $0x1FFFF800, s0;
	[tilespmem:s3+$0x143E0] =	vst v1  }
0x13f: {  	s0 =	sadd.s32 s6, s0;
	[tilespmem:s3+$0x143F0] =	vst v0  }
0x140: {  	[hbm4b:s0+s5] =	stream.linear.scatter [tilespmem:s23], [sflag:$0x6], $0x4000, $0x38;
	[tilespmem:$0x18300] =	vst v63  }
0x141: {  	s0 =	sadd.s32 $0x4, s30  }
0x142: {  	p0 =	sge.u32 s0, s8  }
0x143: {  	s3 =	simm.s32 @!p0 $0x5;
	s0 =	sadd.s32 @!p0 s7, s0  }
0x144: {  	_ =	swait.ge @!p0 [sflag:s3], $0x4000;
	s0 =	sshll.u32 @!p0 s0, $0x5  }
0x145: {  	s14 =	simm.s32 @!p0 $0x100;
	[sflag:s3] =	ssyncset.done @!p0 $0x0;
	s0 =	sand.u32 @!p0 $0x1FFFFFE0, s0  }
0x146: {  	[sflag:s3] =	ssyncadd.s32 @!p0 $0xFFFFC000;
	s0 =	sadd.s32 @!p0 s4, s0;
	s3 =	simm.s32 @!p0 $0x0  }
0x147: {  	[tilespmem:s14], [sflag:$0x7] =	stream.linear.gather @!p0 [hbm4b:s0+s3], $0x100, $0x38;
	[tilespmem:$0x18300] =	vst v63  }
0x148: {  	s0 =	simm.s32 @!p0 $0x7  }
0x149: {  	_ =	swait.ge @!p0 [sflag:s0], $0x100  }
.Ltmp10:
0x14a: {  	s30 =	simm.s32 @!p0 $0x8300;
	[sflag:s0] =	ssyncset.done @!p0 $0x0;
	(pc) =	sbr.rel .LBB2_14-.Ltmp10, $4  }
0x14b: {  	s3 =	simm.s32 @!p0 $0x180;
	[sflag:s0] =	ssyncadd.s32 @!p0 $0xFFFFFF00;
	s0 =	simm.s32 @!p0 $0x80  }
0x14c: {  	[tilespmem:s30], [sflag:$0x2] =	stream.indirect.gather @!p0 [hbm4b:s1+s0], $0x80, s3, s0, $0xb8;
	[tilespmem:$0x18300] =	vst v63  }
0x14d: {  	s3 =	simm.s32 @!p0 $0xC300  }
0x14e: {  	[tilespmem:s3], [sflag:$0x2] =	stream.indirect.gather @!p0 [hbm4b:s2+s0], $0x80, s14, s0, $0xb8;
	[tilespmem:$0x18300] =	vst v63  }
.LBB2_16:
0x14f: {  	_ =	sfence.sel $0x180000  }
0x150: {  	[bflag:$0x0] =	sbarrier.arrive $0xFFFF  }
0x151: {  	_ =	strace $0x90000047  }
0x152: {  	s0 =	stileid.u32;
	[bflag:$0x2] =	sbarrier.arrive $0xFFFF  }
0x153: {  	p0 =	sne.s32 s0, $0x0;
	s0 =	rddreg [dreg:$0x4]  }
0x154: {  	s0 =	sadd.s32 @!p0 $0x100000, s0  }
0x155: {  	[sflag:s0] =	ssyncadd.tile.s32 @!p0 $0x1;
	_ =	shalt  }
.Lfunc_end2:
_tile_overlayer_lowered:
.L_overlay_start_2:
0x156: {  	(tag) =	ssettag $0x2  }
0x157: {  	s0 =	rddreg [dreg:$0x0];
	s2 =	stileid.u32  }
0x158: {  	s1 =	rddreg [dreg:$0x1];
	p0 =	sne.s32 s2, $0x0  }
0x159: {  	s3 =	rddreg [dreg:$0x2];
	[bflag:$0x3] =	sbarrier.arrive $0xFFFF;
	s2 =	simm.s32 @!p0 $0x1C07  }
0x15a: {  	[timem:s3], [sflag:s2] =	dma.local @!p0 [hbm:s0], s1  }
0x15b: {  	s0 =	simm.s32 @!p0 $0x7  }
0x15c: {  	_ =	swait.ge @!p0 [sflag:s0], s1  }
0x15d: {  	s1 =	ssub.s32 @!p0 $0x0, s1;
	[sflag:s0] =	ssyncset.done @!p0 $0x0  }
0x15e: {  	[sflag:s0] =	ssyncadd.s32 @!p0 s1  }
0x15f: {  	[bflag:$0x3] =	sbarrier.arrive $0xFFFF  }
0x160: {  	_ =	shalt  }

</sc_bundles>
